<compile_context>
chip_gen: v7x
topology: tpu7x:2x2x1
jax: 0.10.2.dev20260603
libtpu: 0.0.44.dev20260713+nightly
codegen_flags: <defaults>
</compile_context>

<pallas_src>
import functools

import jax
import jax.numpy as jnp
from jax import lax
from jax.experimental import pallas as pl
from jax.experimental.pallas import tpu as pltpu
from jax.experimental.pallas import tpu_sc as plsc

N0, N1, N2 = 50000, 10000, 4096
E1, E2 = 320000, 131072
D = 128
CW = 16
NC, NS = 2, 16


def _make_sc_agg(E, NP, C, S):
    EW = E // (NC * NS)
    n_chunks = EW // C
    assert n_chunks * C == EW
    n_rounds = n_chunks // S
    assert n_rounds * S == n_chunks and n_rounds >= 2
    RPT = NP // NS
    assert RPT * NS == NP and RPT % 8 == 0
    mesh = plsc.VectorSubcoreMesh(core_axis_name="c", subcore_axis_name="s",
                                  num_cores=NC, num_subcores=NS)

    @functools.partial(
        pl.kernel,
        out_type=jax.ShapeDtypeStruct((NC, NP, D), jnp.float32),
        mesh=mesh,
        scratch_types=(
            [pltpu.VMEM((S, C, D), jnp.float32),
             pltpu.VMEM((EW,), jnp.int32),
             pltpu.VMEM((EW,), jnp.int32),
             pltpu.VMEM_SHARED((NP, D), jnp.float32)]
            + [pltpu.SemaphoreType.DMA] * (2 * S)
        ),
    )
    def agg_kernel(table, src, dst, zeros, out, bufs, idxs_v, idxd_v,
                   acc_sh, *sems):
        gsem = sems[:S]
        ssem = sems[S:]
        cid = lax.axis_index("c")
        sid = lax.axis_index("s")
        base = (cid * NS + sid) * EW
        pltpu.sync_copy(src.at[pl.ds(base, EW)], idxs_v)
        pltpu.sync_copy(dst.at[pl.ds(base, EW)], idxd_v)
        pltpu.sync_copy(zeros.at[pl.ds(sid * RPT, RPT)],
                        acc_sh.at[pl.ds(sid * RPT, RPT)])
        plsc.subcore_barrier()

        def gather(c, s):
            return pltpu.async_copy(table.at[idxs_v.at[pl.ds(c * C, C)]],
                                    bufs.at[s], gsem[s])

        def scatter(c, s):
            return pltpu.async_copy(bufs.at[s],
                                    acc_sh.at[idxd_v.at[pl.ds(c * C, C)]],
                                    ssem[s], add=True)

        for s in range(S):
            gather(s, s)

        def round_body(r, carry):
            for s in range(S):
                c = r * S + s
                pltpu.make_async_copy(table.at[idxs_v.at[pl.ds(c * C, C)]],
                                      bufs.at[s], gsem[s]).wait()
                scatter(c, s)
                pltpu.make_async_copy(bufs.at[s],
                                      acc_sh.at[idxd_v.at[pl.ds(c * C, C)]],
                                      ssem[s]).wait()

                @pl.when(r < n_rounds - 1)
                def _():
                    gather(c + S, s)
            return carry

        lax.fori_loop(0, n_rounds, round_body, 0)
        plsc.subcore_barrier()
        pltpu.sync_copy(acc_sh.at[pl.ds(sid * RPT, RPT)],
                        out.at[cid, pl.ds(sid * RPT, RPT)])

    return agg_kernel


def _make_sc_cnt(E, NP, C, S):
    EW = E // (NC * NS)
    n_chunks = EW // C
    assert n_chunks * C == EW
    RPT = NP // NS
    assert RPT * NS == NP and RPT % 8 == 0
    mesh = plsc.VectorSubcoreMesh(core_axis_name="c", subcore_axis_name="s",
                                  num_cores=NC, num_subcores=NS)

    @functools.partial(
        pl.kernel,
        out_type=jax.ShapeDtypeStruct((NC, NP, CW), jnp.float32),
        mesh=mesh,
        scratch_types=[
            pltpu.VMEM((n_chunks, C), jnp.int32),
            pltpu.VMEM((C, CW), jnp.float32),
            pltpu.VMEM_SHARED((NP, CW), jnp.float32),
            pltpu.SemaphoreType.DMA,
        ],
        compiler_params=pltpu.CompilerParams(use_tc_tiling_on_sc=False),
    )
    def cnt_kernel(dstR, ones, zeros, out, idxd_v, ones_v, acc_sh, ssem):
        cid = lax.axis_index("c")
        sid = lax.axis_index("s")
        w = cid * NS + sid
        pltpu.sync_copy(zeros.at[pl.ds(sid * RPT, RPT)],
                        acc_sh.at[pl.ds(sid * RPT, RPT)])
        pltpu.sync_copy(dstR.at[pl.ds(w * n_chunks, n_chunks)], idxd_v)
        pltpu.sync_copy(ones, ones_v)
        plsc.subcore_barrier()

        def scatter(c):
            return pltpu.async_copy(ones_v, acc_sh.at[idxd_v.at[c]], ssem,
                                    add=True)

        for c in range(S):
            scatter(c)

        def body(c, carry):
            pltpu.make_async_copy(ones_v, acc_sh.at[idxd_v.at[c]],
                                  ssem).wait()
            scatter(c + S)
            return carry

        lax.fori_loop(0, n_chunks - S, body, 0)
        for c in range(S):
            pltpu.make_async_copy(ones_v, acc_sh.at[idxd_v.at[0]],
                                  ssem).wait()
        plsc.subcore_barrier()
        pltpu.sync_copy(acc_sh.at[pl.ds(sid * RPT, RPT)],
                        out.at[cid, pl.ds(sid * RPT, RPT)])

    return cnt_kernel


def _dense(parts, cnts, xdst, wlT, wrT, b, relu, BR, N):
    assert N % BR == 0

    def body(p_ref, c_ref, xd_ref, wl_ref, wr_ref, b_ref, o_ref):
        agg = p_ref[0] + p_ref[1]
        cnt = jnp.maximum(c_ref[0, :, 0:1] + c_ref[1, :, 0:1], 1.0)
        mean = agg / cnt
        h = jnp.dot(mean, wl_ref[...], preferred_element_type=jnp.float32)
        h = h + jnp.dot(xd_ref[...], wr_ref[...],
                        preferred_element_type=jnp.float32)
        h = h + b_ref[...]
        if relu:
            h = jnp.maximum(h, 0.0)
        o_ref[...] = h

    return pl.pallas_call(
        body,
        grid=(N // BR,),
        in_specs=[
            pl.BlockSpec((NC, BR, D), lambda i: (0, i, 0)),
            pl.BlockSpec((NC, BR, CW), lambda i: (0, i, 0)),
            pl.BlockSpec((BR, D), lambda i: (i, 0)),
            pl.BlockSpec((D, D), lambda i: (0, 0)),
            pl.BlockSpec((D, D), lambda i: (0, 0)),
            pl.BlockSpec((1, D), lambda i: (0, 0)),
        ],
        out_specs=pl.BlockSpec((BR, D), lambda i: (i, 0)),
        out_shape=jax.ShapeDtypeStruct((N, D), jnp.float32),
    )(parts, cnts, xdst, wlT, wrT, b)


def kernel(x, edge_index1, edge_index2, W_l1, b_l1, W_r1, W_l2, b_l2, W_r2):
    src1 = edge_index1[0].astype(jnp.int32)
    dst1 = edge_index1[1].astype(jnp.int32)
    src2 = edge_index2[0].astype(jnp.int32)
    dst2 = edge_index2[1].astype(jnp.int32)

    N1P = 10112
    z1 = jnp.zeros((N1P, D), jnp.float32)
    z2 = jnp.zeros((N2, D), jnp.float32)
    zc1 = jnp.zeros((N1P, CW), jnp.float32)
    zc2 = jnp.zeros((N2, CW), jnp.float32)
    ones1 = jnp.ones((40, CW), jnp.float32)
    ones2 = jnp.ones((64, CW), jnp.float32)

    parts1 = _make_sc_agg(E1, N1P, 40, 5)(x, src1, dst1, z1)
    cnts1 = _make_sc_cnt(E1, N1P, 40, 8)(dst1.reshape(-1, 40), ones1, zc1)
    he = _dense(parts1, cnts1, x, W_l1.T, W_r1.T, b_l1[None, :],
                relu=True, BR=2000, N=N1)
    parts2 = _make_sc_agg(E2, N2, 64, 8)(he, src2, dst2, z2)
    cnts2 = _make_sc_cnt(E2, N2, 64, 8)(dst2.reshape(-1, 64), ones2, zc2)
    h2 = _dense(parts2, cnts2, he, W_l2.T, W_r2.T, b_l2[None, :],
                relu=False, BR=2048, N=N2)
    return (h2, h2, he)

# --- scband reference (transcript-rebuilt; emitter-appended) ---
"""Pipeline reference for scband-sage-60292750902065 (READ-ONLY COPY).

The authoritative reference and input builder live on the scoring server;
editing this copy changes nothing except your own understanding.
"""

import jax, jax.numpy as jnp
import numpy as np

N0, N1, N2 = 50000, 10000, 4096
E1, E2 = 320000, 131072
D = 128


def setup_inputs(seed: int = 0) -> dict:
    key = jax.random.key(seed)
    ks = jax.random.split(key, 12)
    x = jax.random.normal(ks[0], (N0, D), dtype=jnp.float32)
    # bipartite edge_index per layer: row 0 = source node idx, row 1 = target node idx
    edge_index1 = jnp.stack([
        jax.random.randint(ks[1], (E1,), 0, N0),
        jax.random.randint(ks[2], (E1,), 0, N1),
    ]).astype(jnp.int64)
    edge_index2 = jnp.stack([
        jax.random.randint(ks[3], (E2,), 0, N1),
        jax.random.randint(ks[4], (E2,), 0, N2),
    ]).astype(jnp.int64)
    s = 1.0 / np.sqrt(D)
    W_l1 = jax.random.uniform(ks[5], (D, D), minval=-s, maxval=s, dtype=jnp.float32)
    b_l1 = jnp.zeros((D,), dtype=jnp.float32)
    W_r1 = jax.random.uniform(ks[6], (D, D), minval=-s, maxval=s, dtype=jnp.float32)
    W_l2 = jax.random.uniform(ks[7], (D, D), minval=-s, maxval=s, dtype=jnp.float32)
    b_l2 = jnp.zeros((D,), dtype=jnp.float32)
    W_r2 = jax.random.uniform(ks[8], (D, D), minval=-s, maxval=s, dtype=jnp.float32)
    return {
        "x": x,
        "edge_index1": edge_index1,
        "edge_index2": edge_index2,
        "W_l1": W_l1, "b_l1": b_l1, "W_r1": W_r1,
        "W_l2": W_l2, "b_l2": b_l2, "W_r2": W_r2,
    }


def _sage_conv(x_src, x_dst, edge_index, Wl, bl, Wr):
    # PyG SAGEConv (mean aggr, root_weight=True):
    # out = lin_l(mean_{j in N(i)} x_src[j]) + lin_r(x_dst[i])
    src = edge_index[0]
    dst = edge_index[1]
    n_t = x_dst.shape[0]
    msgs = jnp.take(x_src, src, axis=0)                      # gather
    agg = jax.ops.segment_sum(msgs, dst, num_segments=n_t)   # scatter-add
    cnt = jax.ops.segment_sum(jnp.ones((src.shape[0],), x_src.dtype), dst, num_segments=n_t)
    mean = agg / jnp.clip(cnt, 1.0, None)[:, None]
    return mean @ Wl.T + bl + x_dst @ Wr.T


def reference(x, edge_index1, edge_index2, W_l1, b_l1, W_r1, W_l2, b_l2, W_r2):
    # layer 0 (not last): conv -> relu (dropout is identity in eval)
    x_target = x[:N1]
    h = _sage_conv(x, x_target, edge_index1, W_l1, b_l1, W_r1)
    h = jax.nn.relu(h)
    # layer 1 (last): out = input to last conv
    out = h
    x_target2 = h[:N2]
    h2 = _sage_conv(h, x_target2, edge_index2, W_l2, b_l2, W_r2)
    return (h2, h2, out)

if __name__ == "__main__":
    import jax
    _d = setup_inputs()
    print(jax.jit(kernel)(*tuple(_d.values())))

</pallas_src>

<mosaic_0001>
#map = affine_map<(d0, d1) -> (0, 0)>
#map1 = affine_map<(d0, d1) -> (0)>
#map2 = affine_map<(d0, d1) -> (0, 0, 0)>
module attributes {stable_mosaic.version = 14 : i64} {
  func.func @agg_kernel(%arg0: i32, %arg1: i32, %arg2: memref<10000x128xf32, #tpu.memory_space<hbm>>, %arg3: memref<131072xi32, #tpu.memory_space<hbm>>, %arg4: memref<131072xi32, #tpu.memory_space<hbm>>, %arg5: memref<4096x128xf32, #tpu.memory_space<hbm>>, %arg6: memref<2x4096x128xf32, #tpu.memory_space<hbm>>, %arg7: memref<8x64x128xf32, #tpu.memory_space<vmem>>, %arg8: memref<4096xi32, #tpu.memory_space<vmem>>, %arg9: memref<4096xi32, #tpu.memory_space<vmem>>, %arg10: memref<4096x128xf32, #tpu.memory_space<vmem_shared>>, %arg11: memref<!tpu.dma_semaphore, #tpu.memory_space<semaphore_mem>>, %arg12: memref<!tpu.dma_semaphore, #tpu.memory_space<semaphore_mem>>, %arg13: memref<!tpu.dma_semaphore, #tpu.memory_space<semaphore_mem>>, %arg14: memref<!tpu.dma_semaphore, #tpu.memory_space<semaphore_mem>>, %arg15: memref<!tpu.dma_semaphore, #tpu.memory_space<semaphore_mem>>, %arg16: memref<!tpu.dma_semaphore, #tpu.memory_space<semaphore_mem>>, %arg17: memref<!tpu.dma_semaphore, #tpu.memory_space<semaphore_mem>>, %arg18: memref<!tpu.dma_semaphore, #tpu.memory_space<semaphore_mem>>, %arg19: memref<!tpu.dma_semaphore, #tpu.memory_space<semaphore_mem>>, %arg20: memref<!tpu.dma_semaphore, #tpu.memory_space<semaphore_mem>>, %arg21: memref<!tpu.dma_semaphore, #tpu.memory_space<semaphore_mem>>, %arg22: memref<!tpu.dma_semaphore, #tpu.memory_space<semaphore_mem>>, %arg23: memref<!tpu.dma_semaphore, #tpu.memory_space<semaphore_mem>>, %arg24: memref<!tpu.dma_semaphore, #tpu.memory_space<semaphore_mem>>, %arg25: memref<!tpu.dma_semaphore, #tpu.memory_space<semaphore_mem>>, %arg26: memref<!tpu.dma_semaphore, #tpu.memory_space<semaphore_mem>>) attributes {dimension_semantics = [#tpu.dimension_semantics<core_parallel>, #tpu.dimension_semantics<subcore_parallel>], iteration_bounds = array<i64: 2, 16>, scalar_prefetch = 0 : i64, scratch_operands = 20 : i64, tpu.core_type = #tpu.core_type<sc_vector_subcore>, window_params = [{transform_indices = #map}, {transform_indices = #map1}, {transform_indices = #map1}, {transform_indices = #map}, {transform_indices = #map2}]} {
    %mul3A = arith.constant 16 : i32
    %mul3A_0 = arith.muli %arg0, %mul3A : i32
    %add3A = arith.addi %mul3A_0, %arg1 : i32
    %mul3A_1 = arith.constant 4096 : i32
    %mul3A_2 = arith.muli %add3A, %mul3A_1 : i32
    "tpu.region"() ({
      %run_scoped3A = tpu.sem_alloc : memref<!tpu.dma_semaphore, #tpu.memory_space<semaphore_mem>>
      %dma_start3A_96 = tpu.memref_slice %arg3[%mul3A_2] : memref<131072xi32, #tpu.memory_space<hbm>> -> memref<4096xi32, #tpu.memory_space<hbm>>
      %dma_start3A_97 = tpu.memref_slice %arg3[%mul3A_2] : memref<131072xi32, #tpu.memory_space<hbm>> -> memref<4096xi32, #tpu.memory_space<hbm>>
      tpu.enqueue_dma source(%dma_start3A_97 : memref<4096xi32, #tpu.memory_space<hbm>>) target(%arg8 : memref<4096xi32, #tpu.memory_space<vmem>>) target_semaphore(%run_scoped3A : memref<!tpu.dma_semaphore, #tpu.memory_space<semaphore_mem>>)
      %dma_wait3A = tpu.memref_slice %arg3[%mul3A_2] : memref<131072xi32, #tpu.memory_space<hbm>> -> memref<4096xi32, #tpu.memory_space<hbm>>
      %dma_wait3A_98 = tpu.memref_slice %arg3[%mul3A_2] : memref<131072xi32, #tpu.memory_space<hbm>> -> memref<4096xi32, #tpu.memory_space<hbm>>
      tpu.wait_dma2 semaphore(%run_scoped3A : memref<!tpu.dma_semaphore, #tpu.memory_space<semaphore_mem>>) src(%dma_wait3A_98 : memref<4096xi32, #tpu.memory_space<hbm>>) dst(%arg8 : memref<4096xi32, #tpu.memory_space<vmem>>)
      tpu.yield
    }) : () -> ()
    "tpu.region"() ({
      %run_scoped3A = tpu.sem_alloc : memref<!tpu.dma_semaphore, #tpu.memory_space<semaphore_mem>>
      %dma_start3A_96 = tpu.memref_slice %arg4[%mul3A_2] : memref<131072xi32, #tpu.memory_space<hbm>> -> memref<4096xi32, #tpu.memory_space<hbm>>
      %dma_start3A_97 = tpu.memref_slice %arg4[%mul3A_2] : memref<131072xi32, #tpu.memory_space<hbm>> -> memref<4096xi32, #tpu.memory_space<hbm>>
      tpu.enqueue_dma source(%dma_start3A_97 : memref<4096xi32, #tpu.memory_space<hbm>>) target(%arg9 : memref<4096xi32, #tpu.memory_space<vmem>>) target_semaphore(%run_scoped3A : memref<!tpu.dma_semaphore, #tpu.memory_space<semaphore_mem>>)
      %dma_wait3A = tpu.memref_slice %arg4[%mul3A_2] : memref<131072xi32, #tpu.memory_space<hbm>> -> memref<4096xi32, #tpu.memory_space<hbm>>
      %dma_wait3A_98 = tpu.memref_slice %arg4[%mul3A_2] : memref<131072xi32, #tpu.memory_space<hbm>> -> memref<4096xi32, #tpu.memory_space<hbm>>
      tpu.wait_dma2 semaphore(%run_scoped3A : memref<!tpu.dma_semaphore, #tpu.memory_space<semaphore_mem>>) src(%dma_wait3A_98 : memref<4096xi32, #tpu.memory_space<hbm>>) dst(%arg9 : memref<4096xi32, #tpu.memory_space<vmem>>)
      tpu.yield
    }) : () -> ()
    %mul3A_3 = arith.constant 256 : i32
    %mul3A_4 = arith.muli %arg1, %mul3A_3 : i32
    %mul3A_5 = arith.constant 256 : i32
    %mul3A_6 = arith.muli %arg1, %mul3A_5 : i32
    "tpu.region"() ({
      %run_scoped3A = tpu.sem_alloc : memref<!tpu.dma_semaphore, #tpu.memory_space<semaphore_mem>>
      %dma_start3A_96 = arith.constant 0 : i32
      %dma_start3A_97 = tpu.memref_slice %arg10[%mul3A_6, %dma_start3A_96] : memref<4096x128xf32, #tpu.memory_space<vmem_shared>> -> memref<256x128xf32, #tpu.memory_space<vmem_shared>>
      %dma_start3A_98 = arith.constant 0 : i32
      %dma_start3A_99 = tpu.memref_slice %arg5[%mul3A_4, %dma_start3A_98] : memref<4096x128xf32, #tpu.memory_space<hbm>> -> memref<256x128xf32, #tpu.memory_space<hbm>>
      tpu.enqueue_dma source(%dma_start3A_99 : memref<256x128xf32, #tpu.memory_space<hbm>>) target(%dma_start3A_97 : memref<256x128xf32, #tpu.memory_space<vmem_shared>>) target_semaphore(%run_scoped3A : memref<!tpu.dma_semaphore, #tpu.memory_space<semaphore_mem>>)
      %dma_wait3A = arith.constant 0 : i32
      %dma_wait3A_100 = tpu.memref_slice %arg10[%mul3A_6, %dma_wait3A] : memref<4096x128xf32, #tpu.memory_space<vmem_shared>> -> memref<256x128xf32, #tpu.memory_space<vmem_shared>>
      %dma_wait3A_101 = arith.constant 0 : i32
      %dma_wait3A_102 = tpu.memref_slice %arg5[%mul3A_4, %dma_wait3A_101] : memref<4096x128xf32, #tpu.memory_space<hbm>> -> memref<256x128xf32, #tpu.memory_space<hbm>>
      tpu.wait_dma2 semaphore(%run_scoped3A : memref<!tpu.dma_semaphore, #tpu.memory_space<semaphore_mem>>) src(%dma_wait3A_102 : memref<256x128xf32, #tpu.memory_space<hbm>>) dst(%dma_wait3A_100 : memref<256x128xf32, #tpu.memory_space<vmem_shared>>)
      tpu.yield
    }) : () -> ()
    %barrier3A = arith.constant 0 : index
    tpu.barrier barrier_id(%barrier3A)
    %dma_start3A = arith.constant 0 : i32
    %dma_start3A_7 = arith.constant 0 : i32
    %dma_start3A_8 = arith.constant 0 : i32
    %dma_start3A_9 = tpu.memref_slice %arg7[%dma_start3A, %dma_start3A_7, %dma_start3A_8] : memref<8x64x128xf32, #tpu.memory_space<vmem>> -> memref<1x64x128xf32, #tpu.memory_space<vmem>>
    %dma_start3A_10 = tpu.memref_squeeze %dma_start3A_9 : memref<1x64x128xf32, #tpu.memory_space<vmem>> -> memref<64x128xf32, #tpu.memory_space<vmem>>
    %dma_start3A_11 = arith.constant 0 : i32
    %dma_start3A_12 = tpu.memref_slice %arg8[%dma_start3A_11] : memref<4096xi32, #tpu.memory_space<vmem>> -> memref<64xi32, #tpu.memory_space<vmem>>
    %dma_start3A_13 = arith.constant 0 : i32
    %dma_start3A_14 = arith.constant 0 : i32
    %dma_start3A_15 = tpu.memref_slice %arg2[%dma_start3A_13, %dma_start3A_14] : memref<10000x128xf32, #tpu.memory_space<hbm>> -> memref<10000x128xf32, #tpu.memory_space<hbm>>
    tpu.enqueue_indirect_dma source(%dma_start3A_15 : memref<10000x128xf32, #tpu.memory_space<hbm>>) target(%dma_start3A_10 : memref<64x128xf32, #tpu.memory_space<vmem>>) offsets(%dma_start3A_12 : memref<64xi32, #tpu.memory_space<vmem>>) semaphore(%arg11 : memref<!tpu.dma_semaphore, #tpu.memory_space<semaphore_mem>>)
    %dma_start3A_16 = arith.constant 1 : i32
    %dma_start3A_17 = arith.constant 0 : i32
    %dma_start3A_18 = arith.constant 0 : i32
    %dma_start3A_19 = tpu.memref_slice %arg7[%dma_start3A_16, %dma_start3A_17, %dma_start3A_18] : memref<8x64x128xf32, #tpu.memory_space<vmem>> -> memref<1x64x128xf32, #tpu.memory_space<vmem>>
    %dma_start3A_20 = tpu.memref_squeeze %dma_start3A_19 : memref<1x64x128xf32, #tpu.memory_space<vmem>> -> memref<64x128xf32, #tpu.memory_space<vmem>>
    %dma_start3A_21 = arith.constant 64 : i32
    %dma_start3A_22 = tpu.memref_slice %arg8[%dma_start3A_21] : memref<4096xi32, #tpu.memory_space<vmem>> -> memref<64xi32, #tpu.memory_space<vmem>>
    %dma_start3A_23 = arith.constant 0 : i32
    %dma_start3A_24 = arith.constant 0 : i32
    %dma_start3A_25 = tpu.memref_slice %arg2[%dma_start3A_23, %dma_start3A_24] : memref<10000x128xf32, #tpu.memory_space<hbm>> -> memref<10000x128xf32, #tpu.memory_space<hbm>>
    tpu.enqueue_indirect_dma source(%dma_start3A_25 : memref<10000x128xf32, #tpu.memory_space<hbm>>) target(%dma_start3A_20 : memref<64x128xf32, #tpu.memory_space<vmem>>) offsets(%dma_start3A_22 : memref<64xi32, #tpu.memory_space<vmem>>) semaphore(%arg12 : memref<!tpu.dma_semaphore, #tpu.memory_space<semaphore_mem>>)
    %dma_start3A_26 = arith.constant 2 : i32
    %dma_start3A_27 = arith.constant 0 : i32
    %dma_start3A_28 = arith.constant 0 : i32
    %dma_start3A_29 = tpu.memref_slice %arg7[%dma_start3A_26, %dma_start3A_27, %dma_start3A_28] : memref<8x64x128xf32, #tpu.memory_space<vmem>> -> memref<1x64x128xf32, #tpu.memory_space<vmem>>
    %dma_start3A_30 = tpu.memref_squeeze %dma_start3A_29 : memref<1x64x128xf32, #tpu.memory_space<vmem>> -> memref<64x128xf32, #tpu.memory_space<vmem>>
    %dma_start3A_31 = arith.constant 128 : i32
    %dma_start3A_32 = tpu.memref_slice %arg8[%dma_start3A_31] : memref<4096xi32, #tpu.memory_space<vmem>> -> memref<64xi32, #tpu.memory_space<vmem>>
    %dma_start3A_33 = arith.constant 0 : i32
    %dma_start3A_34 = arith.constant 0 : i32
    %dma_start3A_35 = tpu.memref_slice %arg2[%dma_start3A_33, %dma_start3A_34] : memref<10000x128xf32, #tpu.memory_space<hbm>> -> memref<10000x128xf32, #tpu.memory_space<hbm>>
    tpu.enqueue_indirect_dma source(%dma_start3A_35 : memref<10000x128xf32, #tpu.memory_space<hbm>>) target(%dma_start3A_30 : memref<64x128xf32, #tpu.memory_space<vmem>>) offsets(%dma_start3A_32 : memref<64xi32, #tpu.memory_space<vmem>>) semaphore(%arg13 : memref<!tpu.dma_semaphore, #tpu.memory_space<semaphore_mem>>)
    %dma_start3A_36 = arith.constant 3 : i32
    %dma_start3A_37 = arith.constant 0 : i32
    %dma_start3A_38 = arith.constant 0 : i32
    %dma_start3A_39 = tpu.memref_slice %arg7[%dma_start3A_36, %dma_start3A_37, %dma_start3A_38] : memref<8x64x128xf32, #tpu.memory_space<vmem>> -> memref<1x64x128xf32, #tpu.memory_space<vmem>>
    %dma_start3A_40 = tpu.memref_squeeze %dma_start3A_39 : memref<1x64x128xf32, #tpu.memory_space<vmem>> -> memref<64x128xf32, #tpu.memory_space<vmem>>
    %dma_start3A_41 = arith.constant 192 : i32
    %dma_start3A_42 = tpu.memref_slice %arg8[%dma_start3A_41] : memref<4096xi32, #tpu.memory_space<vmem>> -> memref<64xi32, #tpu.memory_space<vmem>>
    %dma_start3A_43 = arith.constant 0 : i32
    %dma_start3A_44 = arith.constant 0 : i32
    %dma_start3A_45 = tpu.memref_slice %arg2[%dma_start3A_43, %dma_start3A_44] : memref<10000x128xf32, #tpu.memory_space<hbm>> -> memref<10000x128xf32, #tpu.memory_space<hbm>>
    tpu.enqueue_indirect_dma source(%dma_start3A_45 : memref<10000x128xf32, #tpu.memory_space<hbm>>) target(%dma_start3A_40 : memref<64x128xf32, #tpu.memory_space<vmem>>) offsets(%dma_start3A_42 : memref<64xi32, #tpu.memory_space<vmem>>) semaphore(%arg14 : memref<!tpu.dma_semaphore, #tpu.memory_space<semaphore_mem>>)
    %dma_start3A_46 = arith.constant 4 : i32
    %dma_start3A_47 = arith.constant 0 : i32
    %dma_start3A_48 = arith.constant 0 : i32
    %dma_start3A_49 = tpu.memref_slice %arg7[%dma_start3A_46, %dma_start3A_47, %dma_start3A_48] : memref<8x64x128xf32, #tpu.memory_space<vmem>> -> memref<1x64x128xf32, #tpu.memory_space<vmem>>
    %dma_start3A_50 = tpu.memref_squeeze %dma_start3A_49 : memref<1x64x128xf32, #tpu.memory_space<vmem>> -> memref<64x128xf32, #tpu.memory_space<vmem>>
    %dma_start3A_51 = arith.constant 256 : i32
    %dma_start3A_52 = tpu.memref_slice %arg8[%dma_start3A_51] : memref<4096xi32, #tpu.memory_space<vmem>> -> memref<64xi32, #tpu.memory_space<vmem>>
    %dma_start3A_53 = arith.constant 0 : i32
    %dma_start3A_54 = arith.constant 0 : i32
    %dma_start3A_55 = tpu.memref_slice %arg2[%dma_start3A_53, %dma_start3A_54] : memref<10000x128xf32, #tpu.memory_space<hbm>> -> memref<10000x128xf32, #tpu.memory_space<hbm>>
    tpu.enqueue_indirect_dma source(%dma_start3A_55 : memref<10000x128xf32, #tpu.memory_space<hbm>>) target(%dma_start3A_50 : memref<64x128xf32, #tpu.memory_space<vmem>>) offsets(%dma_start3A_52 : memref<64xi32, #tpu.memory_space<vmem>>) semaphore(%arg15 : memref<!tpu.dma_semaphore, #tpu.memory_space<semaphore_mem>>)
    %dma_start3A_56 = arith.constant 5 : i32
    %dma_start3A_57 = arith.constant 0 : i32
    %dma_start3A_58 = arith.constant 0 : i32
    %dma_start3A_59 = tpu.memref_slice %arg7[%dma_start3A_56, %dma_start3A_57, %dma_start3A_58] : memref<8x64x128xf32, #tpu.memory_space<vmem>> -> memref<1x64x128xf32, #tpu.memory_space<vmem>>
    %dma_start3A_60 = tpu.memref_squeeze %dma_start3A_59 : memref<1x64x128xf32, #tpu.memory_space<vmem>> -> memref<64x128xf32, #tpu.memory_space<vmem>>
    %dma_start3A_61 = arith.constant 320 : i32
    %dma_start3A_62 = tpu.memref_slice %arg8[%dma_start3A_61] : memref<4096xi32, #tpu.memory_space<vmem>> -> memref<64xi32, #tpu.memory_space<vmem>>
    %dma_start3A_63 = arith.constant 0 : i32
    %dma_start3A_64 = arith.constant 0 : i32
    %dma_start3A_65 = tpu.memref_slice %arg2[%dma_start3A_63, %dma_start3A_64] : memref<10000x128xf32, #tpu.memory_space<hbm>> -> memref<10000x128xf32, #tpu.memory_space<hbm>>
    tpu.enqueue_indirect_dma source(%dma_start3A_65 : memref<10000x128xf32, #tpu.memory_space<hbm>>) target(%dma_start3A_60 : memref<64x128xf32, #tpu.memory_space<vmem>>) offsets(%dma_start3A_62 : memref<64xi32, #tpu.memory_space<vmem>>) semaphore(%arg16 : memref<!tpu.dma_semaphore, #tpu.memory_space<semaphore_mem>>)
    %dma_start3A_66 = arith.constant 6 : i32
    %dma_start3A_67 = arith.constant 0 : i32
    %dma_start3A_68 = arith.constant 0 : i32
    %dma_start3A_69 = tpu.memref_slice %arg7[%dma_start3A_66, %dma_start3A_67, %dma_start3A_68] : memref<8x64x128xf32, #tpu.memory_space<vmem>> -> memref<1x64x128xf32, #tpu.memory_space<vmem>>
    %dma_start3A_70 = tpu.memref_squeeze %dma_start3A_69 : memref<1x64x128xf32, #tpu.memory_space<vmem>> -> memref<64x128xf32, #tpu.memory_space<vmem>>
    %dma_start3A_71 = arith.constant 384 : i32
    %dma_start3A_72 = tpu.memref_slice %arg8[%dma_start3A_71] : memref<4096xi32, #tpu.memory_space<vmem>> -> memref<64xi32, #tpu.memory_space<vmem>>
    %dma_start3A_73 = arith.constant 0 : i32
    %dma_start3A_74 = arith.constant 0 : i32
    %dma_start3A_75 = tpu.memref_slice %arg2[%dma_start3A_73, %dma_start3A_74] : memref<10000x128xf32, #tpu.memory_space<hbm>> -> memref<10000x128xf32, #tpu.memory_space<hbm>>
    tpu.enqueue_indirect_dma source(%dma_start3A_75 : memref<10000x128xf32, #tpu.memory_space<hbm>>) target(%dma_start3A_70 : memref<64x128xf32, #tpu.memory_space<vmem>>) offsets(%dma_start3A_72 : memref<64xi32, #tpu.memory_space<vmem>>) semaphore(%arg17 : memref<!tpu.dma_semaphore, #tpu.memory_space<semaphore_mem>>)
    %dma_start3A_76 = arith.constant 7 : i32
    %dma_start3A_77 = arith.constant 0 : i32
    %dma_start3A_78 = arith.constant 0 : i32
    %dma_start3A_79 = tpu.memref_slice %arg7[%dma_start3A_76, %dma_start3A_77, %dma_start3A_78] : memref<8x64x128xf32, #tpu.memory_space<vmem>> -> memref<1x64x128xf32, #tpu.memory_space<vmem>>
    %dma_start3A_80 = tpu.memref_squeeze %dma_start3A_79 : memref<1x64x128xf32, #tpu.memory_space<vmem>> -> memref<64x128xf32, #tpu.memory_space<vmem>>
    %dma_start3A_81 = arith.constant 448 : i32
    %dma_start3A_82 = tpu.memref_slice %arg8[%dma_start3A_81] : memref<4096xi32, #tpu.memory_space<vmem>> -> memref<64xi32, #tpu.memory_space<vmem>>
    %dma_start3A_83 = arith.constant 0 : i32
    %dma_start3A_84 = arith.constant 0 : i32
    %dma_start3A_85 = tpu.memref_slice %arg2[%dma_start3A_83, %dma_start3A_84] : memref<10000x128xf32, #tpu.memory_space<hbm>> -> memref<10000x128xf32, #tpu.memory_space<hbm>>
    tpu.enqueue_indirect_dma source(%dma_start3A_85 : memref<10000x128xf32, #tpu.memory_space<hbm>>) target(%dma_start3A_80 : memref<64x128xf32, #tpu.memory_space<vmem>>) offsets(%dma_start3A_82 : memref<64xi32, #tpu.memory_space<vmem>>) semaphore(%arg18 : memref<!tpu.dma_semaphore, #tpu.memory_space<semaphore_mem>>)
    %scan3A = arith.constant 0 : i32
    %scan3A_86 = arith.constant 0 : i32
    %scan3A_87 = arith.constant 8 : i32
    %scan3A_88 = arith.addi %scan3A_86, %scan3A_87 : i32
    %scan3A_89 = arith.constant 1 : i32
    scf.for %scan3A_96 = %scan3A_86 to %scan3A_88 step %scan3A_89  : i32 {
      %mul3A_97 = arith.constant 8 : i32
      %mul3A_98 = arith.muli %scan3A_96, %mul3A_97 : i32
      %add3A_99 = arith.constant 0 : i32
      %add3A_100 = arith.addi %mul3A_98, %add3A_99 : i32
      %mul3A_101 = arith.constant 64 : i32
      %mul3A_102 = arith.muli %add3A_100, %mul3A_101 : i32
      %dma_wait3A = arith.constant 0 : i32
      %dma_wait3A_103 = arith.constant 0 : i32
      %dma_wait3A_104 = arith.constant 0 : i32
      %dma_wait3A_105 = tpu.memref_slice %arg7[%dma_wait3A, %dma_wait3A_103, %dma_wait3A_104] : memref<8x64x128xf32, #tpu.memory_space<vmem>> -> memref<1x64x128xf32, #tpu.memory_space<vmem>>
      %dma_wait3A_106 = tpu.memref_squeeze %dma_wait3A_105 : memref<1x64x128xf32, #tpu.memory_space<vmem>> -> memref<64x128xf32, #tpu.memory_space<vmem>>
      %dma_wait3A_107 = tpu.memref_slice %arg8[%mul3A_102] : memref<4096xi32, #tpu.memory_space<vmem>> -> memref<64xi32, #tpu.memory_space<vmem>>
      %dma_wait3A_108 = arith.constant 0 : i32
      %dma_wait3A_109 = arith.constant 0 : i32
      %dma_wait3A_110 = tpu.memref_slice %arg2[%dma_wait3A_108, %dma_wait3A_109] : memref<10000x128xf32, #tpu.memory_space<hbm>> -> memref<10000x128xf32, #tpu.memory_space<hbm>>
      tpu.wait_indirect_dma semaphore(%arg11 : memref<!tpu.dma_semaphore, #tpu.memory_space<semaphore_mem>>) src(%dma_wait3A_110 : memref<10000x128xf32, #tpu.memory_space<hbm>>) dst(%dma_wait3A_106 : memref<64x128xf32, #tpu.memory_space<vmem>>)
      %mul3A_111 = arith.constant 64 : i32
      %mul3A_112 = arith.muli %add3A_100, %mul3A_111 : i32
      %dma_start3A_113 = arith.constant 0 : i32
      %dma_start3A_114 = arith.constant 0 : i32
      %dma_start3A_115 = arith.constant 0 : i32
      %dma_start3A_116 = tpu.memref_slice %arg7[%dma_start3A_113, %dma_start3A_114, %dma_start3A_115] : memref<8x64x128xf32, #tpu.memory_space<vmem>> -> memref<1x64x128xf32, #tpu.memory_space<vmem>>
      %dma_start3A_117 = tpu.memref_squeeze %dma_start3A_116 : memref<1x64x128xf32, #tpu.memory_space<vmem>> -> memref<64x128xf32, #tpu.memory_space<vmem>>
      %dma_start3A_118 = tpu.memref_slice %arg9[%mul3A_112] : memref<4096xi32, #tpu.memory_space<vmem>> -> memref<64xi32, #tpu.memory_space<vmem>>
      %dma_start3A_119 = arith.constant 0 : i32
      %dma_start3A_120 = arith.constant 0 : i32
      %dma_start3A_121 = tpu.memref_slice %arg10[%dma_start3A_119, %dma_start3A_120] : memref<4096x128xf32, #tpu.memory_space<vmem_shared>> -> memref<4096x128xf32, #tpu.memory_space<vmem_shared>>
      tpu.enqueue_indirect_dma source(%dma_start3A_117 : memref<64x128xf32, #tpu.memory_space<vmem>>) target(%dma_start3A_121 : memref<4096x128xf32, #tpu.memory_space<vmem_shared>>) offsets(%dma_start3A_118 : memref<64xi32, #tpu.memory_space<vmem>>) semaphore(%arg19 : memref<!tpu.dma_semaphore, #tpu.memory_space<semaphore_mem>>) {add = true}
      %mul3A_122 = arith.constant 64 : i32
      %mul3A_123 = arith.muli %add3A_100, %mul3A_122 : i32
      %dma_wait3A_124 = arith.constant 0 : i32
      %dma_wait3A_125 = arith.constant 0 : i32
      %dma_wait3A_126 = arith.constant 0 : i32
      %dma_wait3A_127 = tpu.memref_slice %arg7[%dma_wait3A_124, %dma_wait3A_125, %dma_wait3A_126] : memref<8x64x128xf32, #tpu.memory_space<vmem>> -> memref<1x64x128xf32, #tpu.memory_space<vmem>>
      %dma_wait3A_128 = tpu.memref_squeeze %dma_wait3A_127 : memref<1x64x128xf32, #tpu.memory_space<vmem>> -> memref<64x128xf32, #tpu.memory_space<vmem>>
      %dma_wait3A_129 = tpu.memref_slice %arg9[%mul3A_123] : memref<4096xi32, #tpu.memory_space<vmem>> -> memref<64xi32, #tpu.memory_space<vmem>>
      %dma_wait3A_130 = arith.constant 0 : i32
      %dma_wait3A_131 = arith.constant 0 : i32
      %dma_wait3A_132 = tpu.memref_slice %arg10[%dma_wait3A_130, %dma_wait3A_131] : memref<4096x128xf32, #tpu.memory_space<vmem_shared>> -> memref<4096x128xf32, #tpu.memory_space<vmem_shared>>
      tpu.wait_indirect_dma semaphore(%arg19 : memref<!tpu.dma_semaphore, #tpu.memory_space<semaphore_mem>>) src(%dma_wait3A_128 : memref<64x128xf32, #tpu.memory_space<vmem>>) dst(%dma_wait3A_132 : memref<4096x128xf32, #tpu.memory_space<vmem_shared>>)
      %lt3A = arith.constant 7 : i32
      %lt3A_133 = arith.cmpi slt, %scan3A_96, %lt3A : i32
      %convert_element_type3A = arith.extui %lt3A_133 : i1 to i32
      %cond3A = arith.constant 0 : i32
      %cond3A_134 = arith.cmpi ne, %convert_element_type3A, %cond3A : i32
      scf.if %cond3A_134 {
        %add3A_429 = arith.constant 8 : i32
        %add3A_430 = arith.addi %add3A_100, %add3A_429 : i32
        %mul3A_431 = arith.constant 64 : i32
        %mul3A_432 = arith.muli %add3A_430, %mul3A_431 : i32
        %dma_start3A_433 = arith.constant 0 : i32
        %dma_start3A_434 = arith.constant 0 : i32
        %dma_start3A_435 = arith.constant 0 : i32
        %dma_start3A_436 = tpu.memref_slice %arg7[%dma_start3A_433, %dma_start3A_434, %dma_start3A_435] : memref<8x64x128xf32, #tpu.memory_space<vmem>> -> memref<1x64x128xf32, #tpu.memory_space<vmem>>
        %dma_start3A_437 = tpu.memref_squeeze %dma_start3A_436 : memref<1x64x128xf32, #tpu.memory_space<vmem>> -> memref<64x128xf32, #tpu.memory_space<vmem>>
        %dma_start3A_438 = tpu.memref_slice %arg8[%mul3A_432] : memref<4096xi32, #tpu.memory_space<vmem>> -> memref<64xi32, #tpu.memory_space<vmem>>
        %dma_start3A_439 = arith.constant 0 : i32
        %dma_start3A_440 = arith.constant 0 : i32
        %dma_start3A_441 = tpu.memref_slice %arg2[%dma_start3A_439, %dma_start3A_440] : memref<10000x128xf32, #tpu.memory_space<hbm>> -> memref<10000x128xf32, #tpu.memory_space<hbm>>
        tpu.enqueue_indirect_dma source(%dma_start3A_441 : memref<10000x128xf32, #tpu.memory_space<hbm>>) target(%dma_start3A_437 : memref<64x128xf32, #tpu.memory_space<vmem>>) offsets(%dma_start3A_438 : memref<64xi32, #tpu.memory_space<vmem>>) semaphore(%arg11 : memref<!tpu.dma_semaphore, #tpu.memory_space<semaphore_mem>>)
      } else {
      }
      %mul3A_135 = arith.constant 8 : i32
      %mul3A_136 = arith.muli %scan3A_96, %mul3A_135 : i32
      %add3A_137 = arith.constant 1 : i32
      %add3A_138 = arith.addi %mul3A_136, %add3A_137 : i32
      %mul3A_139 = arith.constant 64 : i32
      %mul3A_140 = arith.muli %add3A_138, %mul3A_139 : i32
      %dma_wait3A_141 = arith.constant 1 : i32
      %dma_wait3A_142 = arith.constant 0 : i32
      %dma_wait3A_143 = arith.constant 0 : i32
      %dma_wait3A_144 = tpu.memref_slice %arg7[%dma_wait3A_141, %dma_wait3A_142, %dma_wait3A_143] : memref<8x64x128xf32, #tpu.memory_space<vmem>> -> memref<1x64x128xf32, #tpu.memory_space<vmem>>
      %dma_wait3A_145 = tpu.memref_squeeze %dma_wait3A_144 : memref<1x64x128xf32, #tpu.memory_space<vmem>> -> memref<64x128xf32, #tpu.memory_space<vmem>>
      %dma_wait3A_146 = tpu.memref_slice %arg8[%mul3A_140] : memref<4096xi32, #tpu.memory_space<vmem>> -> memref<64xi32, #tpu.memory_space<vmem>>
      %dma_wait3A_147 = arith.constant 0 : i32
      %dma_wait3A_148 = arith.constant 0 : i32
      %dma_wait3A_149 = tpu.memref_slice %arg2[%dma_wait3A_147, %dma_wait3A_148] : memref<10000x128xf32, #tpu.memory_space<hbm>> -> memref<10000x128xf32, #tpu.memory_space<hbm>>
      tpu.wait_indirect_dma semaphore(%arg12 : memref<!tpu.dma_semaphore, #tpu.memory_space<semaphore_mem>>) src(%dma_wait3A_149 : memref<10000x128xf32, #tpu.memory_space<hbm>>) dst(%dma_wait3A_145 : memref<64x128xf32, #tpu.memory_space<vmem>>)
      %mul3A_150 = arith.constant 64 : i32
      %mul3A_151 = arith.muli %add3A_138, %mul3A_150 : i32
      %dma_start3A_152 = arith.constant 1 : i32
      %dma_start3A_153 = arith.constant 0 : i32
      %dma_start3A_154 = arith.constant 0 : i32
      %dma_start3A_155 = tpu.memref_slice %arg7[%dma_start3A_152, %dma_start3A_153, %dma_start3A_154] : memref<8x64x128xf32, #tpu.memory_space<vmem>> -> memref<1x64x128xf32, #tpu.memory_space<vmem>>
      %dma_start3A_156 = tpu.memref_squeeze %dma_start3A_155 : memref<1x64x128xf32, #tpu.memory_space<vmem>> -> memref<64x128xf32, #tpu.memory_space<vmem>>
      %dma_start3A_157 = tpu.memref_slice %arg9[%mul3A_151] : memref<4096xi32, #tpu.memory_space<vmem>> -> memref<64xi32, #tpu.memory_space<vmem>>
      %dma_start3A_158 = arith.constant 0 : i32
      %dma_start3A_159 = arith.constant 0 : i32
      %dma_start3A_160 = tpu.memref_slice %arg10[%dma_start3A_158, %dma_start3A_159] : memref<4096x128xf32, #tpu.memory_space<vmem_shared>> -> memref<4096x128xf32, #tpu.memory_space<vmem_shared>>
      tpu.enqueue_indirect_dma source(%dma_start3A_156 : memref<64x128xf32, #tpu.memory_space<vmem>>) target(%dma_start3A_160 : memref<4096x128xf32, #tpu.memory_space<vmem_shared>>) offsets(%dma_start3A_157 : memref<64xi32, #tpu.memory_space<vmem>>) semaphore(%arg20 : memref<!tpu.dma_semaphore, #tpu.memory_space<semaphore_mem>>) {add = true}
      %mul3A_161 = arith.constant 64 : i32
      %mul3A_162 = arith.muli %add3A_138, %mul3A_161 : i32
      %dma_wait3A_163 = arith.constant 1 : i32
      %dma_wait3A_164 = arith.constant 0 : i32
      %dma_wait3A_165 = arith.constant 0 : i32
      %dma_wait3A_166 = tpu.memref_slice %arg7[%dma_wait3A_163, %dma_wait3A_164, %dma_wait3A_165] : memref<8x64x128xf32, #tpu.memory_space<vmem>> -> memref<1x64x128xf32, #tpu.memory_space<vmem>>
      %dma_wait3A_167 = tpu.memref_squeeze %dma_wait3A_166 : memref<1x64x128xf32, #tpu.memory_space<vmem>> -> memref<64x128xf32, #tpu.memory_space<vmem>>
      %dma_wait3A_168 = tpu.memref_slice %arg9[%mul3A_162] : memref<4096xi32, #tpu.memory_space<vmem>> -> memref<64xi32, #tpu.memory_space<vmem>>
      %dma_wait3A_169 = arith.constant 0 : i32
      %dma_wait3A_170 = arith.constant 0 : i32
      %dma_wait3A_171 = tpu.memref_slice %arg10[%dma_wait3A_169, %dma_wait3A_170] : memref<4096x128xf32, #tpu.memory_space<vmem_shared>> -> memref<4096x128xf32, #tpu.memory_space<vmem_shared>>
      tpu.wait_indirect_dma semaphore(%arg20 : memref<!tpu.dma_semaphore, #tpu.memory_space<semaphore_mem>>) src(%dma_wait3A_167 : memref<64x128xf32, #tpu.memory_space<vmem>>) dst(%dma_wait3A_171 : memref<4096x128xf32, #tpu.memory_space<vmem_shared>>)
      %lt3A_172 = arith.constant 7 : i32
      %lt3A_173 = arith.cmpi slt, %scan3A_96, %lt3A_172 : i32
      %convert_element_type3A_174 = arith.extui %lt3A_173 : i1 to i32
      %cond3A_175 = arith.constant 0 : i32
      %cond3A_176 = arith.cmpi ne, %convert_element_type3A_174, %cond3A_175 : i32
      scf.if %cond3A_176 {
        %add3A_429 = arith.constant 8 : i32
        %add3A_430 = arith.addi %add3A_138, %add3A_429 : i32
        %mul3A_431 = arith.constant 64 : i32
        %mul3A_432 = arith.muli %add3A_430, %mul3A_431 : i32
        %dma_start3A_433 = arith.constant 1 : i32
        %dma_start3A_434 = arith.constant 0 : i32
        %dma_start3A_435 = arith.constant 0 : i32
        %dma_start3A_436 = tpu.memref_slice %arg7[%dma_start3A_433, %dma_start3A_434, %dma_start3A_435] : memref<8x64x128xf32, #tpu.memory_space<vmem>> -> memref<1x64x128xf32, #tpu.memory_space<vmem>>
        %dma_start3A_437 = tpu.memref_squeeze %dma_start3A_436 : memref<1x64x128xf32, #tpu.memory_space<vmem>> -> memref<64x128xf32, #tpu.memory_space<vmem>>
        %dma_start3A_438 = tpu.memref_slice %arg8[%mul3A_432] : memref<4096xi32, #tpu.memory_space<vmem>> -> memref<64xi32, #tpu.memory_space<vmem>>
        %dma_start3A_439 = arith.constant 0 : i32
        %dma_start3A_440 = arith.constant 0 : i32
        %dma_start3A_441 = tpu.memref_slice %arg2[%dma_start3A_439, %dma_start3A_440] : memref<10000x128xf32, #tpu.memory_space<hbm>> -> memref<10000x128xf32, #tpu.memory_space<hbm>>
        tpu.enqueue_indirect_dma source(%dma_start3A_441 : memref<10000x128xf32, #tpu.memory_space<hbm>>) target(%dma_start3A_437 : memref<64x128xf32, #tpu.memory_space<vmem>>) offsets(%dma_start3A_438 : memref<64xi32, #tpu.memory_space<vmem>>) semaphore(%arg12 : memref<!tpu.dma_semaphore, #tpu.memory_space<semaphore_mem>>)
      } else {
      }
      %mul3A_177 = arith.constant 8 : i32
      %mul3A_178 = arith.muli %scan3A_96, %mul3A_177 : i32
      %add3A_179 = arith.constant 2 : i32
      %add3A_180 = arith.addi %mul3A_178, %add3A_179 : i32
      %mul3A_181 = arith.constant 64 : i32
      %mul3A_182 = arith.muli %add3A_180, %mul3A_181 : i32
      %dma_wait3A_183 = arith.constant 2 : i32
      %dma_wait3A_184 = arith.constant 0 : i32
      %dma_wait3A_185 = arith.constant 0 : i32
      %dma_wait3A_186 = tpu.memref_slice %arg7[%dma_wait3A_183, %dma_wait3A_184, %dma_wait3A_185] : memref<8x64x128xf32, #tpu.memory_space<vmem>> -> memref<1x64x128xf32, #tpu.memory_space<vmem>>
      %dma_wait3A_187 = tpu.memref_squeeze %dma_wait3A_186 : memref<1x64x128xf32, #tpu.memory_space<vmem>> -> memref<64x128xf32, #tpu.memory_space<vmem>>
      %dma_wait3A_188 = tpu.memref_slice %arg8[%mul3A_182] : memref<4096xi32, #tpu.memory_space<vmem>> -> memref<64xi32, #tpu.memory_space<vmem>>
      %dma_wait3A_189 = arith.constant 0 : i32
      %dma_wait3A_190 = arith.constant 0 : i32
      %dma_wait3A_191 = tpu.memref_slice %arg2[%dma_wait3A_189, %dma_wait3A_190] : memref<10000x128xf32, #tpu.memory_space<hbm>> -> memref<10000x128xf32, #tpu.memory_space<hbm>>
      tpu.wait_indirect_dma semaphore(%arg13 : memref<!tpu.dma_semaphore, #tpu.memory_space<semaphore_mem>>) src(%dma_wait3A_191 : memref<10000x128xf32, #tpu.memory_space<hbm>>) dst(%dma_wait3A_187 : memref<64x128xf32, #tpu.memory_space<vmem>>)
      %mul3A_192 = arith.constant 64 : i32
      %mul3A_193 = arith.muli %add3A_180, %mul3A_192 : i32
      %dma_start3A_194 = arith.constant 2 : i32
      %dma_start3A_195 = arith.constant 0 : i32
      %dma_start3A_196 = arith.constant 0 : i32
      %dma_start3A_197 = tpu.memref_slice %arg7[%dma_start3A_194, %dma_start3A_195, %dma_start3A_196] : memref<8x64x128xf32, #tpu.memory_space<vmem>> -> memref<1x64x128xf32, #tpu.memory_space<vmem>>
      %dma_start3A_198 = tpu.memref_squeeze %dma_start3A_197 : memref<1x64x128xf32, #tpu.memory_space<vmem>> -> memref<64x128xf32, #tpu.memory_space<vmem>>
      %dma_start3A_199 = tpu.memref_slice %arg9[%mul3A_193] : memref<4096xi32, #tpu.memory_space<vmem>> -> memref<64xi32, #tpu.memory_space<vmem>>
      %dma_start3A_200 = arith.constant 0 : i32
      %dma_start3A_201 = arith.constant 0 : i32
      %dma_start3A_202 = tpu.memref_slice %arg10[%dma_start3A_200, %dma_start3A_201] : memref<4096x128xf32, #tpu.memory_space<vmem_shared>> -> memref<4096x128xf32, #tpu.memory_space<vmem_shared>>
      tpu.enqueue_indirect_dma source(%dma_start3A_198 : memref<64x128xf32, #tpu.memory_space<vmem>>) target(%dma_start3A_202 : memref<4096x128xf32, #tpu.memory_space<vmem_shared>>) offsets(%dma_start3A_199 : memref<64xi32, #tpu.memory_space<vmem>>) semaphore(%arg21 : memref<!tpu.dma_semaphore, #tpu.memory_space<semaphore_mem>>) {add = true}
      %mul3A_203 = arith.constant 64 : i32
      %mul3A_204 = arith.muli %add3A_180, %mul3A_203 : i32
      %dma_wait3A_205 = arith.constant 2 : i32
      %dma_wait3A_206 = arith.constant 0 : i32
      %dma_wait3A_207 = arith.constant 0 : i32
      %dma_wait3A_208 = tpu.memref_slice %arg7[%dma_wait3A_205, %dma_wait3A_206, %dma_wait3A_207] : memref<8x64x128xf32, #tpu.memory_space<vmem>> -> memref<1x64x128xf32, #tpu.memory_space<vmem>>
      %dma_wait3A_209 = tpu.memref_squeeze %dma_wait3A_208 : memref<1x64x128xf32, #tpu.memory_space<vmem>> -> memref<64x128xf32, #tpu.memory_space<vmem>>
      %dma_wait3A_210 = tpu.memref_slice %arg9[%mul3A_204] : memref<4096xi32, #tpu.memory_space<vmem>> -> memref<64xi32, #tpu.memory_space<vmem>>
      %dma_wait3A_211 = arith.constant 0 : i32
      %dma_wait3A_212 = arith.constant 0 : i32
      %dma_wait3A_213 = tpu.memref_slice %arg10[%dma_wait3A_211, %dma_wait3A_212] : memref<4096x128xf32, #tpu.memory_space<vmem_shared>> -> memref<4096x128xf32, #tpu.memory_space<vmem_shared>>
      tpu.wait_indirect_dma semaphore(%arg21 : memref<!tpu.dma_semaphore, #tpu.memory_space<semaphore_mem>>) src(%dma_wait3A_209 : memref<64x128xf32, #tpu.memory_space<vmem>>) dst(%dma_wait3A_213 : memref<4096x128xf32, #tpu.memory_space<vmem_shared>>)
      %lt3A_214 = arith.constant 7 : i32
      %lt3A_215 = arith.cmpi slt, %scan3A_96, %lt3A_214 : i32
      %convert_element_type3A_216 = arith.extui %lt3A_215 : i1 to i32
      %cond3A_217 = arith.constant 0 : i32
      %cond3A_218 = arith.cmpi ne, %convert_element_type3A_216, %cond3A_217 : i32
      scf.if %cond3A_218 {
        %add3A_429 = arith.constant 8 : i32
        %add3A_430 = arith.addi %add3A_180, %add3A_429 : i32
        %mul3A_431 = arith.constant 64 : i32
        %mul3A_432 = arith.muli %add3A_430, %mul3A_431 : i32
        %dma_start3A_433 = arith.constant 2 : i32
        %dma_start3A_434 = arith.constant 0 : i32
        %dma_start3A_435 = arith.constant 0 : i32
        %dma_start3A_436 = tpu.memref_slice %arg7[%dma_start3A_433, %dma_start3A_434, %dma_start3A_435] : memref<8x64x128xf32, #tpu.memory_space<vmem>> -> memref<1x64x128xf32, #tpu.memory_space<vmem>>
        %dma_start3A_437 = tpu.memref_squeeze %dma_start3A_436 : memref<1x64x128xf32, #tpu.memory_space<vmem>> -> memref<64x128xf32, #tpu.memory_space<vmem>>
        %dma_start3A_438 = tpu.memref_slice %arg8[%mul3A_432] : memref<4096xi32, #tpu.memory_space<vmem>> -> memref<64xi32, #tpu.memory_space<vmem>>
        %dma_start3A_439 = arith.constant 0 : i32
        %dma_start3A_440 = arith.constant 0 : i32
        %dma_start3A_441 = tpu.memref_slice %arg2[%dma_start3A_439, %dma_start3A_440] : memref<10000x128xf32, #tpu.memory_space<hbm>> -> memref<10000x128xf32, #tpu.memory_space<hbm>>
        tpu.enqueue_indirect_dma source(%dma_start3A_441 : memref<10000x128xf32, #tpu.memory_space<hbm>>) target(%dma_start3A_437 : memref<64x128xf32, #tpu.memory_space<vmem>>) offsets(%dma_start3A_438 : memref<64xi32, #tpu.memory_space<vmem>>) semaphore(%arg13 : memref<!tpu.dma_semaphore, #tpu.memory_space<semaphore_mem>>)
      } else {
      }
      %mul3A_219 = arith.constant 8 : i32
      %mul3A_220 = arith.muli %scan3A_96, %mul3A_219 : i32
      %add3A_221 = arith.constant 3 : i32
      %add3A_222 = arith.addi %mul3A_220, %add3A_221 : i32
      %mul3A_223 = arith.constant 64 : i32
      %mul3A_224 = arith.muli %add3A_222, %mul3A_223 : i32
      %dma_wait3A_225 = arith.constant 3 : i32
      %dma_wait3A_226 = arith.constant 0 : i32
      %dma_wait3A_227 = arith.constant 0 : i32
      %dma_wait3A_228 = tpu.memref_slice %arg7[%dma_wait3A_225, %dma_wait3A_226, %dma_wait3A_227] : memref<8x64x128xf32, #tpu.memory_space<vmem>> -> memref<1x64x128xf32, #tpu.memory_space<vmem>>
      %dma_wait3A_229 = tpu.memref_squeeze %dma_wait3A_228 : memref<1x64x128xf32, #tpu.memory_space<vmem>> -> memref<64x128xf32, #tpu.memory_space<vmem>>
      %dma_wait3A_230 = tpu.memref_slice %arg8[%mul3A_224] : memref<4096xi32, #tpu.memory_space<vmem>> -> memref<64xi32, #tpu.memory_space<vmem>>
      %dma_wait3A_231 = arith.constant 0 : i32
      %dma_wait3A_232 = arith.constant 0 : i32
      %dma_wait3A_233 = tpu.memref_slice %arg2[%dma_wait3A_231, %dma_wait3A_232] : memref<10000x128xf32, #tpu.memory_space<hbm>> -> memref<10000x128xf32, #tpu.memory_space<hbm>>
      tpu.wait_indirect_dma semaphore(%arg14 : memref<!tpu.dma_semaphore, #tpu.memory_space<semaphore_mem>>) src(%dma_wait3A_233 : memref<10000x128xf32, #tpu.memory_space<hbm>>) dst(%dma_wait3A_229 : memref<64x128xf32, #tpu.memory_space<vmem>>)
      %mul3A_234 = arith.constant 64 : i32
      %mul3A_235 = arith.muli %add3A_222, %mul3A_234 : i32
      %dma_start3A_236 = arith.constant 3 : i32
      %dma_start3A_237 = arith.constant 0 : i32
      %dma_start3A_238 = arith.constant 0 : i32
      %dma_start3A_239 = tpu.memref_slice %arg7[%dma_start3A_236, %dma_start3A_237, %dma_start3A_238] : memref<8x64x128xf32, #tpu.memory_space<vmem>> -> memref<1x64x128xf32, #tpu.memory_space<vmem>>
      %dma_start3A_240 = tpu.memref_squeeze %dma_start3A_239 : memref<1x64x128xf32, #tpu.memory_space<vmem>> -> memref<64x128xf32, #tpu.memory_space<vmem>>
      %dma_start3A_241 = tpu.memref_slice %arg9[%mul3A_235] : memref<4096xi32, #tpu.memory_space<vmem>> -> memref<64xi32, #tpu.memory_space<vmem>>
      %dma_start3A_242 = arith.constant 0 : i32
      %dma_start3A_243 = arith.constant 0 : i32
      %dma_start3A_244 = tpu.memref_slice %arg10[%dma_start3A_242, %dma_start3A_243] : memref<4096x128xf32, #tpu.memory_space<vmem_shared>> -> memref<4096x128xf32, #tpu.memory_space<vmem_shared>>
      tpu.enqueue_indirect_dma source(%dma_start3A_240 : memref<64x128xf32, #tpu.memory_space<vmem>>) target(%dma_start3A_244 : memref<4096x128xf32, #tpu.memory_space<vmem_shared>>) offsets(%dma_start3A_241 : memref<64xi32, #tpu.memory_space<vmem>>) semaphore(%arg22 : memref<!tpu.dma_semaphore, #tpu.memory_space<semaphore_mem>>) {add = true}
      %mul3A_245 = arith.constant 64 : i32
      %mul3A_246 = arith.muli %add3A_222, %mul3A_245 : i32
      %dma_wait3A_247 = arith.constant 3 : i32
      %dma_wait3A_248 = arith.constant 0 : i32
      %dma_wait3A_249 = arith.constant 0 : i32
      %dma_wait3A_250 = tpu.memref_slice %arg7[%dma_wait3A_247, %dma_wait3A_248, %dma_wait3A_249] : memref<8x64x128xf32, #tpu.memory_space<vmem>> -> memref<1x64x128xf32, #tpu.memory_space<vmem>>
      %dma_wait3A_251 = tpu.memref_squeeze %dma_wait3A_250 : memref<1x64x128xf32, #tpu.memory_space<vmem>> -> memref<64x128xf32, #tpu.memory_space<vmem>>
      %dma_wait3A_252 = tpu.memref_slice %arg9[%mul3A_246] : memref<4096xi32, #tpu.memory_space<vmem>> -> memref<64xi32, #tpu.memory_space<vmem>>
      %dma_wait3A_253 = arith.constant 0 : i32
      %dma_wait3A_254 = arith.constant 0 : i32
      %dma_wait3A_255 = tpu.memref_slice %arg10[%dma_wait3A_253, %dma_wait3A_254] : memref<4096x128xf32, #tpu.memory_space<vmem_shared>> -> memref<4096x128xf32, #tpu.memory_space<vmem_shared>>
      tpu.wait_indirect_dma semaphore(%arg22 : memref<!tpu.dma_semaphore, #tpu.memory_space<semaphore_mem>>) src(%dma_wait3A_251 : memref<64x128xf32, #tpu.memory_space<vmem>>) dst(%dma_wait3A_255 : memref<4096x128xf32, #tpu.memory_space<vmem_shared>>)
      %lt3A_256 = arith.constant 7 : i32
      %lt3A_257 = arith.cmpi slt, %scan3A_96, %lt3A_256 : i32
      %convert_element_type3A_258 = arith.extui %lt3A_257 : i1 to i32
      %cond3A_259 = arith.constant 0 : i32
      %cond3A_260 = arith.cmpi ne, %convert_element_type3A_258, %cond3A_259 : i32
      scf.if %cond3A_260 {
        %add3A_429 = arith.constant 8 : i32
        %add3A_430 = arith.addi %add3A_222, %add3A_429 : i32
        %mul3A_431 = arith.constant 64 : i32
        %mul3A_432 = arith.muli %add3A_430, %mul3A_431 : i32
        %dma_start3A_433 = arith.constant 3 : i32
        %dma_start3A_434 = arith.constant 0 : i32
        %dma_start3A_435 = arith.constant 0 : i32
        %dma_start3A_436 = tpu.memref_slice %arg7[%dma_start3A_433, %dma_start3A_434, %dma_start3A_435] : memref<8x64x128xf32, #tpu.memory_space<vmem>> -> memref<1x64x128xf32, #tpu.memory_space<vmem>>
        %dma_start3A_437 = tpu.memref_squeeze %dma_start3A_436 : memref<1x64x128xf32, #tpu.memory_space<vmem>> -> memref<64x128xf32, #tpu.memory_space<vmem>>
        %dma_start3A_438 = tpu.memref_slice %arg8[%mul3A_432] : memref<4096xi32, #tpu.memory_space<vmem>> -> memref<64xi32, #tpu.memory_space<vmem>>
        %dma_start3A_439 = arith.constant 0 : i32
        %dma_start3A_440 = arith.constant 0 : i32
        %dma_start3A_441 = tpu.memref_slice %arg2[%dma_start3A_439, %dma_start3A_440] : memref<10000x128xf32, #tpu.memory_space<hbm>> -> memref<10000x128xf32, #tpu.memory_space<hbm>>
        tpu.enqueue_indirect_dma source(%dma_start3A_441 : memref<10000x128xf32, #tpu.memory_space<hbm>>) target(%dma_start3A_437 : memref<64x128xf32, #tpu.memory_space<vmem>>) offsets(%dma_start3A_438 : memref<64xi32, #tpu.memory_space<vmem>>) semaphore(%arg14 : memref<!tpu.dma_semaphore, #tpu.memory_space<semaphore_mem>>)
      } else {
      }
      %mul3A_261 = arith.constant 8 : i32
      %mul3A_262 = arith.muli %scan3A_96, %mul3A_261 : i32
      %add3A_263 = arith.constant 4 : i32
      %add3A_264 = arith.addi %mul3A_262, %add3A_263 : i32
      %mul3A_265 = arith.constant 64 : i32
      %mul3A_266 = arith.muli %add3A_264, %mul3A_265 : i32
      %dma_wait3A_267 = arith.constant 4 : i32
      %dma_wait3A_268 = arith.constant 0 : i32
      %dma_wait3A_269 = arith.constant 0 : i32
      %dma_wait3A_270 = tpu.memref_slice %arg7[%dma_wait3A_267, %dma_wait3A_268, %dma_wait3A_269] : memref<8x64x128xf32, #tpu.memory_space<vmem>> -> memref<1x64x128xf32, #tpu.memory_space<vmem>>
      %dma_wait3A_271 = tpu.memref_squeeze %dma_wait3A_270 : memref<1x64x128xf32, #tpu.memory_space<vmem>> -> memref<64x128xf32, #tpu.memory_space<vmem>>
      %dma_wait3A_272 = tpu.memref_slice %arg8[%mul3A_266] : memref<4096xi32, #tpu.memory_space<vmem>> -> memref<64xi32, #tpu.memory_space<vmem>>
      %dma_wait3A_273 = arith.constant 0 : i32
      %dma_wait3A_274 = arith.constant 0 : i32
      %dma_wait3A_275 = tpu.memref_slice %arg2[%dma_wait3A_273, %dma_wait3A_274] : memref<10000x128xf32, #tpu.memory_space<hbm>> -> memref<10000x128xf32, #tpu.memory_space<hbm>>
      tpu.wait_indirect_dma semaphore(%arg15 : memref<!tpu.dma_semaphore, #tpu.memory_space<semaphore_mem>>) src(%dma_wait3A_275 : memref<10000x128xf32, #tpu.memory_space<hbm>>) dst(%dma_wait3A_271 : memref<64x128xf32, #tpu.memory_space<vmem>>)
      %mul3A_276 = arith.constant 64 : i32
      %mul3A_277 = arith.muli %add3A_264, %mul3A_276 : i32
      %dma_start3A_278 = arith.constant 4 : i32
      %dma_start3A_279 = arith.constant 0 : i32
      %dma_start3A_280 = arith.constant 0 : i32
      %dma_start3A_281 = tpu.memref_slice %arg7[%dma_start3A_278, %dma_start3A_279, %dma_start3A_280] : memref<8x64x128xf32, #tpu.memory_space<vmem>> -> memref<1x64x128xf32, #tpu.memory_space<vmem>>
      %dma_start3A_282 = tpu.memref_squeeze %dma_start3A_281 : memref<1x64x128xf32, #tpu.memory_space<vmem>> -> memref<64x128xf32, #tpu.memory_space<vmem>>
      %dma_start3A_283 = tpu.memref_slice %arg9[%mul3A_277] : memref<4096xi32, #tpu.memory_space<vmem>> -> memref<64xi32, #tpu.memory_space<vmem>>
      %dma_start3A_284 = arith.constant 0 : i32
      %dma_start3A_285 = arith.constant 0 : i32
      %dma_start3A_286 = tpu.memref_slice %arg10[%dma_start3A_284, %dma_start3A_285] : memref<4096x128xf32, #tpu.memory_space<vmem_shared>> -> memref<4096x128xf32, #tpu.memory_space<vmem_shared>>
      tpu.enqueue_indirect_dma source(%dma_start3A_282 : memref<64x128xf32, #tpu.memory_space<vmem>>) target(%dma_start3A_286 : memref<4096x128xf32, #tpu.memory_space<vmem_shared>>) offsets(%dma_start3A_283 : memref<64xi32, #tpu.memory_space<vmem>>) semaphore(%arg23 : memref<!tpu.dma_semaphore, #tpu.memory_space<semaphore_mem>>) {add = true}
      %mul3A_287 = arith.constant 64 : i32
      %mul3A_288 = arith.muli %add3A_264, %mul3A_287 : i32
      %dma_wait3A_289 = arith.constant 4 : i32
      %dma_wait3A_290 = arith.constant 0 : i32
      %dma_wait3A_291 = arith.constant 0 : i32
      %dma_wait3A_292 = tpu.memref_slice %arg7[%dma_wait3A_289, %dma_wait3A_290, %dma_wait3A_291] : memref<8x64x128xf32, #tpu.memory_space<vmem>> -> memref<1x64x128xf32, #tpu.memory_space<vmem>>
      %dma_wait3A_293 = tpu.memref_squeeze %dma_wait3A_292 : memref<1x64x128xf32, #tpu.memory_space<vmem>> -> memref<64x128xf32, #tpu.memory_space<vmem>>
      %dma_wait3A_294 = tpu.memref_slice %arg9[%mul3A_288] : memref<4096xi32, #tpu.memory_space<vmem>> -> memref<64xi32, #tpu.memory_space<vmem>>
      %dma_wait3A_295 = arith.constant 0 : i32
      %dma_wait3A_296 = arith.constant 0 : i32
      %dma_wait3A_297 = tpu.memref_slice %arg10[%dma_wait3A_295, %dma_wait3A_296] : memref<4096x128xf32, #tpu.memory_space<vmem_shared>> -> memref<4096x128xf32, #tpu.memory_space<vmem_shared>>
      tpu.wait_indirect_dma semaphore(%arg23 : memref<!tpu.dma_semaphore, #tpu.memory_space<semaphore_mem>>) src(%dma_wait3A_293 : memref<64x128xf32, #tpu.memory_space<vmem>>) dst(%dma_wait3A_297 : memref<4096x128xf32, #tpu.memory_space<vmem_shared>>)
      %lt3A_298 = arith.constant 7 : i32
      %lt3A_299 = arith.cmpi slt, %scan3A_96, %lt3A_298 : i32
      %convert_element_type3A_300 = arith.extui %lt3A_299 : i1 to i32
      %cond3A_301 = arith.constant 0 : i32
      %cond3A_302 = arith.cmpi ne, %convert_element_type3A_300, %cond3A_301 : i32
      scf.if %cond3A_302 {
        %add3A_429 = arith.constant 8 : i32
        %add3A_430 = arith.addi %add3A_264, %add3A_429 : i32
        %mul3A_431 = arith.constant 64 : i32
        %mul3A_432 = arith.muli %add3A_430, %mul3A_431 : i32
        %dma_start3A_433 = arith.constant 4 : i32
        %dma_start3A_434 = arith.constant 0 : i32
        %dma_start3A_435 = arith.constant 0 : i32
        %dma_start3A_436 = tpu.memref_slice %arg7[%dma_start3A_433, %dma_start3A_434, %dma_start3A_435] : memref<8x64x128xf32, #tpu.memory_space<vmem>> -> memref<1x64x128xf32, #tpu.memory_space<vmem>>
        %dma_start3A_437 = tpu.memref_squeeze %dma_start3A_436 : memref<1x64x128xf32, #tpu.memory_space<vmem>> -> memref<64x128xf32, #tpu.memory_space<vmem>>
        %dma_start3A_438 = tpu.memref_slice %arg8[%mul3A_432] : memref<4096xi32, #tpu.memory_space<vmem>> -> memref<64xi32, #tpu.memory_space<vmem>>
        %dma_start3A_439 = arith.constant 0 : i32
        %dma_start3A_440 = arith.constant 0 : i32
        %dma_start3A_441 = tpu.memref_slice %arg2[%dma_start3A_439, %dma_start3A_440] : memref<10000x128xf32, #tpu.memory_space<hbm>> -> memref<10000x128xf32, #tpu.memory_space<hbm>>
        tpu.enqueue_indirect_dma source(%dma_start3A_441 : memref<10000x128xf32, #tpu.memory_space<hbm>>) target(%dma_start3A_437 : memref<64x128xf32, #tpu.memory_space<vmem>>) offsets(%dma_start3A_438 : memref<64xi32, #tpu.memory_space<vmem>>) semaphore(%arg15 : memref<!tpu.dma_semaphore, #tpu.memory_space<semaphore_mem>>)
      } else {
      }
      %mul3A_303 = arith.constant 8 : i32
      %mul3A_304 = arith.muli %scan3A_96, %mul3A_303 : i32
      %add3A_305 = arith.constant 5 : i32
      %add3A_306 = arith.addi %mul3A_304, %add3A_305 : i32
      %mul3A_307 = arith.constant 64 : i32
      %mul3A_308 = arith.muli %add3A_306, %mul3A_307 : i32
      %dma_wait3A_309 = arith.constant 5 : i32
      %dma_wait3A_310 = arith.constant 0 : i32
      %dma_wait3A_311 = arith.constant 0 : i32
      %dma_wait3A_312 = tpu.memref_slice %arg7[%dma_wait3A_309, %dma_wait3A_310, %dma_wait3A_311] : memref<8x64x128xf32, #tpu.memory_space<vmem>> -> memref<1x64x128xf32, #tpu.memory_space<vmem>>
      %dma_wait3A_313 = tpu.memref_squeeze %dma_wait3A_312 : memref<1x64x128xf32, #tpu.memory_space<vmem>> -> memref<64x128xf32, #tpu.memory_space<vmem>>
      %dma_wait3A_314 = tpu.memref_slice %arg8[%mul3A_308] : memref<4096xi32, #tpu.memory_space<vmem>> -> memref<64xi32, #tpu.memory_space<vmem>>
      %dma_wait3A_315 = arith.constant 0 : i32
      %dma_wait3A_316 = arith.constant 0 : i32
      %dma_wait3A_317 = tpu.memref_slice %arg2[%dma_wait3A_315, %dma_wait3A_316] : memref<10000x128xf32, #tpu.memory_space<hbm>> -> memref<10000x128xf32, #tpu.memory_space<hbm>>
      tpu.wait_indirect_dma semaphore(%arg16 : memref<!tpu.dma_semaphore, #tpu.memory_space<semaphore_mem>>) src(%dma_wait3A_317 : memref<10000x128xf32, #tpu.memory_space<hbm>>) dst(%dma_wait3A_313 : memref<64x128xf32, #tpu.memory_space<vmem>>)
      %mul3A_318 = arith.constant 64 : i32
      %mul3A_319 = arith.muli %add3A_306, %mul3A_318 : i32
      %dma_start3A_320 = arith.constant 5 : i32
      %dma_start3A_321 = arith.constant 0 : i32
      %dma_start3A_322 = arith.constant 0 : i32
      %dma_start3A_323 = tpu.memref_slice %arg7[%dma_start3A_320, %dma_start3A_321, %dma_start3A_322] : memref<8x64x128xf32, #tpu.memory_space<vmem>> -> memref<1x64x128xf32, #tpu.memory_space<vmem>>
      %dma_start3A_324 = tpu.memref_squeeze %dma_start3A_323 : memref<1x64x128xf32, #tpu.memory_space<vmem>> -> memref<64x128xf32, #tpu.memory_space<vmem>>
      %dma_start3A_325 = tpu.memref_slice %arg9[%mul3A_319] : memref<4096xi32, #tpu.memory_space<vmem>> -> memref<64xi32, #tpu.memory_space<vmem>>
      %dma_start3A_326 = arith.constant 0 : i32
      %dma_start3A_327 = arith.constant 0 : i32
      %dma_start3A_328 = tpu.memref_slice %arg10[%dma_start3A_326, %dma_start3A_327] : memref<4096x128xf32, #tpu.memory_space<vmem_shared>> -> memref<4096x128xf32, #tpu.memory_space<vmem_shared>>
      tpu.enqueue_indirect_dma source(%dma_start3A_324 : memref<64x128xf32, #tpu.memory_space<vmem>>) target(%dma_start3A_328 : memref<4096x128xf32, #tpu.memory_space<vmem_shared>>) offsets(%dma_start3A_325 : memref<64xi32, #tpu.memory_space<vmem>>) semaphore(%arg24 : memref<!tpu.dma_semaphore, #tpu.memory_space<semaphore_mem>>) {add = true}
      %mul3A_329 = arith.constant 64 : i32
      %mul3A_330 = arith.muli %add3A_306, %mul3A_329 : i32
      %dma_wait3A_331 = arith.constant 5 : i32
      %dma_wait3A_332 = arith.constant 0 : i32
      %dma_wait3A_333 = arith.constant 0 : i32
      %dma_wait3A_334 = tpu.memref_slice %arg7[%dma_wait3A_331, %dma_wait3A_332, %dma_wait3A_333] : memref<8x64x128xf32, #tpu.memory_space<vmem>> -> memref<1x64x128xf32, #tpu.memory_space<vmem>>
      %dma_wait3A_335 = tpu.memref_squeeze %dma_wait3A_334 : memref<1x64x128xf32, #tpu.memory_space<vmem>> -> memref<64x128xf32, #tpu.memory_space<vmem>>
      %dma_wait3A_336 = tpu.memref_slice %arg9[%mul3A_330] : memref<4096xi32, #tpu.memory_space<vmem>> -> memref<64xi32, #tpu.memory_space<vmem>>
      %dma_wait3A_337 = arith.constant 0 : i32
      %dma_wait3A_338 = arith.constant 0 : i32
      %dma_wait3A_339 = tpu.memref_slice %arg10[%dma_wait3A_337, %dma_wait3A_338] : memref<4096x128xf32, #tpu.memory_space<vmem_shared>> -> memref<4096x128xf32, #tpu.memory_space<vmem_shared>>
      tpu.wait_indirect_dma semaphore(%arg24 : memref<!tpu.dma_semaphore, #tpu.memory_space<semaphore_mem>>) src(%dma_wait3A_335 : memref<64x128xf32, #tpu.memory_space<vmem>>) dst(%dma_wait3A_339 : memref<4096x128xf32, #tpu.memory_space<vmem_shared>>)
      %lt3A_340 = arith.constant 7 : i32
      %lt3A_341 = arith.cmpi slt, %scan3A_96, %lt3A_340 : i32
      %convert_element_type3A_342 = arith.extui %lt3A_341 : i1 to i32
      %cond3A_343 = arith.constant 0 : i32
      %cond3A_344 = arith.cmpi ne, %convert_element_type3A_342, %cond3A_343 : i32
      scf.if %cond3A_344 {
        %add3A_429 = arith.constant 8 : i32
        %add3A_430 = arith.addi %add3A_306, %add3A_429 : i32
        %mul3A_431 = arith.constant 64 : i32
        %mul3A_432 = arith.muli %add3A_430, %mul3A_431 : i32
        %dma_start3A_433 = arith.constant 5 : i32
        %dma_start3A_434 = arith.constant 0 : i32
        %dma_start3A_435 = arith.constant 0 : i32
        %dma_start3A_436 = tpu.memref_slice %arg7[%dma_start3A_433, %dma_start3A_434, %dma_start3A_435] : memref<8x64x128xf32, #tpu.memory_space<vmem>> -> memref<1x64x128xf32, #tpu.memory_space<vmem>>
        %dma_start3A_437 = tpu.memref_squeeze %dma_start3A_436 : memref<1x64x128xf32, #tpu.memory_space<vmem>> -> memref<64x128xf32, #tpu.memory_space<vmem>>
        %dma_start3A_438 = tpu.memref_slice %arg8[%mul3A_432] : memref<4096xi32, #tpu.memory_space<vmem>> -> memref<64xi32, #tpu.memory_space<vmem>>
        %dma_start3A_439 = arith.constant 0 : i32
        %dma_start3A_440 = arith.constant 0 : i32
        %dma_start3A_441 = tpu.memref_slice %arg2[%dma_start3A_439, %dma_start3A_440] : memref<10000x128xf32, #tpu.memory_space<hbm>> -> memref<10000x128xf32, #tpu.memory_space<hbm>>
        tpu.enqueue_indirect_dma source(%dma_start3A_441 : memref<10000x128xf32, #tpu.memory_space<hbm>>) target(%dma_start3A_437 : memref<64x128xf32, #tpu.memory_space<vmem>>) offsets(%dma_start3A_438 : memref<64xi32, #tpu.memory_space<vmem>>) semaphore(%arg16 : memref<!tpu.dma_semaphore, #tpu.memory_space<semaphore_mem>>)
      } else {
      }
      %mul3A_345 = arith.constant 8 : i32
      %mul3A_346 = arith.muli %scan3A_96, %mul3A_345 : i32
      %add3A_347 = arith.constant 6 : i32
      %add3A_348 = arith.addi %mul3A_346, %add3A_347 : i32
      %mul3A_349 = arith.constant 64 : i32
      %mul3A_350 = arith.muli %add3A_348, %mul3A_349 : i32
      %dma_wait3A_351 = arith.constant 6 : i32
      %dma_wait3A_352 = arith.constant 0 : i32
      %dma_wait3A_353 = arith.constant 0 : i32
      %dma_wait3A_354 = tpu.memref_slice %arg7[%dma_wait3A_351, %dma_wait3A_352, %dma_wait3A_353] : memref<8x64x128xf32, #tpu.memory_space<vmem>> -> memref<1x64x128xf32, #tpu.memory_space<vmem>>
      %dma_wait3A_355 = tpu.memref_squeeze %dma_wait3A_354 : memref<1x64x128xf32, #tpu.memory_space<vmem>> -> memref<64x128xf32, #tpu.memory_space<vmem>>
      %dma_wait3A_356 = tpu.memref_slice %arg8[%mul3A_350] : memref<4096xi32, #tpu.memory_space<vmem>> -> memref<64xi32, #tpu.memory_space<vmem>>
      %dma_wait3A_357 = arith.constant 0 : i32
      %dma_wait3A_358 = arith.constant 0 : i32
      %dma_wait3A_359 = tpu.memref_slice %arg2[%dma_wait3A_357, %dma_wait3A_358] : memref<10000x128xf32, #tpu.memory_space<hbm>> -> memref<10000x128xf32, #tpu.memory_space<hbm>>
      tpu.wait_indirect_dma semaphore(%arg17 : memref<!tpu.dma_semaphore, #tpu.memory_space<semaphore_mem>>) src(%dma_wait3A_359 : memref<10000x128xf32, #tpu.memory_space<hbm>>) dst(%dma_wait3A_355 : memref<64x128xf32, #tpu.memory_space<vmem>>)
      %mul3A_360 = arith.constant 64 : i32
      %mul3A_361 = arith.muli %add3A_348, %mul3A_360 : i32
      %dma_start3A_362 = arith.constant 6 : i32
      %dma_start3A_363 = arith.constant 0 : i32
      %dma_start3A_364 = arith.constant 0 : i32
      %dma_start3A_365 = tpu.memref_slice %arg7[%dma_start3A_362, %dma_start3A_363, %dma_start3A_364] : memref<8x64x128xf32, #tpu.memory_space<vmem>> -> memref<1x64x128xf32, #tpu.memory_space<vmem>>
      %dma_start3A_366 = tpu.memref_squeeze %dma_start3A_365 : memref<1x64x128xf32, #tpu.memory_space<vmem>> -> memref<64x128xf32, #tpu.memory_space<vmem>>
      %dma_start3A_367 = tpu.memref_slice %arg9[%mul3A_361] : memref<4096xi32, #tpu.memory_space<vmem>> -> memref<64xi32, #tpu.memory_space<vmem>>
      %dma_start3A_368 = arith.constant 0 : i32
      %dma_start3A_369 = arith.constant 0 : i32
      %dma_start3A_370 = tpu.memref_slice %arg10[%dma_start3A_368, %dma_start3A_369] : memref<4096x128xf32, #tpu.memory_space<vmem_shared>> -> memref<4096x128xf32, #tpu.memory_space<vmem_shared>>
      tpu.enqueue_indirect_dma source(%dma_start3A_366 : memref<64x128xf32, #tpu.memory_space<vmem>>) target(%dma_start3A_370 : memref<4096x128xf32, #tpu.memory_space<vmem_shared>>) offsets(%dma_start3A_367 : memref<64xi32, #tpu.memory_space<vmem>>) semaphore(%arg25 : memref<!tpu.dma_semaphore, #tpu.memory_space<semaphore_mem>>) {add = true}
      %mul3A_371 = arith.constant 64 : i32
      %mul3A_372 = arith.muli %add3A_348, %mul3A_371 : i32
      %dma_wait3A_373 = arith.constant 6 : i32
      %dma_wait3A_374 = arith.constant 0 : i32
      %dma_wait3A_375 = arith.constant 0 : i32
      %dma_wait3A_376 = tpu.memref_slice %arg7[%dma_wait3A_373, %dma_wait3A_374, %dma_wait3A_375] : memref<8x64x128xf32, #tpu.memory_space<vmem>> -> memref<1x64x128xf32, #tpu.memory_space<vmem>>
      %dma_wait3A_377 = tpu.memref_squeeze %dma_wait3A_376 : memref<1x64x128xf32, #tpu.memory_space<vmem>> -> memref<64x128xf32, #tpu.memory_space<vmem>>
      %dma_wait3A_378 = tpu.memref_slice %arg9[%mul3A_372] : memref<4096xi32, #tpu.memory_space<vmem>> -> memref<64xi32, #tpu.memory_space<vmem>>
      %dma_wait3A_379 = arith.constant 0 : i32
      %dma_wait3A_380 = arith.constant 0 : i32
      %dma_wait3A_381 = tpu.memref_slice %arg10[%dma_wait3A_379, %dma_wait3A_380] : memref<4096x128xf32, #tpu.memory_space<vmem_shared>> -> memref<4096x128xf32, #tpu.memory_space<vmem_shared>>
      tpu.wait_indirect_dma semaphore(%arg25 : memref<!tpu.dma_semaphore, #tpu.memory_space<semaphore_mem>>) src(%dma_wait3A_377 : memref<64x128xf32, #tpu.memory_space<vmem>>) dst(%dma_wait3A_381 : memref<4096x128xf32, #tpu.memory_space<vmem_shared>>)
      %lt3A_382 = arith.constant 7 : i32
      %lt3A_383 = arith.cmpi slt, %scan3A_96, %lt3A_382 : i32
      %convert_element_type3A_384 = arith.extui %lt3A_383 : i1 to i32
      %cond3A_385 = arith.constant 0 : i32
      %cond3A_386 = arith.cmpi ne, %convert_element_type3A_384, %cond3A_385 : i32
      scf.if %cond3A_386 {
        %add3A_429 = arith.constant 8 : i32
        %add3A_430 = arith.addi %add3A_348, %add3A_429 : i32
        %mul3A_431 = arith.constant 64 : i32
        %mul3A_432 = arith.muli %add3A_430, %mul3A_431 : i32
        %dma_start3A_433 = arith.constant 6 : i32
        %dma_start3A_434 = arith.constant 0 : i32
        %dma_start3A_435 = arith.constant 0 : i32
        %dma_start3A_436 = tpu.memref_slice %arg7[%dma_start3A_433, %dma_start3A_434, %dma_start3A_435] : memref<8x64x128xf32, #tpu.memory_space<vmem>> -> memref<1x64x128xf32, #tpu.memory_space<vmem>>
        %dma_start3A_437 = tpu.memref_squeeze %dma_start3A_436 : memref<1x64x128xf32, #tpu.memory_space<vmem>> -> memref<64x128xf32, #tpu.memory_space<vmem>>
        %dma_start3A_438 = tpu.memref_slice %arg8[%mul3A_432] : memref<4096xi32, #tpu.memory_space<vmem>> -> memref<64xi32, #tpu.memory_space<vmem>>
        %dma_start3A_439 = arith.constant 0 : i32
        %dma_start3A_440 = arith.constant 0 : i32
        %dma_start3A_441 = tpu.memref_slice %arg2[%dma_start3A_439, %dma_start3A_440] : memref<10000x128xf32, #tpu.memory_space<hbm>> -> memref<10000x128xf32, #tpu.memory_space<hbm>>
        tpu.enqueue_indirect_dma source(%dma_start3A_441 : memref<10000x128xf32, #tpu.memory_space<hbm>>) target(%dma_start3A_437 : memref<64x128xf32, #tpu.memory_space<vmem>>) offsets(%dma_start3A_438 : memref<64xi32, #tpu.memory_space<vmem>>) semaphore(%arg17 : memref<!tpu.dma_semaphore, #tpu.memory_space<semaphore_mem>>)
      } else {
      }
      %mul3A_387 = arith.constant 8 : i32
      %mul3A_388 = arith.muli %scan3A_96, %mul3A_387 : i32
      %add3A_389 = arith.constant 7 : i32
      %add3A_390 = arith.addi %mul3A_388, %add3A_389 : i32
      %mul3A_391 = arith.constant 64 : i32
      %mul3A_392 = arith.muli %add3A_390, %mul3A_391 : i32
      %dma_wait3A_393 = arith.constant 7 : i32
      %dma_wait3A_394 = arith.constant 0 : i32
      %dma_wait3A_395 = arith.constant 0 : i32
      %dma_wait3A_396 = tpu.memref_slice %arg7[%dma_wait3A_393, %dma_wait3A_394, %dma_wait3A_395] : memref<8x64x128xf32, #tpu.memory_space<vmem>> -> memref<1x64x128xf32, #tpu.memory_space<vmem>>
      %dma_wait3A_397 = tpu.memref_squeeze %dma_wait3A_396 : memref<1x64x128xf32, #tpu.memory_space<vmem>> -> memref<64x128xf32, #tpu.memory_space<vmem>>
      %dma_wait3A_398 = tpu.memref_slice %arg8[%mul3A_392] : memref<4096xi32, #tpu.memory_space<vmem>> -> memref<64xi32, #tpu.memory_space<vmem>>
      %dma_wait3A_399 = arith.constant 0 : i32
      %dma_wait3A_400 = arith.constant 0 : i32
      %dma_wait3A_401 = tpu.memref_slice %arg2[%dma_wait3A_399, %dma_wait3A_400] : memref<10000x128xf32, #tpu.memory_space<hbm>> -> memref<10000x128xf32, #tpu.memory_space<hbm>>
      tpu.wait_indirect_dma semaphore(%arg18 : memref<!tpu.dma_semaphore, #tpu.memory_space<semaphore_mem>>) src(%dma_wait3A_401 : memref<10000x128xf32, #tpu.memory_space<hbm>>) dst(%dma_wait3A_397 : memref<64x128xf32, #tpu.memory_space<vmem>>)
      %mul3A_402 = arith.constant 64 : i32
      %mul3A_403 = arith.muli %add3A_390, %mul3A_402 : i32
      %dma_start3A_404 = arith.constant 7 : i32
      %dma_start3A_405 = arith.constant 0 : i32
      %dma_start3A_406 = arith.constant 0 : i32
      %dma_start3A_407 = tpu.memref_slice %arg7[%dma_start3A_404, %dma_start3A_405, %dma_start3A_406] : memref<8x64x128xf32, #tpu.memory_space<vmem>> -> memref<1x64x128xf32, #tpu.memory_space<vmem>>
      %dma_start3A_408 = tpu.memref_squeeze %dma_start3A_407 : memref<1x64x128xf32, #tpu.memory_space<vmem>> -> memref<64x128xf32, #tpu.memory_space<vmem>>
      %dma_start3A_409 = tpu.memref_slice %arg9[%mul3A_403] : memref<4096xi32, #tpu.memory_space<vmem>> -> memref<64xi32, #tpu.memory_space<vmem>>
      %dma_start3A_410 = arith.constant 0 : i32
      %dma_start3A_411 = arith.constant 0 : i32
      %dma_start3A_412 = tpu.memref_slice %arg10[%dma_start3A_410, %dma_start3A_411] : memref<4096x128xf32, #tpu.memory_space<vmem_shared>> -> memref<4096x128xf32, #tpu.memory_space<vmem_shared>>
      tpu.enqueue_indirect_dma source(%dma_start3A_408 : memref<64x128xf32, #tpu.memory_space<vmem>>) target(%dma_start3A_412 : memref<4096x128xf32, #tpu.memory_space<vmem_shared>>) offsets(%dma_start3A_409 : memref<64xi32, #tpu.memory_space<vmem>>) semaphore(%arg26 : memref<!tpu.dma_semaphore, #tpu.memory_space<semaphore_mem>>) {add = true}
      %mul3A_413 = arith.constant 64 : i32
      %mul3A_414 = arith.muli %add3A_390, %mul3A_413 : i32
      %dma_wait3A_415 = arith.constant 7 : i32
      %dma_wait3A_416 = arith.constant 0 : i32
      %dma_wait3A_417 = arith.constant 0 : i32
      %dma_wait3A_418 = tpu.memref_slice %arg7[%dma_wait3A_415, %dma_wait3A_416, %dma_wait3A_417] : memref<8x64x128xf32, #tpu.memory_space<vmem>> -> memref<1x64x128xf32, #tpu.memory_space<vmem>>
      %dma_wait3A_419 = tpu.memref_squeeze %dma_wait3A_418 : memref<1x64x128xf32, #tpu.memory_space<vmem>> -> memref<64x128xf32, #tpu.memory_space<vmem>>
      %dma_wait3A_420 = tpu.memref_slice %arg9[%mul3A_414] : memref<4096xi32, #tpu.memory_space<vmem>> -> memref<64xi32, #tpu.memory_space<vmem>>
      %dma_wait3A_421 = arith.constant 0 : i32
      %dma_wait3A_422 = arith.constant 0 : i32
      %dma_wait3A_423 = tpu.memref_slice %arg10[%dma_wait3A_421, %dma_wait3A_422] : memref<4096x128xf32, #tpu.memory_space<vmem_shared>> -> memref<4096x128xf32, #tpu.memory_space<vmem_shared>>
      tpu.wait_indirect_dma semaphore(%arg26 : memref<!tpu.dma_semaphore, #tpu.memory_space<semaphore_mem>>) src(%dma_wait3A_419 : memref<64x128xf32, #tpu.memory_space<vmem>>) dst(%dma_wait3A_423 : memref<4096x128xf32, #tpu.memory_space<vmem_shared>>)
      %lt3A_424 = arith.constant 7 : i32
      %lt3A_425 = arith.cmpi slt, %scan3A_96, %lt3A_424 : i32
      %convert_element_type3A_426 = arith.extui %lt3A_425 : i1 to i32
      %cond3A_427 = arith.constant 0 : i32
      %cond3A_428 = arith.cmpi ne, %convert_element_type3A_426, %cond3A_427 : i32
      scf.if %cond3A_428 {
        %add3A_429 = arith.constant 8 : i32
        %add3A_430 = arith.addi %add3A_390, %add3A_429 : i32
        %mul3A_431 = arith.constant 64 : i32
        %mul3A_432 = arith.muli %add3A_430, %mul3A_431 : i32
        %dma_start3A_433 = arith.constant 7 : i32
        %dma_start3A_434 = arith.constant 0 : i32
        %dma_start3A_435 = arith.constant 0 : i32
        %dma_start3A_436 = tpu.memref_slice %arg7[%dma_start3A_433, %dma_start3A_434, %dma_start3A_435] : memref<8x64x128xf32, #tpu.memory_space<vmem>> -> memref<1x64x128xf32, #tpu.memory_space<vmem>>
        %dma_start3A_437 = tpu.memref_squeeze %dma_start3A_436 : memref<1x64x128xf32, #tpu.memory_space<vmem>> -> memref<64x128xf32, #tpu.memory_space<vmem>>
        %dma_start3A_438 = tpu.memref_slice %arg8[%mul3A_432] : memref<4096xi32, #tpu.memory_space<vmem>> -> memref<64xi32, #tpu.memory_space<vmem>>
        %dma_start3A_439 = arith.constant 0 : i32
        %dma_start3A_440 = arith.constant 0 : i32
        %dma_start3A_441 = tpu.memref_slice %arg2[%dma_start3A_439, %dma_start3A_440] : memref<10000x128xf32, #tpu.memory_space<hbm>> -> memref<10000x128xf32, #tpu.memory_space<hbm>>
        tpu.enqueue_indirect_dma source(%dma_start3A_441 : memref<10000x128xf32, #tpu.memory_space<hbm>>) target(%dma_start3A_437 : memref<64x128xf32, #tpu.memory_space<vmem>>) offsets(%dma_start3A_438 : memref<64xi32, #tpu.memory_space<vmem>>) semaphore(%arg18 : memref<!tpu.dma_semaphore, #tpu.memory_space<semaphore_mem>>)
      } else {
      }
    }
    %scan3A_90 = arith.constant 8 : i32
    %barrier3A_91 = arith.constant 0 : index
    tpu.barrier barrier_id(%barrier3A_91)
    %mul3A_92 = arith.constant 256 : i32
    %mul3A_93 = arith.muli %arg1, %mul3A_92 : i32
    %mul3A_94 = arith.constant 256 : i32
    %mul3A_95 = arith.muli %arg1, %mul3A_94 : i32
    "tpu.region"() ({
      %run_scoped3A = tpu.sem_alloc : memref<!tpu.dma_semaphore, #tpu.memory_space<semaphore_mem>>
      %dma_start3A_96 = arith.constant 0 : i32
      %dma_start3A_97 = tpu.memref_slice %arg6[%arg0, %mul3A_95, %dma_start3A_96] : memref<2x4096x128xf32, #tpu.memory_space<hbm>> -> memref<1x256x128xf32, #tpu.memory_space<hbm>>
      %dma_start3A_98 = tpu.memref_squeeze %dma_start3A_97 : memref<1x256x128xf32, #tpu.memory_space<hbm>> -> memref<256x128xf32, #tpu.memory_space<hbm>>
      %dma_start3A_99 = arith.constant 0 : i32
      %dma_start3A_100 = tpu.memref_slice %arg10[%mul3A_93, %dma_start3A_99] : memref<4096x128xf32, #tpu.memory_space<vmem_shared>> -> memref<256x128xf32, #tpu.memory_space<vmem_shared>>
      tpu.enqueue_dma source(%dma_start3A_100 : memref<256x128xf32, #tpu.memory_space<vmem_shared>>) target(%dma_start3A_98 : memref<256x128xf32, #tpu.memory_space<hbm>>) target_semaphore(%run_scoped3A : memref<!tpu.dma_semaphore, #tpu.memory_space<semaphore_mem>>)
      %dma_wait3A = arith.constant 0 : i32
      %dma_wait3A_101 = tpu.memref_slice %arg6[%arg0, %mul3A_95, %dma_wait3A] : memref<2x4096x128xf32, #tpu.memory_space<hbm>> -> memref<1x256x128xf32, #tpu.memory_space<hbm>>
      %dma_wait3A_102 = tpu.memref_squeeze %dma_wait3A_101 : memref<1x256x128xf32, #tpu.memory_space<hbm>> -> memref<256x128xf32, #tpu.memory_space<hbm>>
      %dma_wait3A_103 = arith.constant 0 : i32
      %dma_wait3A_104 = tpu.memref_slice %arg10[%mul3A_93, %dma_wait3A_103] : memref<4096x128xf32, #tpu.memory_space<vmem_shared>> -> memref<256x128xf32, #tpu.memory_space<vmem_shared>>
      tpu.wait_dma2 semaphore(%run_scoped3A : memref<!tpu.dma_semaphore, #tpu.memory_space<semaphore_mem>>) src(%dma_wait3A_104 : memref<256x128xf32, #tpu.memory_space<vmem_shared>>) dst(%dma_wait3A_102 : memref<256x128xf32, #tpu.memory_space<hbm>>)
      tpu.yield
    }) : () -> ()
    return
  }
}

#map = affine_map<(d0, d1) -> (0, 0)>
#map1 = affine_map<(d0, d1) -> (0)>
#map2 = affine_map<(d0, d1) -> (0, 0, 0)>
module attributes {stable_mosaic.version = 14 : i64} {
  func.func @agg_kernel(%arg0: i32, %arg1: i32, %arg2: memref<50000x128xf32, #tpu.memory_space<hbm>>, %arg3: memref<320000xi32, #tpu.memory_space<hbm>>, %arg4: memref<320000xi32, #tpu.memory_space<hbm>>, %arg5: memref<10112x128xf32, #tpu.memory_space<hbm>>, %arg6: memref<2x10112x128xf32, #tpu.memory_space<hbm>>, %arg7: memref<5x40x128xf32, #tpu.memory_space<vmem>>, %arg8: memref<10000xi32, #tpu.memory_space<vmem>>, %arg9: memref<10000xi32, #tpu.memory_space<vmem>>, %arg10: memref<10112x128xf32, #tpu.memory_space<vmem_shared>>, %arg11: memref<!tpu.dma_semaphore, #tpu.memory_space<semaphore_mem>>, %arg12: memref<!tpu.dma_semaphore, #tpu.memory_space<semaphore_mem>>, %arg13: memref<!tpu.dma_semaphore, #tpu.memory_space<semaphore_mem>>, %arg14: memref<!tpu.dma_semaphore, #tpu.memory_space<semaphore_mem>>, %arg15: memref<!tpu.dma_semaphore, #tpu.memory_space<semaphore_mem>>, %arg16: memref<!tpu.dma_semaphore, #tpu.memory_space<semaphore_mem>>, %arg17: memref<!tpu.dma_semaphore, #tpu.memory_space<semaphore_mem>>, %arg18: memref<!tpu.dma_semaphore, #tpu.memory_space<semaphore_mem>>, %arg19: memref<!tpu.dma_semaphore, #tpu.memory_space<semaphore_mem>>, %arg20: memref<!tpu.dma_semaphore, #tpu.memory_space<semaphore_mem>>) attributes {dimension_semantics = [#tpu.dimension_semantics<core_parallel>, #tpu.dimension_semantics<subcore_parallel>], iteration_bounds = array<i64: 2, 16>, scalar_prefetch = 0 : i64, scratch_operands = 14 : i64, tpu.core_type = #tpu.core_type<sc_vector_subcore>, window_params = [{transform_indices = #map}, {transform_indices = #map1}, {transform_indices = #map1}, {transform_indices = #map}, {transform_indices = #map2}]} {
    %mul3A = arith.constant 16 : i32
    %mul3A_0 = arith.muli %arg0, %mul3A : i32
    %add3A = arith.addi %mul3A_0, %arg1 : i32
    %mul3A_1 = arith.constant 10000 : i32
    %mul3A_2 = arith.muli %add3A, %mul3A_1 : i32
    "tpu.region"() ({
      %run_scoped3A = tpu.sem_alloc : memref<!tpu.dma_semaphore, #tpu.memory_space<semaphore_mem>>
      %dma_start3A_66 = tpu.memref_slice %arg3[%mul3A_2] : memref<320000xi32, #tpu.memory_space<hbm>> -> memref<10000xi32, #tpu.memory_space<hbm>>
      %dma_start3A_67 = tpu.memref_slice %arg3[%mul3A_2] : memref<320000xi32, #tpu.memory_space<hbm>> -> memref<10000xi32, #tpu.memory_space<hbm>>
      tpu.enqueue_dma source(%dma_start3A_67 : memref<10000xi32, #tpu.memory_space<hbm>>) target(%arg8 : memref<10000xi32, #tpu.memory_space<vmem>>) target_semaphore(%run_scoped3A : memref<!tpu.dma_semaphore, #tpu.memory_space<semaphore_mem>>)
      %dma_wait3A = tpu.memref_slice %arg3[%mul3A_2] : memref<320000xi32, #tpu.memory_space<hbm>> -> memref<10000xi32, #tpu.memory_space<hbm>>
      %dma_wait3A_68 = tpu.memref_slice %arg3[%mul3A_2] : memref<320000xi32, #tpu.memory_space<hbm>> -> memref<10000xi32, #tpu.memory_space<hbm>>
      tpu.wait_dma2 semaphore(%run_scoped3A : memref<!tpu.dma_semaphore, #tpu.memory_space<semaphore_mem>>) src(%dma_wait3A_68 : memref<10000xi32, #tpu.memory_space<hbm>>) dst(%arg8 : memref<10000xi32, #tpu.memory_space<vmem>>)
      tpu.yield
    }) : () -> ()
    "tpu.region"() ({
      %run_scoped3A = tpu.sem_alloc : memref<!tpu.dma_semaphore, #tpu.memory_space<semaphore_mem>>
      %dma_start3A_66 = tpu.memref_slice %arg4[%mul3A_2] : memref<320000xi32, #tpu.memory_space<hbm>> -> memref<10000xi32, #tpu.memory_space<hbm>>
      %dma_start3A_67 = tpu.memref_slice %arg4[%mul3A_2] : memref<320000xi32, #tpu.memory_space<hbm>> -> memref<10000xi32, #tpu.memory_space<hbm>>
      tpu.enqueue_dma source(%dma_start3A_67 : memref<10000xi32, #tpu.memory_space<hbm>>) target(%arg9 : memref<10000xi32, #tpu.memory_space<vmem>>) target_semaphore(%run_scoped3A : memref<!tpu.dma_semaphore, #tpu.memory_space<semaphore_mem>>)
      %dma_wait3A = tpu.memref_slice %arg4[%mul3A_2] : memref<320000xi32, #tpu.memory_space<hbm>> -> memref<10000xi32, #tpu.memory_space<hbm>>
      %dma_wait3A_68 = tpu.memref_slice %arg4[%mul3A_2] : memref<320000xi32, #tpu.memory_space<hbm>> -> memref<10000xi32, #tpu.memory_space<hbm>>
      tpu.wait_dma2 semaphore(%run_scoped3A : memref<!tpu.dma_semaphore, #tpu.memory_space<semaphore_mem>>) src(%dma_wait3A_68 : memref<10000xi32, #tpu.memory_space<hbm>>) dst(%arg9 : memref<10000xi32, #tpu.memory_space<vmem>>)
      tpu.yield
    }) : () -> ()
    %mul3A_3 = arith.constant 632 : i32
    %mul3A_4 = arith.muli %arg1, %mul3A_3 : i32
    %mul3A_5 = arith.constant 632 : i32
    %mul3A_6 = arith.muli %arg1, %mul3A_5 : i32
    "tpu.region"() ({
      %run_scoped3A = tpu.sem_alloc : memref<!tpu.dma_semaphore, #tpu.memory_space<semaphore_mem>>
      %dma_start3A_66 = arith.constant 0 : i32
      %dma_start3A_67 = tpu.memref_slice %arg10[%mul3A_6, %dma_start3A_66] : memref<10112x128xf32, #tpu.memory_space<vmem_shared>> -> memref<632x128xf32, #tpu.memory_space<vmem_shared>>
      %dma_start3A_68 = arith.constant 0 : i32
      %dma_start3A_69 = tpu.memref_slice %arg5[%mul3A_4, %dma_start3A_68] : memref<10112x128xf32, #tpu.memory_space<hbm>> -> memref<632x128xf32, #tpu.memory_space<hbm>>
      tpu.enqueue_dma source(%dma_start3A_69 : memref<632x128xf32, #tpu.memory_space<hbm>>) target(%dma_start3A_67 : memref<632x128xf32, #tpu.memory_space<vmem_shared>>) target_semaphore(%run_scoped3A : memref<!tpu.dma_semaphore, #tpu.memory_space<semaphore_mem>>)
      %dma_wait3A = arith.constant 0 : i32
      %dma_wait3A_70 = tpu.memref_slice %arg10[%mul3A_6, %dma_wait3A] : memref<10112x128xf32, #tpu.memory_space<vmem_shared>> -> memref<632x128xf32, #tpu.memory_space<vmem_shared>>
      %dma_wait3A_71 = arith.constant 0 : i32
      %dma_wait3A_72 = tpu.memref_slice %arg5[%mul3A_4, %dma_wait3A_71] : memref<10112x128xf32, #tpu.memory_space<hbm>> -> memref<632x128xf32, #tpu.memory_space<hbm>>
      tpu.wait_dma2 semaphore(%run_scoped3A : memref<!tpu.dma_semaphore, #tpu.memory_space<semaphore_mem>>) src(%dma_wait3A_72 : memref<632x128xf32, #tpu.memory_space<hbm>>) dst(%dma_wait3A_70 : memref<632x128xf32, #tpu.memory_space<vmem_shared>>)
      tpu.yield
    }) : () -> ()
    %barrier3A = arith.constant 0 : index
    tpu.barrier barrier_id(%barrier3A)
    %dma_start3A = arith.constant 0 : i32
    %dma_start3A_7 = arith.constant 0 : i32
    %dma_start3A_8 = arith.constant 0 : i32
    %dma_start3A_9 = tpu.memref_slice %arg7[%dma_start3A, %dma_start3A_7, %dma_start3A_8] : memref<5x40x128xf32, #tpu.memory_space<vmem>> -> memref<1x40x128xf32, #tpu.memory_space<vmem>>
    %dma_start3A_10 = tpu.memref_squeeze %dma_start3A_9 : memref<1x40x128xf32, #tpu.memory_space<vmem>> -> memref<40x128xf32, #tpu.memory_space<vmem>>
    %dma_start3A_11 = arith.constant 0 : i32
    %dma_start3A_12 = tpu.memref_slice %arg8[%dma_start3A_11] : memref<10000xi32, #tpu.memory_space<vmem>> -> memref<40xi32, #tpu.memory_space<vmem>>
    %dma_start3A_13 = arith.constant 0 : i32
    %dma_start3A_14 = arith.constant 0 : i32
    %dma_start3A_15 = tpu.memref_slice %arg2[%dma_start3A_13, %dma_start3A_14] : memref<50000x128xf32, #tpu.memory_space<hbm>> -> memref<50000x128xf32, #tpu.memory_space<hbm>>
    tpu.enqueue_indirect_dma source(%dma_start3A_15 : memref<50000x128xf32, #tpu.memory_space<hbm>>) target(%dma_start3A_10 : memref<40x128xf32, #tpu.memory_space<vmem>>) offsets(%dma_start3A_12 : memref<40xi32, #tpu.memory_space<vmem>>) semaphore(%arg11 : memref<!tpu.dma_semaphore, #tpu.memory_space<semaphore_mem>>)
    %dma_start3A_16 = arith.constant 1 : i32
    %dma_start3A_17 = arith.constant 0 : i32
    %dma_start3A_18 = arith.constant 0 : i32
    %dma_start3A_19 = tpu.memref_slice %arg7[%dma_start3A_16, %dma_start3A_17, %dma_start3A_18] : memref<5x40x128xf32, #tpu.memory_space<vmem>> -> memref<1x40x128xf32, #tpu.memory_space<vmem>>
    %dma_start3A_20 = tpu.memref_squeeze %dma_start3A_19 : memref<1x40x128xf32, #tpu.memory_space<vmem>> -> memref<40x128xf32, #tpu.memory_space<vmem>>
    %dma_start3A_21 = arith.constant 40 : i32
    %dma_start3A_22 = tpu.memref_slice %arg8[%dma_start3A_21] : memref<10000xi32, #tpu.memory_space<vmem>> -> memref<40xi32, #tpu.memory_space<vmem>>
    %dma_start3A_23 = arith.constant 0 : i32
    %dma_start3A_24 = arith.constant 0 : i32
    %dma_start3A_25 = tpu.memref_slice %arg2[%dma_start3A_23, %dma_start3A_24] : memref<50000x128xf32, #tpu.memory_space<hbm>> -> memref<50000x128xf32, #tpu.memory_space<hbm>>
    tpu.enqueue_indirect_dma source(%dma_start3A_25 : memref<50000x128xf32, #tpu.memory_space<hbm>>) target(%dma_start3A_20 : memref<40x128xf32, #tpu.memory_space<vmem>>) offsets(%dma_start3A_22 : memref<40xi32, #tpu.memory_space<vmem>>) semaphore(%arg12 : memref<!tpu.dma_semaphore, #tpu.memory_space<semaphore_mem>>)
    %dma_start3A_26 = arith.constant 2 : i32
    %dma_start3A_27 = arith.constant 0 : i32
    %dma_start3A_28 = arith.constant 0 : i32
    %dma_start3A_29 = tpu.memref_slice %arg7[%dma_start3A_26, %dma_start3A_27, %dma_start3A_28] : memref<5x40x128xf32, #tpu.memory_space<vmem>> -> memref<1x40x128xf32, #tpu.memory_space<vmem>>
    %dma_start3A_30 = tpu.memref_squeeze %dma_start3A_29 : memref<1x40x128xf32, #tpu.memory_space<vmem>> -> memref<40x128xf32, #tpu.memory_space<vmem>>
    %dma_start3A_31 = arith.constant 80 : i32
    %dma_start3A_32 = tpu.memref_slice %arg8[%dma_start3A_31] : memref<10000xi32, #tpu.memory_space<vmem>> -> memref<40xi32, #tpu.memory_space<vmem>>
    %dma_start3A_33 = arith.constant 0 : i32
    %dma_start3A_34 = arith.constant 0 : i32
    %dma_start3A_35 = tpu.memref_slice %arg2[%dma_start3A_33, %dma_start3A_34] : memref<50000x128xf32, #tpu.memory_space<hbm>> -> memref<50000x128xf32, #tpu.memory_space<hbm>>
    tpu.enqueue_indirect_dma source(%dma_start3A_35 : memref<50000x128xf32, #tpu.memory_space<hbm>>) target(%dma_start3A_30 : memref<40x128xf32, #tpu.memory_space<vmem>>) offsets(%dma_start3A_32 : memref<40xi32, #tpu.memory_space<vmem>>) semaphore(%arg13 : memref<!tpu.dma_semaphore, #tpu.memory_space<semaphore_mem>>)
    %dma_start3A_36 = arith.constant 3 : i32
    %dma_start3A_37 = arith.constant 0 : i32
    %dma_start3A_38 = arith.constant 0 : i32
    %dma_start3A_39 = tpu.memref_slice %arg7[%dma_start3A_36, %dma_start3A_37, %dma_start3A_38] : memref<5x40x128xf32, #tpu.memory_space<vmem>> -> memref<1x40x128xf32, #tpu.memory_space<vmem>>
    %dma_start3A_40 = tpu.memref_squeeze %dma_start3A_39 : memref<1x40x128xf32, #tpu.memory_space<vmem>> -> memref<40x128xf32, #tpu.memory_space<vmem>>
    %dma_start3A_41 = arith.constant 120 : i32
    %dma_start3A_42 = tpu.memref_slice %arg8[%dma_start3A_41] : memref<10000xi32, #tpu.memory_space<vmem>> -> memref<40xi32, #tpu.memory_space<vmem>>
    %dma_start3A_43 = arith.constant 0 : i32
    %dma_start3A_44 = arith.constant 0 : i32
    %dma_start3A_45 = tpu.memref_slice %arg2[%dma_start3A_43, %dma_start3A_44] : memref<50000x128xf32, #tpu.memory_space<hbm>> -> memref<50000x128xf32, #tpu.memory_space<hbm>>
    tpu.enqueue_indirect_dma source(%dma_start3A_45 : memref<50000x128xf32, #tpu.memory_space<hbm>>) target(%dma_start3A_40 : memref<40x128xf32, #tpu.memory_space<vmem>>) offsets(%dma_start3A_42 : memref<40xi32, #tpu.memory_space<vmem>>) semaphore(%arg14 : memref<!tpu.dma_semaphore, #tpu.memory_space<semaphore_mem>>)
    %dma_start3A_46 = arith.constant 4 : i32
    %dma_start3A_47 = arith.constant 0 : i32
    %dma_start3A_48 = arith.constant 0 : i32
    %dma_start3A_49 = tpu.memref_slice %arg7[%dma_start3A_46, %dma_start3A_47, %dma_start3A_48] : memref<5x40x128xf32, #tpu.memory_space<vmem>> -> memref<1x40x128xf32, #tpu.memory_space<vmem>>
    %dma_start3A_50 = tpu.memref_squeeze %dma_start3A_49 : memref<1x40x128xf32, #tpu.memory_space<vmem>> -> memref<40x128xf32, #tpu.memory_space<vmem>>
    %dma_start3A_51 = arith.constant 160 : i32
    %dma_start3A_52 = tpu.memref_slice %arg8[%dma_start3A_51] : memref<10000xi32, #tpu.memory_space<vmem>> -> memref<40xi32, #tpu.memory_space<vmem>>
    %dma_start3A_53 = arith.constant 0 : i32
    %dma_start3A_54 = arith.constant 0 : i32
    %dma_start3A_55 = tpu.memref_slice %arg2[%dma_start3A_53, %dma_start3A_54] : memref<50000x128xf32, #tpu.memory_space<hbm>> -> memref<50000x128xf32, #tpu.memory_space<hbm>>
    tpu.enqueue_indirect_dma source(%dma_start3A_55 : memref<50000x128xf32, #tpu.memory_space<hbm>>) target(%dma_start3A_50 : memref<40x128xf32, #tpu.memory_space<vmem>>) offsets(%dma_start3A_52 : memref<40xi32, #tpu.memory_space<vmem>>) semaphore(%arg15 : memref<!tpu.dma_semaphore, #tpu.memory_space<semaphore_mem>>)
    %scan3A = arith.constant 0 : i32
    %scan3A_56 = arith.constant 0 : i32
    %scan3A_57 = arith.constant 50 : i32
    %scan3A_58 = arith.addi %scan3A_56, %scan3A_57 : i32
    %scan3A_59 = arith.constant 1 : i32
    scf.for %scan3A_66 = %scan3A_56 to %scan3A_58 step %scan3A_59  : i32 {
      %mul3A_67 = arith.constant 5 : i32
      %mul3A_68 = arith.muli %scan3A_66, %mul3A_67 : i32
      %add3A_69 = arith.constant 0 : i32
      %add3A_70 = arith.addi %mul3A_68, %add3A_69 : i32
      %mul3A_71 = arith.constant 40 : i32
      %mul3A_72 = arith.muli %add3A_70, %mul3A_71 : i32
      %dma_wait3A = arith.constant 0 : i32
      %dma_wait3A_73 = arith.constant 0 : i32
      %dma_wait3A_74 = arith.constant 0 : i32
      %dma_wait3A_75 = tpu.memref_slice %arg7[%dma_wait3A, %dma_wait3A_73, %dma_wait3A_74] : memref<5x40x128xf32, #tpu.memory_space<vmem>> -> memref<1x40x128xf32, #tpu.memory_space<vmem>>
      %dma_wait3A_76 = tpu.memref_squeeze %dma_wait3A_75 : memref<1x40x128xf32, #tpu.memory_space<vmem>> -> memref<40x128xf32, #tpu.memory_space<vmem>>
      %dma_wait3A_77 = tpu.memref_slice %arg8[%mul3A_72] : memref<10000xi32, #tpu.memory_space<vmem>> -> memref<40xi32, #tpu.memory_space<vmem>>
      %dma_wait3A_78 = arith.constant 0 : i32
      %dma_wait3A_79 = arith.constant 0 : i32
      %dma_wait3A_80 = tpu.memref_slice %arg2[%dma_wait3A_78, %dma_wait3A_79] : memref<50000x128xf32, #tpu.memory_space<hbm>> -> memref<50000x128xf32, #tpu.memory_space<hbm>>
      tpu.wait_indirect_dma semaphore(%arg11 : memref<!tpu.dma_semaphore, #tpu.memory_space<semaphore_mem>>) src(%dma_wait3A_80 : memref<50000x128xf32, #tpu.memory_space<hbm>>) dst(%dma_wait3A_76 : memref<40x128xf32, #tpu.memory_space<vmem>>)
      %mul3A_81 = arith.constant 40 : i32
      %mul3A_82 = arith.muli %add3A_70, %mul3A_81 : i32
      %dma_start3A_83 = arith.constant 0 : i32
      %dma_start3A_84 = arith.constant 0 : i32
      %dma_start3A_85 = arith.constant 0 : i32
      %dma_start3A_86 = tpu.memref_slice %arg7[%dma_start3A_83, %dma_start3A_84, %dma_start3A_85] : memref<5x40x128xf32, #tpu.memory_space<vmem>> -> memref<1x40x128xf32, #tpu.memory_space<vmem>>
      %dma_start3A_87 = tpu.memref_squeeze %dma_start3A_86 : memref<1x40x128xf32, #tpu.memory_space<vmem>> -> memref<40x128xf32, #tpu.memory_space<vmem>>
      %dma_start3A_88 = tpu.memref_slice %arg9[%mul3A_82] : memref<10000xi32, #tpu.memory_space<vmem>> -> memref<40xi32, #tpu.memory_space<vmem>>
      %dma_start3A_89 = arith.constant 0 : i32
      %dma_start3A_90 = arith.constant 0 : i32
      %dma_start3A_91 = tpu.memref_slice %arg10[%dma_start3A_89, %dma_start3A_90] : memref<10112x128xf32, #tpu.memory_space<vmem_shared>> -> memref<10112x128xf32, #tpu.memory_space<vmem_shared>>
      tpu.enqueue_indirect_dma source(%dma_start3A_87 : memref<40x128xf32, #tpu.memory_space<vmem>>) target(%dma_start3A_91 : memref<10112x128xf32, #tpu.memory_space<vmem_shared>>) offsets(%dma_start3A_88 : memref<40xi32, #tpu.memory_space<vmem>>) semaphore(%arg16 : memref<!tpu.dma_semaphore, #tpu.memory_space<semaphore_mem>>) {add = true}
      %mul3A_92 = arith.constant 40 : i32
      %mul3A_93 = arith.muli %add3A_70, %mul3A_92 : i32
      %dma_wait3A_94 = arith.constant 0 : i32
      %dma_wait3A_95 = arith.constant 0 : i32
      %dma_wait3A_96 = arith.constant 0 : i32
      %dma_wait3A_97 = tpu.memref_slice %arg7[%dma_wait3A_94, %dma_wait3A_95, %dma_wait3A_96] : memref<5x40x128xf32, #tpu.memory_space<vmem>> -> memref<1x40x128xf32, #tpu.memory_space<vmem>>
      %dma_wait3A_98 = tpu.memref_squeeze %dma_wait3A_97 : memref<1x40x128xf32, #tpu.memory_space<vmem>> -> memref<40x128xf32, #tpu.memory_space<vmem>>
      %dma_wait3A_99 = tpu.memref_slice %arg9[%mul3A_93] : memref<10000xi32, #tpu.memory_space<vmem>> -> memref<40xi32, #tpu.memory_space<vmem>>
      %dma_wait3A_100 = arith.constant 0 : i32
      %dma_wait3A_101 = arith.constant 0 : i32
      %dma_wait3A_102 = tpu.memref_slice %arg10[%dma_wait3A_100, %dma_wait3A_101] : memref<10112x128xf32, #tpu.memory_space<vmem_shared>> -> memref<10112x128xf32, #tpu.memory_space<vmem_shared>>
      tpu.wait_indirect_dma semaphore(%arg16 : memref<!tpu.dma_semaphore, #tpu.memory_space<semaphore_mem>>) src(%dma_wait3A_98 : memref<40x128xf32, #tpu.memory_space<vmem>>) dst(%dma_wait3A_102 : memref<10112x128xf32, #tpu.memory_space<vmem_shared>>)
      %lt3A = arith.constant 49 : i32
      %lt3A_103 = arith.cmpi slt, %scan3A_66, %lt3A : i32
      %convert_element_type3A = arith.extui %lt3A_103 : i1 to i32
      %cond3A = arith.constant 0 : i32
      %cond3A_104 = arith.cmpi ne, %convert_element_type3A, %cond3A : i32
      scf.if %cond3A_104 {
        %add3A_273 = arith.constant 5 : i32
        %add3A_274 = arith.addi %add3A_70, %add3A_273 : i32
        %mul3A_275 = arith.constant 40 : i32
        %mul3A_276 = arith.muli %add3A_274, %mul3A_275 : i32
        %dma_start3A_277 = arith.constant 0 : i32
        %dma_start3A_278 = arith.constant 0 : i32
        %dma_start3A_279 = arith.constant 0 : i32
        %dma_start3A_280 = tpu.memref_slice %arg7[%dma_start3A_277, %dma_start3A_278, %dma_start3A_279] : memref<5x40x128xf32, #tpu.memory_space<vmem>> -> memref<1x40x128xf32, #tpu.memory_space<vmem>>
        %dma_start3A_281 = tpu.memref_squeeze %dma_start3A_280 : memref<1x40x128xf32, #tpu.memory_space<vmem>> -> memref<40x128xf32, #tpu.memory_space<vmem>>
        %dma_start3A_282 = tpu.memref_slice %arg8[%mul3A_276] : memref<10000xi32, #tpu.memory_space<vmem>> -> memref<40xi32, #tpu.memory_space<vmem>>
        %dma_start3A_283 = arith.constant 0 : i32
        %dma_start3A_284 = arith.constant 0 : i32
        %dma_start3A_285 = tpu.memref_slice %arg2[%dma_start3A_283, %dma_start3A_284] : memref<50000x128xf32, #tpu.memory_space<hbm>> -> memref<50000x128xf32, #tpu.memory_space<hbm>>
        tpu.enqueue_indirect_dma source(%dma_start3A_285 : memref<50000x128xf32, #tpu.memory_space<hbm>>) target(%dma_start3A_281 : memref<40x128xf32, #tpu.memory_space<vmem>>) offsets(%dma_start3A_282 : memref<40xi32, #tpu.memory_space<vmem>>) semaphore(%arg11 : memref<!tpu.dma_semaphore, #tpu.memory_space<semaphore_mem>>)
      } else {
      }
      %mul3A_105 = arith.constant 5 : i32
      %mul3A_106 = arith.muli %scan3A_66, %mul3A_105 : i32
      %add3A_107 = arith.constant 1 : i32
      %add3A_108 = arith.addi %mul3A_106, %add3A_107 : i32
      %mul3A_109 = arith.constant 40 : i32
      %mul3A_110 = arith.muli %add3A_108, %mul3A_109 : i32
      %dma_wait3A_111 = arith.constant 1 : i32
      %dma_wait3A_112 = arith.constant 0 : i32
      %dma_wait3A_113 = arith.constant 0 : i32
      %dma_wait3A_114 = tpu.memref_slice %arg7[%dma_wait3A_111, %dma_wait3A_112, %dma_wait3A_113] : memref<5x40x128xf32, #tpu.memory_space<vmem>> -> memref<1x40x128xf32, #tpu.memory_space<vmem>>
      %dma_wait3A_115 = tpu.memref_squeeze %dma_wait3A_114 : memref<1x40x128xf32, #tpu.memory_space<vmem>> -> memref<40x128xf32, #tpu.memory_space<vmem>>
      %dma_wait3A_116 = tpu.memref_slice %arg8[%mul3A_110] : memref<10000xi32, #tpu.memory_space<vmem>> -> memref<40xi32, #tpu.memory_space<vmem>>
      %dma_wait3A_117 = arith.constant 0 : i32
      %dma_wait3A_118 = arith.constant 0 : i32
      %dma_wait3A_119 = tpu.memref_slice %arg2[%dma_wait3A_117, %dma_wait3A_118] : memref<50000x128xf32, #tpu.memory_space<hbm>> -> memref<50000x128xf32, #tpu.memory_space<hbm>>
      tpu.wait_indirect_dma semaphore(%arg12 : memref<!tpu.dma_semaphore, #tpu.memory_space<semaphore_mem>>) src(%dma_wait3A_119 : memref<50000x128xf32, #tpu.memory_space<hbm>>) dst(%dma_wait3A_115 : memref<40x128xf32, #tpu.memory_space<vmem>>)
      %mul3A_120 = arith.constant 40 : i32
      %mul3A_121 = arith.muli %add3A_108, %mul3A_120 : i32
      %dma_start3A_122 = arith.constant 1 : i32
      %dma_start3A_123 = arith.constant 0 : i32
      %dma_start3A_124 = arith.constant 0 : i32
      %dma_start3A_125 = tpu.memref_slice %arg7[%dma_start3A_122, %dma_start3A_123, %dma_start3A_124] : memref<5x40x128xf32, #tpu.memory_space<vmem>> -> memref<1x40x128xf32, #tpu.memory_space<vmem>>
      %dma_start3A_126 = tpu.memref_squeeze %dma_start3A_125 : memref<1x40x128xf32, #tpu.memory_space<vmem>> -> memref<40x128xf32, #tpu.memory_space<vmem>>
      %dma_start3A_127 = tpu.memref_slice %arg9[%mul3A_121] : memref<10000xi32, #tpu.memory_space<vmem>> -> memref<40xi32, #tpu.memory_space<vmem>>
      %dma_start3A_128 = arith.constant 0 : i32
      %dma_start3A_129 = arith.constant 0 : i32
      %dma_start3A_130 = tpu.memref_slice %arg10[%dma_start3A_128, %dma_start3A_129] : memref<10112x128xf32, #tpu.memory_space<vmem_shared>> -> memref<10112x128xf32, #tpu.memory_space<vmem_shared>>
      tpu.enqueue_indirect_dma source(%dma_start3A_126 : memref<40x128xf32, #tpu.memory_space<vmem>>) target(%dma_start3A_130 : memref<10112x128xf32, #tpu.memory_space<vmem_shared>>) offsets(%dma_start3A_127 : memref<40xi32, #tpu.memory_space<vmem>>) semaphore(%arg17 : memref<!tpu.dma_semaphore, #tpu.memory_space<semaphore_mem>>) {add = true}
      %mul3A_131 = arith.constant 40 : i32
      %mul3A_132 = arith.muli %add3A_108, %mul3A_131 : i32
      %dma_wait3A_133 = arith.constant 1 : i32
      %dma_wait3A_134 = arith.constant 0 : i32
      %dma_wait3A_135 = arith.constant 0 : i32
      %dma_wait3A_136 = tpu.memref_slice %arg7[%dma_wait3A_133, %dma_wait3A_134, %dma_wait3A_135] : memref<5x40x128xf32, #tpu.memory_space<vmem>> -> memref<1x40x128xf32, #tpu.memory_space<vmem>>
      %dma_wait3A_137 = tpu.memref_squeeze %dma_wait3A_136 : memref<1x40x128xf32, #tpu.memory_space<vmem>> -> memref<40x128xf32, #tpu.memory_space<vmem>>
      %dma_wait3A_138 = tpu.memref_slice %arg9[%mul3A_132] : memref<10000xi32, #tpu.memory_space<vmem>> -> memref<40xi32, #tpu.memory_space<vmem>>
      %dma_wait3A_139 = arith.constant 0 : i32
      %dma_wait3A_140 = arith.constant 0 : i32
      %dma_wait3A_141 = tpu.memref_slice %arg10[%dma_wait3A_139, %dma_wait3A_140] : memref<10112x128xf32, #tpu.memory_space<vmem_shared>> -> memref<10112x128xf32, #tpu.memory_space<vmem_shared>>
      tpu.wait_indirect_dma semaphore(%arg17 : memref<!tpu.dma_semaphore, #tpu.memory_space<semaphore_mem>>) src(%dma_wait3A_137 : memref<40x128xf32, #tpu.memory_space<vmem>>) dst(%dma_wait3A_141 : memref<10112x128xf32, #tpu.memory_space<vmem_shared>>)
      %lt3A_142 = arith.constant 49 : i32
      %lt3A_143 = arith.cmpi slt, %scan3A_66, %lt3A_142 : i32
      %convert_element_type3A_144 = arith.extui %lt3A_143 : i1 to i32
      %cond3A_145 = arith.constant 0 : i32
      %cond3A_146 = arith.cmpi ne, %convert_element_type3A_144, %cond3A_145 : i32
      scf.if %cond3A_146 {
        %add3A_273 = arith.constant 5 : i32
        %add3A_274 = arith.addi %add3A_108, %add3A_273 : i32
        %mul3A_275 = arith.constant 40 : i32
        %mul3A_276 = arith.muli %add3A_274, %mul3A_275 : i32
        %dma_start3A_277 = arith.constant 1 : i32
        %dma_start3A_278 = arith.constant 0 : i32
        %dma_start3A_279 = arith.constant 0 : i32
        %dma_start3A_280 = tpu.memref_slice %arg7[%dma_start3A_277, %dma_start3A_278, %dma_start3A_279] : memref<5x40x128xf32, #tpu.memory_space<vmem>> -> memref<1x40x128xf32, #tpu.memory_space<vmem>>
        %dma_start3A_281 = tpu.memref_squeeze %dma_start3A_280 : memref<1x40x128xf32, #tpu.memory_space<vmem>> -> memref<40x128xf32, #tpu.memory_space<vmem>>
        %dma_start3A_282 = tpu.memref_slice %arg8[%mul3A_276] : memref<10000xi32, #tpu.memory_space<vmem>> -> memref<40xi32, #tpu.memory_space<vmem>>
        %dma_start3A_283 = arith.constant 0 : i32
        %dma_start3A_284 = arith.constant 0 : i32
        %dma_start3A_285 = tpu.memref_slice %arg2[%dma_start3A_283, %dma_start3A_284] : memref<50000x128xf32, #tpu.memory_space<hbm>> -> memref<50000x128xf32, #tpu.memory_space<hbm>>
        tpu.enqueue_indirect_dma source(%dma_start3A_285 : memref<50000x128xf32, #tpu.memory_space<hbm>>) target(%dma_start3A_281 : memref<40x128xf32, #tpu.memory_space<vmem>>) offsets(%dma_start3A_282 : memref<40xi32, #tpu.memory_space<vmem>>) semaphore(%arg12 : memref<!tpu.dma_semaphore, #tpu.memory_space<semaphore_mem>>)
      } else {
      }
      %mul3A_147 = arith.constant 5 : i32
      %mul3A_148 = arith.muli %scan3A_66, %mul3A_147 : i32
      %add3A_149 = arith.constant 2 : i32
      %add3A_150 = arith.addi %mul3A_148, %add3A_149 : i32
      %mul3A_151 = arith.constant 40 : i32
      %mul3A_152 = arith.muli %add3A_150, %mul3A_151 : i32
      %dma_wait3A_153 = arith.constant 2 : i32
      %dma_wait3A_154 = arith.constant 0 : i32
      %dma_wait3A_155 = arith.constant 0 : i32
      %dma_wait3A_156 = tpu.memref_slice %arg7[%dma_wait3A_153, %dma_wait3A_154, %dma_wait3A_155] : memref<5x40x128xf32, #tpu.memory_space<vmem>> -> memref<1x40x128xf32, #tpu.memory_space<vmem>>
      %dma_wait3A_157 = tpu.memref_squeeze %dma_wait3A_156 : memref<1x40x128xf32, #tpu.memory_space<vmem>> -> memref<40x128xf32, #tpu.memory_space<vmem>>
      %dma_wait3A_158 = tpu.memref_slice %arg8[%mul3A_152] : memref<10000xi32, #tpu.memory_space<vmem>> -> memref<40xi32, #tpu.memory_space<vmem>>
      %dma_wait3A_159 = arith.constant 0 : i32
      %dma_wait3A_160 = arith.constant 0 : i32
      %dma_wait3A_161 = tpu.memref_slice %arg2[%dma_wait3A_159, %dma_wait3A_160] : memref<50000x128xf32, #tpu.memory_space<hbm>> -> memref<50000x128xf32, #tpu.memory_space<hbm>>
      tpu.wait_indirect_dma semaphore(%arg13 : memref<!tpu.dma_semaphore, #tpu.memory_space<semaphore_mem>>) src(%dma_wait3A_161 : memref<50000x128xf32, #tpu.memory_space<hbm>>) dst(%dma_wait3A_157 : memref<40x128xf32, #tpu.memory_space<vmem>>)
      %mul3A_162 = arith.constant 40 : i32
      %mul3A_163 = arith.muli %add3A_150, %mul3A_162 : i32
      %dma_start3A_164 = arith.constant 2 : i32
      %dma_start3A_165 = arith.constant 0 : i32
      %dma_start3A_166 = arith.constant 0 : i32
      %dma_start3A_167 = tpu.memref_slice %arg7[%dma_start3A_164, %dma_start3A_165, %dma_start3A_166] : memref<5x40x128xf32, #tpu.memory_space<vmem>> -> memref<1x40x128xf32, #tpu.memory_space<vmem>>
      %dma_start3A_168 = tpu.memref_squeeze %dma_start3A_167 : memref<1x40x128xf32, #tpu.memory_space<vmem>> -> memref<40x128xf32, #tpu.memory_space<vmem>>
      %dma_start3A_169 = tpu.memref_slice %arg9[%mul3A_163] : memref<10000xi32, #tpu.memory_space<vmem>> -> memref<40xi32, #tpu.memory_space<vmem>>
      %dma_start3A_170 = arith.constant 0 : i32
      %dma_start3A_171 = arith.constant 0 : i32
      %dma_start3A_172 = tpu.memref_slice %arg10[%dma_start3A_170, %dma_start3A_171] : memref<10112x128xf32, #tpu.memory_space<vmem_shared>> -> memref<10112x128xf32, #tpu.memory_space<vmem_shared>>
      tpu.enqueue_indirect_dma source(%dma_start3A_168 : memref<40x128xf32, #tpu.memory_space<vmem>>) target(%dma_start3A_172 : memref<10112x128xf32, #tpu.memory_space<vmem_shared>>) offsets(%dma_start3A_169 : memref<40xi32, #tpu.memory_space<vmem>>) semaphore(%arg18 : memref<!tpu.dma_semaphore, #tpu.memory_space<semaphore_mem>>) {add = true}
      %mul3A_173 = arith.constant 40 : i32
      %mul3A_174 = arith.muli %add3A_150, %mul3A_173 : i32
      %dma_wait3A_175 = arith.constant 2 : i32
      %dma_wait3A_176 = arith.constant 0 : i32
      %dma_wait3A_177 = arith.constant 0 : i32
      %dma_wait3A_178 = tpu.memref_slice %arg7[%dma_wait3A_175, %dma_wait3A_176, %dma_wait3A_177] : memref<5x40x128xf32, #tpu.memory_space<vmem>> -> memref<1x40x128xf32, #tpu.memory_space<vmem>>
      %dma_wait3A_179 = tpu.memref_squeeze %dma_wait3A_178 : memref<1x40x128xf32, #tpu.memory_space<vmem>> -> memref<40x128xf32, #tpu.memory_space<vmem>>
      %dma_wait3A_180 = tpu.memref_slice %arg9[%mul3A_174] : memref<10000xi32, #tpu.memory_space<vmem>> -> memref<40xi32, #tpu.memory_space<vmem>>
      %dma_wait3A_181 = arith.constant 0 : i32
      %dma_wait3A_182 = arith.constant 0 : i32
      %dma_wait3A_183 = tpu.memref_slice %arg10[%dma_wait3A_181, %dma_wait3A_182] : memref<10112x128xf32, #tpu.memory_space<vmem_shared>> -> memref<10112x128xf32, #tpu.memory_space<vmem_shared>>
      tpu.wait_indirect_dma semaphore(%arg18 : memref<!tpu.dma_semaphore, #tpu.memory_space<semaphore_mem>>) src(%dma_wait3A_179 : memref<40x128xf32, #tpu.memory_space<vmem>>) dst(%dma_wait3A_183 : memref<10112x128xf32, #tpu.memory_space<vmem_shared>>)
      %lt3A_184 = arith.constant 49 : i32
      %lt3A_185 = arith.cmpi slt, %scan3A_66, %lt3A_184 : i32
      %convert_element_type3A_186 = arith.extui %lt3A_185 : i1 to i32
      %cond3A_187 = arith.constant 0 : i32
      %cond3A_188 = arith.cmpi ne, %convert_element_type3A_186, %cond3A_187 : i32
      scf.if %cond3A_188 {
        %add3A_273 = arith.constant 5 : i32
        %add3A_274 = arith.addi %add3A_150, %add3A_273 : i32
        %mul3A_275 = arith.constant 40 : i32
        %mul3A_276 = arith.muli %add3A_274, %mul3A_275 : i32
        %dma_start3A_277 = arith.constant 2 : i32
        %dma_start3A_278 = arith.constant 0 : i32
        %dma_start3A_279 = arith.constant 0 : i32
        %dma_start3A_280 = tpu.memref_slice %arg7[%dma_start3A_277, %dma_start3A_278, %dma_start3A_279] : memref<5x40x128xf32, #tpu.memory_space<vmem>> -> memref<1x40x128xf32, #tpu.memory_space<vmem>>
        %dma_start3A_281 = tpu.memref_squeeze %dma_start3A_280 : memref<1x40x128xf32, #tpu.memory_space<vmem>> -> memref<40x128xf32, #tpu.memory_space<vmem>>
        %dma_start3A_282 = tpu.memref_slice %arg8[%mul3A_276] : memref<10000xi32, #tpu.memory_space<vmem>> -> memref<40xi32, #tpu.memory_space<vmem>>
        %dma_start3A_283 = arith.constant 0 : i32
        %dma_start3A_284 = arith.constant 0 : i32
        %dma_start3A_285 = tpu.memref_slice %arg2[%dma_start3A_283, %dma_start3A_284] : memref<50000x128xf32, #tpu.memory_space<hbm>> -> memref<50000x128xf32, #tpu.memory_space<hbm>>
        tpu.enqueue_indirect_dma source(%dma_start3A_285 : memref<50000x128xf32, #tpu.memory_space<hbm>>) target(%dma_start3A_281 : memref<40x128xf32, #tpu.memory_space<vmem>>) offsets(%dma_start3A_282 : memref<40xi32, #tpu.memory_space<vmem>>) semaphore(%arg13 : memref<!tpu.dma_semaphore, #tpu.memory_space<semaphore_mem>>)
      } else {
      }
      %mul3A_189 = arith.constant 5 : i32
      %mul3A_190 = arith.muli %scan3A_66, %mul3A_189 : i32
      %add3A_191 = arith.constant 3 : i32
      %add3A_192 = arith.addi %mul3A_190, %add3A_191 : i32
      %mul3A_193 = arith.constant 40 : i32
      %mul3A_194 = arith.muli %add3A_192, %mul3A_193 : i32
      %dma_wait3A_195 = arith.constant 3 : i32
      %dma_wait3A_196 = arith.constant 0 : i32
      %dma_wait3A_197 = arith.constant 0 : i32
      %dma_wait3A_198 = tpu.memref_slice %arg7[%dma_wait3A_195, %dma_wait3A_196, %dma_wait3A_197] : memref<5x40x128xf32, #tpu.memory_space<vmem>> -> memref<1x40x128xf32, #tpu.memory_space<vmem>>
      %dma_wait3A_199 = tpu.memref_squeeze %dma_wait3A_198 : memref<1x40x128xf32, #tpu.memory_space<vmem>> -> memref<40x128xf32, #tpu.memory_space<vmem>>
      %dma_wait3A_200 = tpu.memref_slice %arg8[%mul3A_194] : memref<10000xi32, #tpu.memory_space<vmem>> -> memref<40xi32, #tpu.memory_space<vmem>>
      %dma_wait3A_201 = arith.constant 0 : i32
      %dma_wait3A_202 = arith.constant 0 : i32
      %dma_wait3A_203 = tpu.memref_slice %arg2[%dma_wait3A_201, %dma_wait3A_202] : memref<50000x128xf32, #tpu.memory_space<hbm>> -> memref<50000x128xf32, #tpu.memory_space<hbm>>
      tpu.wait_indirect_dma semaphore(%arg14 : memref<!tpu.dma_semaphore, #tpu.memory_space<semaphore_mem>>) src(%dma_wait3A_203 : memref<50000x128xf32, #tpu.memory_space<hbm>>) dst(%dma_wait3A_199 : memref<40x128xf32, #tpu.memory_space<vmem>>)
      %mul3A_204 = arith.constant 40 : i32
      %mul3A_205 = arith.muli %add3A_192, %mul3A_204 : i32
      %dma_start3A_206 = arith.constant 3 : i32
      %dma_start3A_207 = arith.constant 0 : i32
      %dma_start3A_208 = arith.constant 0 : i32
      %dma_start3A_209 = tpu.memref_slice %arg7[%dma_start3A_206, %dma_start3A_207, %dma_start3A_208] : memref<5x40x128xf32, #tpu.memory_space<vmem>> -> memref<1x40x128xf32, #tpu.memory_space<vmem>>
      %dma_start3A_210 = tpu.memref_squeeze %dma_start3A_209 : memref<1x40x128xf32, #tpu.memory_space<vmem>> -> memref<40x128xf32, #tpu.memory_space<vmem>>
      %dma_start3A_211 = tpu.memref_slice %arg9[%mul3A_205] : memref<10000xi32, #tpu.memory_space<vmem>> -> memref<40xi32, #tpu.memory_space<vmem>>
      %dma_start3A_212 = arith.constant 0 : i32
      %dma_start3A_213 = arith.constant 0 : i32
      %dma_start3A_214 = tpu.memref_slice %arg10[%dma_start3A_212, %dma_start3A_213] : memref<10112x128xf32, #tpu.memory_space<vmem_shared>> -> memref<10112x128xf32, #tpu.memory_space<vmem_shared>>
      tpu.enqueue_indirect_dma source(%dma_start3A_210 : memref<40x128xf32, #tpu.memory_space<vmem>>) target(%dma_start3A_214 : memref<10112x128xf32, #tpu.memory_space<vmem_shared>>) offsets(%dma_start3A_211 : memref<40xi32, #tpu.memory_space<vmem>>) semaphore(%arg19 : memref<!tpu.dma_semaphore, #tpu.memory_space<semaphore_mem>>) {add = true}
      %mul3A_215 = arith.constant 40 : i32
      %mul3A_216 = arith.muli %add3A_192, %mul3A_215 : i32
      %dma_wait3A_217 = arith.constant 3 : i32
      %dma_wait3A_218 = arith.constant 0 : i32
      %dma_wait3A_219 = arith.constant 0 : i32
      %dma_wait3A_220 = tpu.memref_slice %arg7[%dma_wait3A_217, %dma_wait3A_218, %dma_wait3A_219] : memref<5x40x128xf32, #tpu.memory_space<vmem>> -> memref<1x40x128xf32, #tpu.memory_space<vmem>>
      %dma_wait3A_221 = tpu.memref_squeeze %dma_wait3A_220 : memref<1x40x128xf32, #tpu.memory_space<vmem>> -> memref<40x128xf32, #tpu.memory_space<vmem>>
      %dma_wait3A_222 = tpu.memref_slice %arg9[%mul3A_216] : memref<10000xi32, #tpu.memory_space<vmem>> -> memref<40xi32, #tpu.memory_space<vmem>>
      %dma_wait3A_223 = arith.constant 0 : i32
      %dma_wait3A_224 = arith.constant 0 : i32
      %dma_wait3A_225 = tpu.memref_slice %arg10[%dma_wait3A_223, %dma_wait3A_224] : memref<10112x128xf32, #tpu.memory_space<vmem_shared>> -> memref<10112x128xf32, #tpu.memory_space<vmem_shared>>
      tpu.wait_indirect_dma semaphore(%arg19 : memref<!tpu.dma_semaphore, #tpu.memory_space<semaphore_mem>>) src(%dma_wait3A_221 : memref<40x128xf32, #tpu.memory_space<vmem>>) dst(%dma_wait3A_225 : memref<10112x128xf32, #tpu.memory_space<vmem_shared>>)
      %lt3A_226 = arith.constant 49 : i32
      %lt3A_227 = arith.cmpi slt, %scan3A_66, %lt3A_226 : i32
      %convert_element_type3A_228 = arith.extui %lt3A_227 : i1 to i32
      %cond3A_229 = arith.constant 0 : i32
      %cond3A_230 = arith.cmpi ne, %convert_element_type3A_228, %cond3A_229 : i32
      scf.if %cond3A_230 {
        %add3A_273 = arith.constant 5 : i32
        %add3A_274 = arith.addi %add3A_192, %add3A_273 : i32
        %mul3A_275 = arith.constant 40 : i32
        %mul3A_276 = arith.muli %add3A_274, %mul3A_275 : i32
        %dma_start3A_277 = arith.constant 3 : i32
        %dma_start3A_278 = arith.constant 0 : i32
        %dma_start3A_279 = arith.constant 0 : i32
        %dma_start3A_280 = tpu.memref_slice %arg7[%dma_start3A_277, %dma_start3A_278, %dma_start3A_279] : memref<5x40x128xf32, #tpu.memory_space<vmem>> -> memref<1x40x128xf32, #tpu.memory_space<vmem>>
        %dma_start3A_281 = tpu.memref_squeeze %dma_start3A_280 : memref<1x40x128xf32, #tpu.memory_space<vmem>> -> memref<40x128xf32, #tpu.memory_space<vmem>>
        %dma_start3A_282 = tpu.memref_slice %arg8[%mul3A_276] : memref<10000xi32, #tpu.memory_space<vmem>> -> memref<40xi32, #tpu.memory_space<vmem>>
        %dma_start3A_283 = arith.constant 0 : i32
        %dma_start3A_284 = arith.constant 0 : i32
        %dma_start3A_285 = tpu.memref_slice %arg2[%dma_start3A_283, %dma_start3A_284] : memref<50000x128xf32, #tpu.memory_space<hbm>> -> memref<50000x128xf32, #tpu.memory_space<hbm>>
        tpu.enqueue_indirect_dma source(%dma_start3A_285 : memref<50000x128xf32, #tpu.memory_space<hbm>>) target(%dma_start3A_281 : memref<40x128xf32, #tpu.memory_space<vmem>>) offsets(%dma_start3A_282 : memref<40xi32, #tpu.memory_space<vmem>>) semaphore(%arg14 : memref<!tpu.dma_semaphore, #tpu.memory_space<semaphore_mem>>)
      } else {
      }
      %mul3A_231 = arith.constant 5 : i32
      %mul3A_232 = arith.muli %scan3A_66, %mul3A_231 : i32
      %add3A_233 = arith.constant 4 : i32
      %add3A_234 = arith.addi %mul3A_232, %add3A_233 : i32
      %mul3A_235 = arith.constant 40 : i32
      %mul3A_236 = arith.muli %add3A_234, %mul3A_235 : i32
      %dma_wait3A_237 = arith.constant 4 : i32
      %dma_wait3A_238 = arith.constant 0 : i32
      %dma_wait3A_239 = arith.constant 0 : i32
      %dma_wait3A_240 = tpu.memref_slice %arg7[%dma_wait3A_237, %dma_wait3A_238, %dma_wait3A_239] : memref<5x40x128xf32, #tpu.memory_space<vmem>> -> memref<1x40x128xf32, #tpu.memory_space<vmem>>
      %dma_wait3A_241 = tpu.memref_squeeze %dma_wait3A_240 : memref<1x40x128xf32, #tpu.memory_space<vmem>> -> memref<40x128xf32, #tpu.memory_space<vmem>>
      %dma_wait3A_242 = tpu.memref_slice %arg8[%mul3A_236] : memref<10000xi32, #tpu.memory_space<vmem>> -> memref<40xi32, #tpu.memory_space<vmem>>
      %dma_wait3A_243 = arith.constant 0 : i32
      %dma_wait3A_244 = arith.constant 0 : i32
      %dma_wait3A_245 = tpu.memref_slice %arg2[%dma_wait3A_243, %dma_wait3A_244] : memref<50000x128xf32, #tpu.memory_space<hbm>> -> memref<50000x128xf32, #tpu.memory_space<hbm>>
      tpu.wait_indirect_dma semaphore(%arg15 : memref<!tpu.dma_semaphore, #tpu.memory_space<semaphore_mem>>) src(%dma_wait3A_245 : memref<50000x128xf32, #tpu.memory_space<hbm>>) dst(%dma_wait3A_241 : memref<40x128xf32, #tpu.memory_space<vmem>>)
      %mul3A_246 = arith.constant 40 : i32
      %mul3A_247 = arith.muli %add3A_234, %mul3A_246 : i32
      %dma_start3A_248 = arith.constant 4 : i32
      %dma_start3A_249 = arith.constant 0 : i32
      %dma_start3A_250 = arith.constant 0 : i32
      %dma_start3A_251 = tpu.memref_slice %arg7[%dma_start3A_248, %dma_start3A_249, %dma_start3A_250] : memref<5x40x128xf32, #tpu.memory_space<vmem>> -> memref<1x40x128xf32, #tpu.memory_space<vmem>>
      %dma_start3A_252 = tpu.memref_squeeze %dma_start3A_251 : memref<1x40x128xf32, #tpu.memory_space<vmem>> -> memref<40x128xf32, #tpu.memory_space<vmem>>
      %dma_start3A_253 = tpu.memref_slice %arg9[%mul3A_247] : memref<10000xi32, #tpu.memory_space<vmem>> -> memref<40xi32, #tpu.memory_space<vmem>>
      %dma_start3A_254 = arith.constant 0 : i32
      %dma_start3A_255 = arith.constant 0 : i32
      %dma_start3A_256 = tpu.memref_slice %arg10[%dma_start3A_254, %dma_start3A_255] : memref<10112x128xf32, #tpu.memory_space<vmem_shared>> -> memref<10112x128xf32, #tpu.memory_space<vmem_shared>>
      tpu.enqueue_indirect_dma source(%dma_start3A_252 : memref<40x128xf32, #tpu.memory_space<vmem>>) target(%dma_start3A_256 : memref<10112x128xf32, #tpu.memory_space<vmem_shared>>) offsets(%dma_start3A_253 : memref<40xi32, #tpu.memory_space<vmem>>) semaphore(%arg20 : memref<!tpu.dma_semaphore, #tpu.memory_space<semaphore_mem>>) {add = true}
      %mul3A_257 = arith.constant 40 : i32
      %mul3A_258 = arith.muli %add3A_234, %mul3A_257 : i32
      %dma_wait3A_259 = arith.constant 4 : i32
      %dma_wait3A_260 = arith.constant 0 : i32
      %dma_wait3A_261 = arith.constant 0 : i32
      %dma_wait3A_262 = tpu.memref_slice %arg7[%dma_wait3A_259, %dma_wait3A_260, %dma_wait3A_261] : memref<5x40x128xf32, #tpu.memory_space<vmem>> -> memref<1x40x128xf32, #tpu.memory_space<vmem>>
      %dma_wait3A_263 = tpu.memref_squeeze %dma_wait3A_262 : memref<1x40x128xf32, #tpu.memory_space<vmem>> -> memref<40x128xf32, #tpu.memory_space<vmem>>
      %dma_wait3A_264 = tpu.memref_slice %arg9[%mul3A_258] : memref<10000xi32, #tpu.memory_space<vmem>> -> memref<40xi32, #tpu.memory_space<vmem>>
      %dma_wait3A_265 = arith.constant 0 : i32
      %dma_wait3A_266 = arith.constant 0 : i32
      %dma_wait3A_267 = tpu.memref_slice %arg10[%dma_wait3A_265, %dma_wait3A_266] : memref<10112x128xf32, #tpu.memory_space<vmem_shared>> -> memref<10112x128xf32, #tpu.memory_space<vmem_shared>>
      tpu.wait_indirect_dma semaphore(%arg20 : memref<!tpu.dma_semaphore, #tpu.memory_space<semaphore_mem>>) src(%dma_wait3A_263 : memref<40x128xf32, #tpu.memory_space<vmem>>) dst(%dma_wait3A_267 : memref<10112x128xf32, #tpu.memory_space<vmem_shared>>)
      %lt3A_268 = arith.constant 49 : i32
      %lt3A_269 = arith.cmpi slt, %scan3A_66, %lt3A_268 : i32
      %convert_element_type3A_270 = arith.extui %lt3A_269 : i1 to i32
      %cond3A_271 = arith.constant 0 : i32
      %cond3A_272 = arith.cmpi ne, %convert_element_type3A_270, %cond3A_271 : i32
      scf.if %cond3A_272 {
        %add3A_273 = arith.constant 5 : i32
        %add3A_274 = arith.addi %add3A_234, %add3A_273 : i32
        %mul3A_275 = arith.constant 40 : i32
        %mul3A_276 = arith.muli %add3A_274, %mul3A_275 : i32
        %dma_start3A_277 = arith.constant 4 : i32
        %dma_start3A_278 = arith.constant 0 : i32
        %dma_start3A_279 = arith.constant 0 : i32
        %dma_start3A_280 = tpu.memref_slice %arg7[%dma_start3A_277, %dma_start3A_278, %dma_start3A_279] : memref<5x40x128xf32, #tpu.memory_space<vmem>> -> memref<1x40x128xf32, #tpu.memory_space<vmem>>
        %dma_start3A_281 = tpu.memref_squeeze %dma_start3A_280 : memref<1x40x128xf32, #tpu.memory_space<vmem>> -> memref<40x128xf32, #tpu.memory_space<vmem>>
        %dma_start3A_282 = tpu.memref_slice %arg8[%mul3A_276] : memref<10000xi32, #tpu.memory_space<vmem>> -> memref<40xi32, #tpu.memory_space<vmem>>
        %dma_start3A_283 = arith.constant 0 : i32
        %dma_start3A_284 = arith.constant 0 : i32
        %dma_start3A_285 = tpu.memref_slice %arg2[%dma_start3A_283, %dma_start3A_284] : memref<50000x128xf32, #tpu.memory_space<hbm>> -> memref<50000x128xf32, #tpu.memory_space<hbm>>
        tpu.enqueue_indirect_dma source(%dma_start3A_285 : memref<50000x128xf32, #tpu.memory_space<hbm>>) target(%dma_start3A_281 : memref<40x128xf32, #tpu.memory_space<vmem>>) offsets(%dma_start3A_282 : memref<40xi32, #tpu.memory_space<vmem>>) semaphore(%arg15 : memref<!tpu.dma_semaphore, #tpu.memory_space<semaphore_mem>>)
      } else {
      }
    }
    %scan3A_60 = arith.constant 50 : i32
    %barrier3A_61 = arith.constant 0 : index
    tpu.barrier barrier_id(%barrier3A_61)
    %mul3A_62 = arith.constant 632 : i32
    %mul3A_63 = arith.muli %arg1, %mul3A_62 : i32
    %mul3A_64 = arith.constant 632 : i32
    %mul3A_65 = arith.muli %arg1, %mul3A_64 : i32
    "tpu.region"() ({
      %run_scoped3A = tpu.sem_alloc : memref<!tpu.dma_semaphore, #tpu.memory_space<semaphore_mem>>
      %dma_start3A_66 = arith.constant 0 : i32
      %dma_start3A_67 = tpu.memref_slice %arg6[%arg0, %mul3A_65, %dma_start3A_66] : memref<2x10112x128xf32, #tpu.memory_space<hbm>> -> memref<1x632x128xf32, #tpu.memory_space<hbm>>
      %dma_start3A_68 = tpu.memref_squeeze %dma_start3A_67 : memref<1x632x128xf32, #tpu.memory_space<hbm>> -> memref<632x128xf32, #tpu.memory_space<hbm>>
      %dma_start3A_69 = arith.constant 0 : i32
      %dma_start3A_70 = tpu.memref_slice %arg10[%mul3A_63, %dma_start3A_69] : memref<10112x128xf32, #tpu.memory_space<vmem_shared>> -> memref<632x128xf32, #tpu.memory_space<vmem_shared>>
      tpu.enqueue_dma source(%dma_start3A_70 : memref<632x128xf32, #tpu.memory_space<vmem_shared>>) target(%dma_start3A_68 : memref<632x128xf32, #tpu.memory_space<hbm>>) target_semaphore(%run_scoped3A : memref<!tpu.dma_semaphore, #tpu.memory_space<semaphore_mem>>)
      %dma_wait3A = arith.constant 0 : i32
      %dma_wait3A_71 = tpu.memref_slice %arg6[%arg0, %mul3A_65, %dma_wait3A] : memref<2x10112x128xf32, #tpu.memory_space<hbm>> -> memref<1x632x128xf32, #tpu.memory_space<hbm>>
      %dma_wait3A_72 = tpu.memref_squeeze %dma_wait3A_71 : memref<1x632x128xf32, #tpu.memory_space<hbm>> -> memref<632x128xf32, #tpu.memory_space<hbm>>
      %dma_wait3A_73 = arith.constant 0 : i32
      %dma_wait3A_74 = tpu.memref_slice %arg10[%mul3A_63, %dma_wait3A_73] : memref<10112x128xf32, #tpu.memory_space<vmem_shared>> -> memref<632x128xf32, #tpu.memory_space<vmem_shared>>
      tpu.wait_dma2 semaphore(%run_scoped3A : memref<!tpu.dma_semaphore, #tpu.memory_space<semaphore_mem>>) src(%dma_wait3A_74 : memref<632x128xf32, #tpu.memory_space<vmem_shared>>) dst(%dma_wait3A_72 : memref<632x128xf32, #tpu.memory_space<hbm>>)
      tpu.yield
    }) : () -> ()
    return
  }
}

#map = affine_map<(d0, d1) -> (0, 0)>
#map1 = affine_map<(d0, d1) -> (0, 0, 0)>
module attributes {stable_mosaic.version = 14 : i64} {
  func.func @cnt_kernel(%arg0: i32, %arg1: i32, %arg2: memref<2048x64xi32, #tpu.memory_space<hbm>>, %arg3: memref<64x16xf32, #tpu.memory_space<hbm>>, %arg4: memref<4096x16xf32, #tpu.memory_space<hbm>>, %arg5: memref<2x4096x16xf32, #tpu.memory_space<hbm>>, %arg6: memref<64x64xi32, #tpu.memory_space<vmem>>, %arg7: memref<64x16xf32, #tpu.memory_space<vmem>>, %arg8: memref<4096x16xf32, #tpu.memory_space<vmem_shared>>, %arg9: memref<!tpu.dma_semaphore, #tpu.memory_space<semaphore_mem>>) attributes {dimension_semantics = [#tpu.dimension_semantics<core_parallel>, #tpu.dimension_semantics<subcore_parallel>], iteration_bounds = array<i64: 2, 16>, scalar_prefetch = 0 : i64, scratch_operands = 4 : i64, tpu.core_type = #tpu.core_type<sc_vector_subcore>, window_params = [{transform_indices = #map}, {transform_indices = #map}, {transform_indices = #map}, {transform_indices = #map1}]} {
    %mul3A = arith.constant 16 : i32
    %mul3A_0 = arith.muli %arg0, %mul3A : i32
    %add3A = arith.addi %mul3A_0, %arg1 : i32
    %mul3A_1 = arith.constant 256 : i32
    %mul3A_2 = arith.muli %arg1, %mul3A_1 : i32
    %mul3A_3 = arith.constant 256 : i32
    %mul3A_4 = arith.muli %arg1, %mul3A_3 : i32
    "tpu.region"() ({
      %run_scoped3A = tpu.sem_alloc : memref<!tpu.dma_semaphore, #tpu.memory_space<semaphore_mem>>
      %dma_start3A_127 = arith.constant 0 : i32
      %dma_start3A_128 = tpu.memref_slice %arg8[%mul3A_4, %dma_start3A_127] : memref<4096x16xf32, #tpu.memory_space<vmem_shared>> -> memref<256x16xf32, #tpu.memory_space<vmem_shared>>
      %dma_start3A_129 = arith.constant 0 : i32
      %dma_start3A_130 = tpu.memref_slice %arg4[%mul3A_2, %dma_start3A_129] : memref<4096x16xf32, #tpu.memory_space<hbm>> -> memref<256x16xf32, #tpu.memory_space<hbm>>
      tpu.enqueue_dma source(%dma_start3A_130 : memref<256x16xf32, #tpu.memory_space<hbm>>) target(%dma_start3A_128 : memref<256x16xf32, #tpu.memory_space<vmem_shared>>) target_semaphore(%run_scoped3A : memref<!tpu.dma_semaphore, #tpu.memory_space<semaphore_mem>>)
      %dma_wait3A_131 = arith.constant 0 : i32
      %dma_wait3A_132 = tpu.memref_slice %arg8[%mul3A_4, %dma_wait3A_131] : memref<4096x16xf32, #tpu.memory_space<vmem_shared>> -> memref<256x16xf32, #tpu.memory_space<vmem_shared>>
      %dma_wait3A_133 = arith.constant 0 : i32
      %dma_wait3A_134 = tpu.memref_slice %arg4[%mul3A_2, %dma_wait3A_133] : memref<4096x16xf32, #tpu.memory_space<hbm>> -> memref<256x16xf32, #tpu.memory_space<hbm>>
      tpu.wait_dma2 semaphore(%run_scoped3A : memref<!tpu.dma_semaphore, #tpu.memory_space<semaphore_mem>>) src(%dma_wait3A_134 : memref<256x16xf32, #tpu.memory_space<hbm>>) dst(%dma_wait3A_132 : memref<256x16xf32, #tpu.memory_space<vmem_shared>>)
      tpu.yield
    }) : () -> ()
    %mul3A_5 = arith.constant 64 : i32
    %mul3A_6 = arith.muli %add3A, %mul3A_5 : i32
    "tpu.region"() ({
      %run_scoped3A = tpu.sem_alloc : memref<!tpu.dma_semaphore, #tpu.memory_space<semaphore_mem>>
      %dma_start3A_127 = arith.constant 0 : i32
      %dma_start3A_128 = tpu.memref_slice %arg2[%mul3A_6, %dma_start3A_127] : memref<2048x64xi32, #tpu.memory_space<hbm>> -> memref<64x64xi32, #tpu.memory_space<hbm>>
      %dma_start3A_129 = arith.constant 0 : i32
      %dma_start3A_130 = tpu.memref_slice %arg2[%mul3A_6, %dma_start3A_129] : memref<2048x64xi32, #tpu.memory_space<hbm>> -> memref<64x64xi32, #tpu.memory_space<hbm>>
      tpu.enqueue_dma source(%dma_start3A_130 : memref<64x64xi32, #tpu.memory_space<hbm>>) target(%arg6 : memref<64x64xi32, #tpu.memory_space<vmem>>) target_semaphore(%run_scoped3A : memref<!tpu.dma_semaphore, #tpu.memory_space<semaphore_mem>>)
      %dma_wait3A_131 = arith.constant 0 : i32
      %dma_wait3A_132 = tpu.memref_slice %arg2[%mul3A_6, %dma_wait3A_131] : memref<2048x64xi32, #tpu.memory_space<hbm>> -> memref<64x64xi32, #tpu.memory_space<hbm>>
      %dma_wait3A_133 = arith.constant 0 : i32
      %dma_wait3A_134 = tpu.memref_slice %arg2[%mul3A_6, %dma_wait3A_133] : memref<2048x64xi32, #tpu.memory_space<hbm>> -> memref<64x64xi32, #tpu.memory_space<hbm>>
      tpu.wait_dma2 semaphore(%run_scoped3A : memref<!tpu.dma_semaphore, #tpu.memory_space<semaphore_mem>>) src(%dma_wait3A_134 : memref<64x64xi32, #tpu.memory_space<hbm>>) dst(%arg6 : memref<64x64xi32, #tpu.memory_space<vmem>>)
      tpu.yield
    }) : () -> ()
    "tpu.region"() ({
      %run_scoped3A = tpu.sem_alloc : memref<!tpu.dma_semaphore, #tpu.memory_space<semaphore_mem>>
      tpu.enqueue_dma source(%arg3 : memref<64x16xf32, #tpu.memory_space<hbm>>) target(%arg7 : memref<64x16xf32, #tpu.memory_space<vmem>>) target_semaphore(%run_scoped3A : memref<!tpu.dma_semaphore, #tpu.memory_space<semaphore_mem>>)
      tpu.wait_dma2 semaphore(%run_scoped3A : memref<!tpu.dma_semaphore, #tpu.memory_space<semaphore_mem>>) src(%arg3 : memref<64x16xf32, #tpu.memory_space<hbm>>) dst(%arg7 : memref<64x16xf32, #tpu.memory_space<vmem>>)
      tpu.yield
    }) : () -> ()
    %barrier3A = arith.constant 0 : index
    tpu.barrier barrier_id(%barrier3A)
    %dma_start3A = arith.constant 0 : i32
    %dma_start3A_7 = arith.constant 0 : i32
    %dma_start3A_8 = tpu.memref_slice %arg6[%dma_start3A, %dma_start3A_7] : memref<64x64xi32, #tpu.memory_space<vmem>> -> memref<1x64xi32, #tpu.memory_space<vmem>>
    %dma_start3A_9 = tpu.memref_squeeze %dma_start3A_8 : memref<1x64xi32, #tpu.memory_space<vmem>> -> memref<64xi32, #tpu.memory_space<vmem>>
    %dma_start3A_10 = arith.constant 0 : i32
    %dma_start3A_11 = arith.constant 0 : i32
    %dma_start3A_12 = tpu.memref_slice %arg8[%dma_start3A_10, %dma_start3A_11] : memref<4096x16xf32, #tpu.memory_space<vmem_shared>> -> memref<4096x16xf32, #tpu.memory_space<vmem_shared>>
    tpu.enqueue_indirect_dma source(%arg7 : memref<64x16xf32, #tpu.memory_space<vmem>>) target(%dma_start3A_12 : memref<4096x16xf32, #tpu.memory_space<vmem_shared>>) offsets(%dma_start3A_9 : memref<64xi32, #tpu.memory_space<vmem>>) semaphore(%arg9 : memref<!tpu.dma_semaphore, #tpu.memory_space<semaphore_mem>>) {add = true}
    %dma_start3A_13 = arith.constant 1 : i32
    %dma_start3A_14 = arith.constant 0 : i32
    %dma_start3A_15 = tpu.memref_slice %arg6[%dma_start3A_13, %dma_start3A_14] : memref<64x64xi32, #tpu.memory_space<vmem>> -> memref<1x64xi32, #tpu.memory_space<vmem>>
    %dma_start3A_16 = tpu.memref_squeeze %dma_start3A_15 : memref<1x64xi32, #tpu.memory_space<vmem>> -> memref<64xi32, #tpu.memory_space<vmem>>
    %dma_start3A_17 = arith.constant 0 : i32
    %dma_start3A_18 = arith.constant 0 : i32
    %dma_start3A_19 = tpu.memref_slice %arg8[%dma_start3A_17, %dma_start3A_18] : memref<4096x16xf32, #tpu.memory_space<vmem_shared>> -> memref<4096x16xf32, #tpu.memory_space<vmem_shared>>
    tpu.enqueue_indirect_dma source(%arg7 : memref<64x16xf32, #tpu.memory_space<vmem>>) target(%dma_start3A_19 : memref<4096x16xf32, #tpu.memory_space<vmem_shared>>) offsets(%dma_start3A_16 : memref<64xi32, #tpu.memory_space<vmem>>) semaphore(%arg9 : memref<!tpu.dma_semaphore, #tpu.memory_space<semaphore_mem>>) {add = true}
    %dma_start3A_20 = arith.constant 2 : i32
    %dma_start3A_21 = arith.constant 0 : i32
    %dma_start3A_22 = tpu.memref_slice %arg6[%dma_start3A_20, %dma_start3A_21] : memref<64x64xi32, #tpu.memory_space<vmem>> -> memref<1x64xi32, #tpu.memory_space<vmem>>
    %dma_start3A_23 = tpu.memref_squeeze %dma_start3A_22 : memref<1x64xi32, #tpu.memory_space<vmem>> -> memref<64xi32, #tpu.memory_space<vmem>>
    %dma_start3A_24 = arith.constant 0 : i32
    %dma_start3A_25 = arith.constant 0 : i32
    %dma_start3A_26 = tpu.memref_slice %arg8[%dma_start3A_24, %dma_start3A_25] : memref<4096x16xf32, #tpu.memory_space<vmem_shared>> -> memref<4096x16xf32, #tpu.memory_space<vmem_shared>>
    tpu.enqueue_indirect_dma source(%arg7 : memref<64x16xf32, #tpu.memory_space<vmem>>) target(%dma_start3A_26 : memref<4096x16xf32, #tpu.memory_space<vmem_shared>>) offsets(%dma_start3A_23 : memref<64xi32, #tpu.memory_space<vmem>>) semaphore(%arg9 : memref<!tpu.dma_semaphore, #tpu.memory_space<semaphore_mem>>) {add = true}
    %dma_start3A_27 = arith.constant 3 : i32
    %dma_start3A_28 = arith.constant 0 : i32
    %dma_start3A_29 = tpu.memref_slice %arg6[%dma_start3A_27, %dma_start3A_28] : memref<64x64xi32, #tpu.memory_space<vmem>> -> memref<1x64xi32, #tpu.memory_space<vmem>>
    %dma_start3A_30 = tpu.memref_squeeze %dma_start3A_29 : memref<1x64xi32, #tpu.memory_space<vmem>> -> memref<64xi32, #tpu.memory_space<vmem>>
    %dma_start3A_31 = arith.constant 0 : i32
    %dma_start3A_32 = arith.constant 0 : i32
    %dma_start3A_33 = tpu.memref_slice %arg8[%dma_start3A_31, %dma_start3A_32] : memref<4096x16xf32, #tpu.memory_space<vmem_shared>> -> memref<4096x16xf32, #tpu.memory_space<vmem_shared>>
    tpu.enqueue_indirect_dma source(%arg7 : memref<64x16xf32, #tpu.memory_space<vmem>>) target(%dma_start3A_33 : memref<4096x16xf32, #tpu.memory_space<vmem_shared>>) offsets(%dma_start3A_30 : memref<64xi32, #tpu.memory_space<vmem>>) semaphore(%arg9 : memref<!tpu.dma_semaphore, #tpu.memory_space<semaphore_mem>>) {add = true}
    %dma_start3A_34 = arith.constant 4 : i32
    %dma_start3A_35 = arith.constant 0 : i32
    %dma_start3A_36 = tpu.memref_slice %arg6[%dma_start3A_34, %dma_start3A_35] : memref<64x64xi32, #tpu.memory_space<vmem>> -> memref<1x64xi32, #tpu.memory_space<vmem>>
    %dma_start3A_37 = tpu.memref_squeeze %dma_start3A_36 : memref<1x64xi32, #tpu.memory_space<vmem>> -> memref<64xi32, #tpu.memory_space<vmem>>
    %dma_start3A_38 = arith.constant 0 : i32
    %dma_start3A_39 = arith.constant 0 : i32
    %dma_start3A_40 = tpu.memref_slice %arg8[%dma_start3A_38, %dma_start3A_39] : memref<4096x16xf32, #tpu.memory_space<vmem_shared>> -> memref<4096x16xf32, #tpu.memory_space<vmem_shared>>
    tpu.enqueue_indirect_dma source(%arg7 : memref<64x16xf32, #tpu.memory_space<vmem>>) target(%dma_start3A_40 : memref<4096x16xf32, #tpu.memory_space<vmem_shared>>) offsets(%dma_start3A_37 : memref<64xi32, #tpu.memory_space<vmem>>) semaphore(%arg9 : memref<!tpu.dma_semaphore, #tpu.memory_space<semaphore_mem>>) {add = true}
    %dma_start3A_41 = arith.constant 5 : i32
    %dma_start3A_42 = arith.constant 0 : i32
    %dma_start3A_43 = tpu.memref_slice %arg6[%dma_start3A_41, %dma_start3A_42] : memref<64x64xi32, #tpu.memory_space<vmem>> -> memref<1x64xi32, #tpu.memory_space<vmem>>
    %dma_start3A_44 = tpu.memref_squeeze %dma_start3A_43 : memref<1x64xi32, #tpu.memory_space<vmem>> -> memref<64xi32, #tpu.memory_space<vmem>>
    %dma_start3A_45 = arith.constant 0 : i32
    %dma_start3A_46 = arith.constant 0 : i32
    %dma_start3A_47 = tpu.memref_slice %arg8[%dma_start3A_45, %dma_start3A_46] : memref<4096x16xf32, #tpu.memory_space<vmem_shared>> -> memref<4096x16xf32, #tpu.memory_space<vmem_shared>>
    tpu.enqueue_indirect_dma source(%arg7 : memref<64x16xf32, #tpu.memory_space<vmem>>) target(%dma_start3A_47 : memref<4096x16xf32, #tpu.memory_space<vmem_shared>>) offsets(%dma_start3A_44 : memref<64xi32, #tpu.memory_space<vmem>>) semaphore(%arg9 : memref<!tpu.dma_semaphore, #tpu.memory_space<semaphore_mem>>) {add = true}
    %dma_start3A_48 = arith.constant 6 : i32
    %dma_start3A_49 = arith.constant 0 : i32
    %dma_start3A_50 = tpu.memref_slice %arg6[%dma_start3A_48, %dma_start3A_49] : memref<64x64xi32, #tpu.memory_space<vmem>> -> memref<1x64xi32, #tpu.memory_space<vmem>>
    %dma_start3A_51 = tpu.memref_squeeze %dma_start3A_50 : memref<1x64xi32, #tpu.memory_space<vmem>> -> memref<64xi32, #tpu.memory_space<vmem>>
    %dma_start3A_52 = arith.constant 0 : i32
    %dma_start3A_53 = arith.constant 0 : i32
    %dma_start3A_54 = tpu.memref_slice %arg8[%dma_start3A_52, %dma_start3A_53] : memref<4096x16xf32, #tpu.memory_space<vmem_shared>> -> memref<4096x16xf32, #tpu.memory_space<vmem_shared>>
    tpu.enqueue_indirect_dma source(%arg7 : memref<64x16xf32, #tpu.memory_space<vmem>>) target(%dma_start3A_54 : memref<4096x16xf32, #tpu.memory_space<vmem_shared>>) offsets(%dma_start3A_51 : memref<64xi32, #tpu.memory_space<vmem>>) semaphore(%arg9 : memref<!tpu.dma_semaphore, #tpu.memory_space<semaphore_mem>>) {add = true}
    %dma_start3A_55 = arith.constant 7 : i32
    %dma_start3A_56 = arith.constant 0 : i32
    %dma_start3A_57 = tpu.memref_slice %arg6[%dma_start3A_55, %dma_start3A_56] : memref<64x64xi32, #tpu.memory_space<vmem>> -> memref<1x64xi32, #tpu.memory_space<vmem>>
    %dma_start3A_58 = tpu.memref_squeeze %dma_start3A_57 : memref<1x64xi32, #tpu.memory_space<vmem>> -> memref<64xi32, #tpu.memory_space<vmem>>
    %dma_start3A_59 = arith.constant 0 : i32
    %dma_start3A_60 = arith.constant 0 : i32
    %dma_start3A_61 = tpu.memref_slice %arg8[%dma_start3A_59, %dma_start3A_60] : memref<4096x16xf32, #tpu.memory_space<vmem_shared>> -> memref<4096x16xf32, #tpu.memory_space<vmem_shared>>
    tpu.enqueue_indirect_dma source(%arg7 : memref<64x16xf32, #tpu.memory_space<vmem>>) target(%dma_start3A_61 : memref<4096x16xf32, #tpu.memory_space<vmem_shared>>) offsets(%dma_start3A_58 : memref<64xi32, #tpu.memory_space<vmem>>) semaphore(%arg9 : memref<!tpu.dma_semaphore, #tpu.memory_space<semaphore_mem>>) {add = true}
    %scan3A = arith.constant 0 : i32
    %scan3A_62 = arith.constant 0 : i32
    %scan3A_63 = arith.constant 56 : i32
    %scan3A_64 = arith.addi %scan3A_62, %scan3A_63 : i32
    %scan3A_65 = arith.constant 1 : i32
    scf.for %scan3A_127 = %scan3A_62 to %scan3A_64 step %scan3A_65  : i32 {
      %dma_wait3A_128 = arith.constant 0 : i32
      %dma_wait3A_129 = tpu.memref_slice %arg6[%scan3A_127, %dma_wait3A_128] : memref<64x64xi32, #tpu.memory_space<vmem>> -> memref<1x64xi32, #tpu.memory_space<vmem>>
      %dma_wait3A_130 = tpu.memref_squeeze %dma_wait3A_129 : memref<1x64xi32, #tpu.memory_space<vmem>> -> memref<64xi32, #tpu.memory_space<vmem>>
      %dma_wait3A_131 = arith.constant 0 : i32
      %dma_wait3A_132 = arith.constant 0 : i32
      %dma_wait3A_133 = tpu.memref_slice %arg8[%dma_wait3A_131, %dma_wait3A_132] : memref<4096x16xf32, #tpu.memory_space<vmem_shared>> -> memref<4096x16xf32, #tpu.memory_space<vmem_shared>>
      tpu.wait_indirect_dma semaphore(%arg9 : memref<!tpu.dma_semaphore, #tpu.memory_space<semaphore_mem>>) src(%arg7 : memref<64x16xf32, #tpu.memory_space<vmem>>) dst(%dma_wait3A_133 : memref<4096x16xf32, #tpu.memory_space<vmem_shared>>)
      %add3A_134 = arith.constant 8 : i32
      %add3A_135 = arith.addi %scan3A_127, %add3A_134 : i32
      %dma_start3A_136 = arith.constant 0 : i32
      %dma_start3A_137 = tpu.memref_slice %arg6[%add3A_135, %dma_start3A_136] : memref<64x64xi32, #tpu.memory_space<vmem>> -> memref<1x64xi32, #tpu.memory_space<vmem>>
      %dma_start3A_138 = tpu.memref_squeeze %dma_start3A_137 : memref<1x64xi32, #tpu.memory_space<vmem>> -> memref<64xi32, #tpu.memory_space<vmem>>
      %dma_start3A_139 = arith.constant 0 : i32
      %dma_start3A_140 = arith.constant 0 : i32
      %dma_start3A_141 = tpu.memref_slice %arg8[%dma_start3A_139, %dma_start3A_140] : memref<4096x16xf32, #tpu.memory_space<vmem_shared>> -> memref<4096x16xf32, #tpu.memory_space<vmem_shared>>
      tpu.enqueue_indirect_dma source(%arg7 : memref<64x16xf32, #tpu.memory_space<vmem>>) target(%dma_start3A_141 : memref<4096x16xf32, #tpu.memory_space<vmem_shared>>) offsets(%dma_start3A_138 : memref<64xi32, #tpu.memory_space<vmem>>) semaphore(%arg9 : memref<!tpu.dma_semaphore, #tpu.memory_space<semaphore_mem>>) {add = true}
    }
    %scan3A_66 = arith.constant 56 : i32
    %dma_wait3A = arith.constant 0 : i32
    %dma_wait3A_67 = arith.constant 0 : i32
    %dma_wait3A_68 = tpu.memref_slice %arg6[%dma_wait3A, %dma_wait3A_67] : memref<64x64xi32, #tpu.memory_space<vmem>> -> memref<1x64xi32, #tpu.memory_space<vmem>>
    %dma_wait3A_69 = tpu.memref_squeeze %dma_wait3A_68 : memref<1x64xi32, #tpu.memory_space<vmem>> -> memref<64xi32, #tpu.memory_space<vmem>>
    %dma_wait3A_70 = arith.constant 0 : i32
    %dma_wait3A_71 = arith.constant 0 : i32
    %dma_wait3A_72 = tpu.memref_slice %arg8[%dma_wait3A_70, %dma_wait3A_71] : memref<4096x16xf32, #tpu.memory_space<vmem_shared>> -> memref<4096x16xf32, #tpu.memory_space<vmem_shared>>
    tpu.wait_indirect_dma semaphore(%arg9 : memref<!tpu.dma_semaphore, #tpu.memory_space<semaphore_mem>>) src(%arg7 : memref<64x16xf32, #tpu.memory_space<vmem>>) dst(%dma_wait3A_72 : memref<4096x16xf32, #tpu.memory_space<vmem_shared>>)
    %dma_wait3A_73 = arith.constant 0 : i32
    %dma_wait3A_74 = arith.constant 0 : i32
    %dma_wait3A_75 = tpu.memref_slice %arg6[%dma_wait3A_73, %dma_wait3A_74] : memref<64x64xi32, #tpu.memory_space<vmem>> -> memref<1x64xi32, #tpu.memory_space<vmem>>
    %dma_wait3A_76 = tpu.memref_squeeze %dma_wait3A_75 : memref<1x64xi32, #tpu.memory_space<vmem>> -> memref<64xi32, #tpu.memory_space<vmem>>
    %dma_wait3A_77 = arith.constant 0 : i32
    %dma_wait3A_78 = arith.constant 0 : i32
    %dma_wait3A_79 = tpu.memref_slice %arg8[%dma_wait3A_77, %dma_wait3A_78] : memref<4096x16xf32, #tpu.memory_space<vmem_shared>> -> memref<4096x16xf32, #tpu.memory_space<vmem_shared>>
    tpu.wait_indirect_dma semaphore(%arg9 : memref<!tpu.dma_semaphore, #tpu.memory_space<semaphore_mem>>) src(%arg7 : memref<64x16xf32, #tpu.memory_space<vmem>>) dst(%dma_wait3A_79 : memref<4096x16xf32, #tpu.memory_space<vmem_shared>>)
    %dma_wait3A_80 = arith.constant 0 : i32
    %dma_wait3A_81 = arith.constant 0 : i32
    %dma_wait3A_82 = tpu.memref_slice %arg6[%dma_wait3A_80, %dma_wait3A_81] : memref<64x64xi32, #tpu.memory_space<vmem>> -> memref<1x64xi32, #tpu.memory_space<vmem>>
    %dma_wait3A_83 = tpu.memref_squeeze %dma_wait3A_82 : memref<1x64xi32, #tpu.memory_space<vmem>> -> memref<64xi32, #tpu.memory_space<vmem>>
    %dma_wait3A_84 = arith.constant 0 : i32
    %dma_wait3A_85 = arith.constant 0 : i32
    %dma_wait3A_86 = tpu.memref_slice %arg8[%dma_wait3A_84, %dma_wait3A_85] : memref<4096x16xf32, #tpu.memory_space<vmem_shared>> -> memref<4096x16xf32, #tpu.memory_space<vmem_shared>>
    tpu.wait_indirect_dma semaphore(%arg9 : memref<!tpu.dma_semaphore, #tpu.memory_space<semaphore_mem>>) src(%arg7 : memref<64x16xf32, #tpu.memory_space<vmem>>) dst(%dma_wait3A_86 : memref<4096x16xf32, #tpu.memory_space<vmem_shared>>)
    %dma_wait3A_87 = arith.constant 0 : i32
    %dma_wait3A_88 = arith.constant 0 : i32
    %dma_wait3A_89 = tpu.memref_slice %arg6[%dma_wait3A_87, %dma_wait3A_88] : memref<64x64xi32, #tpu.memory_space<vmem>> -> memref<1x64xi32, #tpu.memory_space<vmem>>
    %dma_wait3A_90 = tpu.memref_squeeze %dma_wait3A_89 : memref<1x64xi32, #tpu.memory_space<vmem>> -> memref<64xi32, #tpu.memory_space<vmem>>
    %dma_wait3A_91 = arith.constant 0 : i32
    %dma_wait3A_92 = arith.constant 0 : i32
    %dma_wait3A_93 = tpu.memref_slice %arg8[%dma_wait3A_91, %dma_wait3A_92] : memref<4096x16xf32, #tpu.memory_space<vmem_shared>> -> memref<4096x16xf32, #tpu.memory_space<vmem_shared>>
    tpu.wait_indirect_dma semaphore(%arg9 : memref<!tpu.dma_semaphore, #tpu.memory_space<semaphore_mem>>) src(%arg7 : memref<64x16xf32, #tpu.memory_space<vmem>>) dst(%dma_wait3A_93 : memref<4096x16xf32, #tpu.memory_space<vmem_shared>>)
    %dma_wait3A_94 = arith.constant 0 : i32
    %dma_wait3A_95 = arith.constant 0 : i32
    %dma_wait3A_96 = tpu.memref_slice %arg6[%dma_wait3A_94, %dma_wait3A_95] : memref<64x64xi32, #tpu.memory_space<vmem>> -> memref<1x64xi32, #tpu.memory_space<vmem>>
    %dma_wait3A_97 = tpu.memref_squeeze %dma_wait3A_96 : memref<1x64xi32, #tpu.memory_space<vmem>> -> memref<64xi32, #tpu.memory_space<vmem>>
    %dma_wait3A_98 = arith.constant 0 : i32
    %dma_wait3A_99 = arith.constant 0 : i32
    %dma_wait3A_100 = tpu.memref_slice %arg8[%dma_wait3A_98, %dma_wait3A_99] : memref<4096x16xf32, #tpu.memory_space<vmem_shared>> -> memref<4096x16xf32, #tpu.memory_space<vmem_shared>>
    tpu.wait_indirect_dma semaphore(%arg9 : memref<!tpu.dma_semaphore, #tpu.memory_space<semaphore_mem>>) src(%arg7 : memref<64x16xf32, #tpu.memory_space<vmem>>) dst(%dma_wait3A_100 : memref<4096x16xf32, #tpu.memory_space<vmem_shared>>)
    %dma_wait3A_101 = arith.constant 0 : i32
    %dma_wait3A_102 = arith.constant 0 : i32
    %dma_wait3A_103 = tpu.memref_slice %arg6[%dma_wait3A_101, %dma_wait3A_102] : memref<64x64xi32, #tpu.memory_space<vmem>> -> memref<1x64xi32, #tpu.memory_space<vmem>>
    %dma_wait3A_104 = tpu.memref_squeeze %dma_wait3A_103 : memref<1x64xi32, #tpu.memory_space<vmem>> -> memref<64xi32, #tpu.memory_space<vmem>>
    %dma_wait3A_105 = arith.constant 0 : i32
    %dma_wait3A_106 = arith.constant 0 : i32
    %dma_wait3A_107 = tpu.memref_slice %arg8[%dma_wait3A_105, %dma_wait3A_106] : memref<4096x16xf32, #tpu.memory_space<vmem_shared>> -> memref<4096x16xf32, #tpu.memory_space<vmem_shared>>
    tpu.wait_indirect_dma semaphore(%arg9 : memref<!tpu.dma_semaphore, #tpu.memory_space<semaphore_mem>>) src(%arg7 : memref<64x16xf32, #tpu.memory_space<vmem>>) dst(%dma_wait3A_107 : memref<4096x16xf32, #tpu.memory_space<vmem_shared>>)
    %dma_wait3A_108 = arith.constant 0 : i32
    %dma_wait3A_109 = arith.constant 0 : i32
    %dma_wait3A_110 = tpu.memref_slice %arg6[%dma_wait3A_108, %dma_wait3A_109] : memref<64x64xi32, #tpu.memory_space<vmem>> -> memref<1x64xi32, #tpu.memory_space<vmem>>
    %dma_wait3A_111 = tpu.memref_squeeze %dma_wait3A_110 : memref<1x64xi32, #tpu.memory_space<vmem>> -> memref<64xi32, #tpu.memory_space<vmem>>
    %dma_wait3A_112 = arith.constant 0 : i32
    %dma_wait3A_113 = arith.constant 0 : i32
    %dma_wait3A_114 = tpu.memref_slice %arg8[%dma_wait3A_112, %dma_wait3A_113] : memref<4096x16xf32, #tpu.memory_space<vmem_shared>> -> memref<4096x16xf32, #tpu.memory_space<vmem_shared>>
    tpu.wait_indirect_dma semaphore(%arg9 : memref<!tpu.dma_semaphore, #tpu.memory_space<semaphore_mem>>) src(%arg7 : memref<64x16xf32, #tpu.memory_space<vmem>>) dst(%dma_wait3A_114 : memref<4096x16xf32, #tpu.memory_space<vmem_shared>>)
    %dma_wait3A_115 = arith.constant 0 : i32
    %dma_wait3A_116 = arith.constant 0 : i32
    %dma_wait3A_117 = tpu.memref_slice %arg6[%dma_wait3A_115, %dma_wait3A_116] : memref<64x64xi32, #tpu.memory_space<vmem>> -> memref<1x64xi32, #tpu.memory_space<vmem>>
    %dma_wait3A_118 = tpu.memref_squeeze %dma_wait3A_117 : memref<1x64xi32, #tpu.memory_space<vmem>> -> memref<64xi32, #tpu.memory_space<vmem>>
    %dma_wait3A_119 = arith.constant 0 : i32
    %dma_wait3A_120 = arith.constant 0 : i32
    %dma_wait3A_121 = tpu.memref_slice %arg8[%dma_wait3A_119, %dma_wait3A_120] : memref<4096x16xf32, #tpu.memory_space<vmem_shared>> -> memref<4096x16xf32, #tpu.memory_space<vmem_shared>>
    tpu.wait_indirect_dma semaphore(%arg9 : memref<!tpu.dma_semaphore, #tpu.memory_space<semaphore_mem>>) src(%arg7 : memref<64x16xf32, #tpu.memory_space<vmem>>) dst(%dma_wait3A_121 : memref<4096x16xf32, #tpu.memory_space<vmem_shared>>)
    %barrier3A_122 = arith.constant 0 : index
    tpu.barrier barrier_id(%barrier3A_122)
    %mul3A_123 = arith.constant 256 : i32
    %mul3A_124 = arith.muli %arg1, %mul3A_123 : i32
    %mul3A_125 = arith.constant 256 : i32
    %mul3A_126 = arith.muli %arg1, %mul3A_125 : i32
    "tpu.region"() ({
      %run_scoped3A = tpu.sem_alloc : memref<!tpu.dma_semaphore, #tpu.memory_space<semaphore_mem>>
      %dma_start3A_127 = arith.constant 0 : i32
      %dma_start3A_128 = tpu.memref_slice %arg5[%arg0, %mul3A_126, %dma_start3A_127] : memref<2x4096x16xf32, #tpu.memory_space<hbm>> -> memref<1x256x16xf32, #tpu.memory_space<hbm>>
      %dma_start3A_129 = tpu.memref_squeeze %dma_start3A_128 : memref<1x256x16xf32, #tpu.memory_space<hbm>> -> memref<256x16xf32, #tpu.memory_space<hbm>>
      %dma_start3A_130 = arith.constant 0 : i32
      %dma_start3A_131 = tpu.memref_slice %arg8[%mul3A_124, %dma_start3A_130] : memref<4096x16xf32, #tpu.memory_space<vmem_shared>> -> memref<256x16xf32, #tpu.memory_space<vmem_shared>>
      tpu.enqueue_dma source(%dma_start3A_131 : memref<256x16xf32, #tpu.memory_space<vmem_shared>>) target(%dma_start3A_129 : memref<256x16xf32, #tpu.memory_space<hbm>>) target_semaphore(%run_scoped3A : memref<!tpu.dma_semaphore, #tpu.memory_space<semaphore_mem>>)
      %dma_wait3A_132 = arith.constant 0 : i32
      %dma_wait3A_133 = tpu.memref_slice %arg5[%arg0, %mul3A_126, %dma_wait3A_132] : memref<2x4096x16xf32, #tpu.memory_space<hbm>> -> memref<1x256x16xf32, #tpu.memory_space<hbm>>
      %dma_wait3A_134 = tpu.memref_squeeze %dma_wait3A_133 : memref<1x256x16xf32, #tpu.memory_space<hbm>> -> memref<256x16xf32, #tpu.memory_space<hbm>>
      %dma_wait3A_135 = arith.constant 0 : i32
      %dma_wait3A_136 = tpu.memref_slice %arg8[%mul3A_124, %dma_wait3A_135] : memref<4096x16xf32, #tpu.memory_space<vmem_shared>> -> memref<256x16xf32, #tpu.memory_space<vmem_shared>>
      tpu.wait_dma2 semaphore(%run_scoped3A : memref<!tpu.dma_semaphore, #tpu.memory_space<semaphore_mem>>) src(%dma_wait3A_136 : memref<256x16xf32, #tpu.memory_space<vmem_shared>>) dst(%dma_wait3A_134 : memref<256x16xf32, #tpu.memory_space<hbm>>)
      tpu.yield
    }) : () -> ()
    return
  }
}

#map = affine_map<(d0, d1) -> (0, 0)>
#map1 = affine_map<(d0, d1) -> (0, 0, 0)>
module attributes {stable_mosaic.version = 14 : i64} {
  func.func @cnt_kernel(%arg0: i32, %arg1: i32, %arg2: memref<8000x40xi32, #tpu.memory_space<hbm>>, %arg3: memref<40x16xf32, #tpu.memory_space<hbm>>, %arg4: memref<10112x16xf32, #tpu.memory_space<hbm>>, %arg5: memref<2x10112x16xf32, #tpu.memory_space<hbm>>, %arg6: memref<250x40xi32, #tpu.memory_space<vmem>>, %arg7: memref<40x16xf32, #tpu.memory_space<vmem>>, %arg8: memref<10112x16xf32, #tpu.memory_space<vmem_shared>>, %arg9: memref<!tpu.dma_semaphore, #tpu.memory_space<semaphore_mem>>) attributes {dimension_semantics = [#tpu.dimension_semantics<core_parallel>, #tpu.dimension_semantics<subcore_parallel>], iteration_bounds = array<i64: 2, 16>, scalar_prefetch = 0 : i64, scratch_operands = 4 : i64, tpu.core_type = #tpu.core_type<sc_vector_subcore>, window_params = [{transform_indices = #map}, {transform_indices = #map}, {transform_indices = #map}, {transform_indices = #map1}]} {
    %mul3A = arith.constant 16 : i32
    %mul3A_0 = arith.muli %arg0, %mul3A : i32
    %add3A = arith.addi %mul3A_0, %arg1 : i32
    %mul3A_1 = arith.constant 632 : i32
    %mul3A_2 = arith.muli %arg1, %mul3A_1 : i32
    %mul3A_3 = arith.constant 632 : i32
    %mul3A_4 = arith.muli %arg1, %mul3A_3 : i32
    "tpu.region"() ({
      %run_scoped3A = tpu.sem_alloc : memref<!tpu.dma_semaphore, #tpu.memory_space<semaphore_mem>>
      %dma_start3A_127 = arith.constant 0 : i32
      %dma_start3A_128 = tpu.memref_slice %arg8[%mul3A_4, %dma_start3A_127] : memref<10112x16xf32, #tpu.memory_space<vmem_shared>> -> memref<632x16xf32, #tpu.memory_space<vmem_shared>>
      %dma_start3A_129 = arith.constant 0 : i32
      %dma_start3A_130 = tpu.memref_slice %arg4[%mul3A_2, %dma_start3A_129] : memref<10112x16xf32, #tpu.memory_space<hbm>> -> memref<632x16xf32, #tpu.memory_space<hbm>>
      tpu.enqueue_dma source(%dma_start3A_130 : memref<632x16xf32, #tpu.memory_space<hbm>>) target(%dma_start3A_128 : memref<632x16xf32, #tpu.memory_space<vmem_shared>>) target_semaphore(%run_scoped3A : memref<!tpu.dma_semaphore, #tpu.memory_space<semaphore_mem>>)
      %dma_wait3A_131 = arith.constant 0 : i32
      %dma_wait3A_132 = tpu.memref_slice %arg8[%mul3A_4, %dma_wait3A_131] : memref<10112x16xf32, #tpu.memory_space<vmem_shared>> -> memref<632x16xf32, #tpu.memory_space<vmem_shared>>
      %dma_wait3A_133 = arith.constant 0 : i32
      %dma_wait3A_134 = tpu.memref_slice %arg4[%mul3A_2, %dma_wait3A_133] : memref<10112x16xf32, #tpu.memory_space<hbm>> -> memref<632x16xf32, #tpu.memory_space<hbm>>
      tpu.wait_dma2 semaphore(%run_scoped3A : memref<!tpu.dma_semaphore, #tpu.memory_space<semaphore_mem>>) src(%dma_wait3A_134 : memref<632x16xf32, #tpu.memory_space<hbm>>) dst(%dma_wait3A_132 : memref<632x16xf32, #tpu.memory_space<vmem_shared>>)
      tpu.yield
    }) : () -> ()
    %mul3A_5 = arith.constant 250 : i32
    %mul3A_6 = arith.muli %add3A, %mul3A_5 : i32
    "tpu.region"() ({
      %run_scoped3A = tpu.sem_alloc : memref<!tpu.dma_semaphore, #tpu.memory_space<semaphore_mem>>
      %dma_start3A_127 = arith.constant 0 : i32
      %dma_start3A_128 = tpu.memref_slice %arg2[%mul3A_6, %dma_start3A_127] : memref<8000x40xi32, #tpu.memory_space<hbm>> -> memref<250x40xi32, #tpu.memory_space<hbm>>
      %dma_start3A_129 = arith.constant 0 : i32
      %dma_start3A_130 = tpu.memref_slice %arg2[%mul3A_6, %dma_start3A_129] : memref<8000x40xi32, #tpu.memory_space<hbm>> -> memref<250x40xi32, #tpu.memory_space<hbm>>
      tpu.enqueue_dma source(%dma_start3A_130 : memref<250x40xi32, #tpu.memory_space<hbm>>) target(%arg6 : memref<250x40xi32, #tpu.memory_space<vmem>>) target_semaphore(%run_scoped3A : memref<!tpu.dma_semaphore, #tpu.memory_space<semaphore_mem>>)
      %dma_wait3A_131 = arith.constant 0 : i32
      %dma_wait3A_132 = tpu.memref_slice %arg2[%mul3A_6, %dma_wait3A_131] : memref<8000x40xi32, #tpu.memory_space<hbm>> -> memref<250x40xi32, #tpu.memory_space<hbm>>
      %dma_wait3A_133 = arith.constant 0 : i32
      %dma_wait3A_134 = tpu.memref_slice %arg2[%mul3A_6, %dma_wait3A_133] : memref<8000x40xi32, #tpu.memory_space<hbm>> -> memref<250x40xi32, #tpu.memory_space<hbm>>
      tpu.wait_dma2 semaphore(%run_scoped3A : memref<!tpu.dma_semaphore, #tpu.memory_space<semaphore_mem>>) src(%dma_wait3A_134 : memref<250x40xi32, #tpu.memory_space<hbm>>) dst(%arg6 : memref<250x40xi32, #tpu.memory_space<vmem>>)
      tpu.yield
    }) : () -> ()
    "tpu.region"() ({
      %run_scoped3A = tpu.sem_alloc : memref<!tpu.dma_semaphore, #tpu.memory_space<semaphore_mem>>
      tpu.enqueue_dma source(%arg3 : memref<40x16xf32, #tpu.memory_space<hbm>>) target(%arg7 : memref<40x16xf32, #tpu.memory_space<vmem>>) target_semaphore(%run_scoped3A : memref<!tpu.dma_semaphore, #tpu.memory_space<semaphore_mem>>)
      tpu.wait_dma2 semaphore(%run_scoped3A : memref<!tpu.dma_semaphore, #tpu.memory_space<semaphore_mem>>) src(%arg3 : memref<40x16xf32, #tpu.memory_space<hbm>>) dst(%arg7 : memref<40x16xf32, #tpu.memory_space<vmem>>)
      tpu.yield
    }) : () -> ()
    %barrier3A = arith.constant 0 : index
    tpu.barrier barrier_id(%barrier3A)
    %dma_start3A = arith.constant 0 : i32
    %dma_start3A_7 = arith.constant 0 : i32
    %dma_start3A_8 = tpu.memref_slice %arg6[%dma_start3A, %dma_start3A_7] : memref<250x40xi32, #tpu.memory_space<vmem>> -> memref<1x40xi32, #tpu.memory_space<vmem>>
    %dma_start3A_9 = tpu.memref_squeeze %dma_start3A_8 : memref<1x40xi32, #tpu.memory_space<vmem>> -> memref<40xi32, #tpu.memory_space<vmem>>
    %dma_start3A_10 = arith.constant 0 : i32
    %dma_start3A_11 = arith.constant 0 : i32
    %dma_start3A_12 = tpu.memref_slice %arg8[%dma_start3A_10, %dma_start3A_11] : memref<10112x16xf32, #tpu.memory_space<vmem_shared>> -> memref<10112x16xf32, #tpu.memory_space<vmem_shared>>
    tpu.enqueue_indirect_dma source(%arg7 : memref<40x16xf32, #tpu.memory_space<vmem>>) target(%dma_start3A_12 : memref<10112x16xf32, #tpu.memory_space<vmem_shared>>) offsets(%dma_start3A_9 : memref<40xi32, #tpu.memory_space<vmem>>) semaphore(%arg9 : memref<!tpu.dma_semaphore, #tpu.memory_space<semaphore_mem>>) {add = true}
    %dma_start3A_13 = arith.constant 1 : i32
    %dma_start3A_14 = arith.constant 0 : i32
    %dma_start3A_15 = tpu.memref_slice %arg6[%dma_start3A_13, %dma_start3A_14] : memref<250x40xi32, #tpu.memory_space<vmem>> -> memref<1x40xi32, #tpu.memory_space<vmem>>
    %dma_start3A_16 = tpu.memref_squeeze %dma_start3A_15 : memref<1x40xi32, #tpu.memory_space<vmem>> -> memref<40xi32, #tpu.memory_space<vmem>>
    %dma_start3A_17 = arith.constant 0 : i32
    %dma_start3A_18 = arith.constant 0 : i32
    %dma_start3A_19 = tpu.memref_slice %arg8[%dma_start3A_17, %dma_start3A_18] : memref<10112x16xf32, #tpu.memory_space<vmem_shared>> -> memref<10112x16xf32, #tpu.memory_space<vmem_shared>>
    tpu.enqueue_indirect_dma source(%arg7 : memref<40x16xf32, #tpu.memory_space<vmem>>) target(%dma_start3A_19 : memref<10112x16xf32, #tpu.memory_space<vmem_shared>>) offsets(%dma_start3A_16 : memref<40xi32, #tpu.memory_space<vmem>>) semaphore(%arg9 : memref<!tpu.dma_semaphore, #tpu.memory_space<semaphore_mem>>) {add = true}
    %dma_start3A_20 = arith.constant 2 : i32
    %dma_start3A_21 = arith.constant 0 : i32
    %dma_start3A_22 = tpu.memref_slice %arg6[%dma_start3A_20, %dma_start3A_21] : memref<250x40xi32, #tpu.memory_space<vmem>> -> memref<1x40xi32, #tpu.memory_space<vmem>>
    %dma_start3A_23 = tpu.memref_squeeze %dma_start3A_22 : memref<1x40xi32, #tpu.memory_space<vmem>> -> memref<40xi32, #tpu.memory_space<vmem>>
    %dma_start3A_24 = arith.constant 0 : i32
    %dma_start3A_25 = arith.constant 0 : i32
    %dma_start3A_26 = tpu.memref_slice %arg8[%dma_start3A_24, %dma_start3A_25] : memref<10112x16xf32, #tpu.memory_space<vmem_shared>> -> memref<10112x16xf32, #tpu.memory_space<vmem_shared>>
    tpu.enqueue_indirect_dma source(%arg7 : memref<40x16xf32, #tpu.memory_space<vmem>>) target(%dma_start3A_26 : memref<10112x16xf32, #tpu.memory_space<vmem_shared>>) offsets(%dma_start3A_23 : memref<40xi32, #tpu.memory_space<vmem>>) semaphore(%arg9 : memref<!tpu.dma_semaphore, #tpu.memory_space<semaphore_mem>>) {add = true}
    %dma_start3A_27 = arith.constant 3 : i32
    %dma_start3A_28 = arith.constant 0 : i32
    %dma_start3A_29 = tpu.memref_slice %arg6[%dma_start3A_27, %dma_start3A_28] : memref<250x40xi32, #tpu.memory_space<vmem>> -> memref<1x40xi32, #tpu.memory_space<vmem>>
    %dma_start3A_30 = tpu.memref_squeeze %dma_start3A_29 : memref<1x40xi32, #tpu.memory_space<vmem>> -> memref<40xi32, #tpu.memory_space<vmem>>
    %dma_start3A_31 = arith.constant 0 : i32
    %dma_start3A_32 = arith.constant 0 : i32
    %dma_start3A_33 = tpu.memref_slice %arg8[%dma_start3A_31, %dma_start3A_32] : memref<10112x16xf32, #tpu.memory_space<vmem_shared>> -> memref<10112x16xf32, #tpu.memory_space<vmem_shared>>
    tpu.enqueue_indirect_dma source(%arg7 : memref<40x16xf32, #tpu.memory_space<vmem>>) target(%dma_start3A_33 : memref<10112x16xf32, #tpu.memory_space<vmem_shared>>) offsets(%dma_start3A_30 : memref<40xi32, #tpu.memory_space<vmem>>) semaphore(%arg9 : memref<!tpu.dma_semaphore, #tpu.memory_space<semaphore_mem>>) {add = true}
    %dma_start3A_34 = arith.constant 4 : i32
    %dma_start3A_35 = arith.constant 0 : i32
    %dma_start3A_36 = tpu.memref_slice %arg6[%dma_start3A_34, %dma_start3A_35] : memref<250x40xi32, #tpu.memory_space<vmem>> -> memref<1x40xi32, #tpu.memory_space<vmem>>
    %dma_start3A_37 = tpu.memref_squeeze %dma_start3A_36 : memref<1x40xi32, #tpu.memory_space<vmem>> -> memref<40xi32, #tpu.memory_space<vmem>>
    %dma_start3A_38 = arith.constant 0 : i32
    %dma_start3A_39 = arith.constant 0 : i32
    %dma_start3A_40 = tpu.memref_slice %arg8[%dma_start3A_38, %dma_start3A_39] : memref<10112x16xf32, #tpu.memory_space<vmem_shared>> -> memref<10112x16xf32, #tpu.memory_space<vmem_shared>>
    tpu.enqueue_indirect_dma source(%arg7 : memref<40x16xf32, #tpu.memory_space<vmem>>) target(%dma_start3A_40 : memref<10112x16xf32, #tpu.memory_space<vmem_shared>>) offsets(%dma_start3A_37 : memref<40xi32, #tpu.memory_space<vmem>>) semaphore(%arg9 : memref<!tpu.dma_semaphore, #tpu.memory_space<semaphore_mem>>) {add = true}
    %dma_start3A_41 = arith.constant 5 : i32
    %dma_start3A_42 = arith.constant 0 : i32
    %dma_start3A_43 = tpu.memref_slice %arg6[%dma_start3A_41, %dma_start3A_42] : memref<250x40xi32, #tpu.memory_space<vmem>> -> memref<1x40xi32, #tpu.memory_space<vmem>>
    %dma_start3A_44 = tpu.memref_squeeze %dma_start3A_43 : memref<1x40xi32, #tpu.memory_space<vmem>> -> memref<40xi32, #tpu.memory_space<vmem>>
    %dma_start3A_45 = arith.constant 0 : i32
    %dma_start3A_46 = arith.constant 0 : i32
    %dma_start3A_47 = tpu.memref_slice %arg8[%dma_start3A_45, %dma_start3A_46] : memref<10112x16xf32, #tpu.memory_space<vmem_shared>> -> memref<10112x16xf32, #tpu.memory_space<vmem_shared>>
    tpu.enqueue_indirect_dma source(%arg7 : memref<40x16xf32, #tpu.memory_space<vmem>>) target(%dma_start3A_47 : memref<10112x16xf32, #tpu.memory_space<vmem_shared>>) offsets(%dma_start3A_44 : memref<40xi32, #tpu.memory_space<vmem>>) semaphore(%arg9 : memref<!tpu.dma_semaphore, #tpu.memory_space<semaphore_mem>>) {add = true}
    %dma_start3A_48 = arith.constant 6 : i32
    %dma_start3A_49 = arith.constant 0 : i32
    %dma_start3A_50 = tpu.memref_slice %arg6[%dma_start3A_48, %dma_start3A_49] : memref<250x40xi32, #tpu.memory_space<vmem>> -> memref<1x40xi32, #tpu.memory_space<vmem>>
    %dma_start3A_51 = tpu.memref_squeeze %dma_start3A_50 : memref<1x40xi32, #tpu.memory_space<vmem>> -> memref<40xi32, #tpu.memory_space<vmem>>
    %dma_start3A_52 = arith.constant 0 : i32
    %dma_start3A_53 = arith.constant 0 : i32
    %dma_start3A_54 = tpu.memref_slice %arg8[%dma_start3A_52, %dma_start3A_53] : memref<10112x16xf32, #tpu.memory_space<vmem_shared>> -> memref<10112x16xf32, #tpu.memory_space<vmem_shared>>
    tpu.enqueue_indirect_dma source(%arg7 : memref<40x16xf32, #tpu.memory_space<vmem>>) target(%dma_start3A_54 : memref<10112x16xf32, #tpu.memory_space<vmem_shared>>) offsets(%dma_start3A_51 : memref<40xi32, #tpu.memory_space<vmem>>) semaphore(%arg9 : memref<!tpu.dma_semaphore, #tpu.memory_space<semaphore_mem>>) {add = true}
    %dma_start3A_55 = arith.constant 7 : i32
    %dma_start3A_56 = arith.constant 0 : i32
    %dma_start3A_57 = tpu.memref_slice %arg6[%dma_start3A_55, %dma_start3A_56] : memref<250x40xi32, #tpu.memory_space<vmem>> -> memref<1x40xi32, #tpu.memory_space<vmem>>
    %dma_start3A_58 = tpu.memref_squeeze %dma_start3A_57 : memref<1x40xi32, #tpu.memory_space<vmem>> -> memref<40xi32, #tpu.memory_space<vmem>>
    %dma_start3A_59 = arith.constant 0 : i32
    %dma_start3A_60 = arith.constant 0 : i32
    %dma_start3A_61 = tpu.memref_slice %arg8[%dma_start3A_59, %dma_start3A_60] : memref<10112x16xf32, #tpu.memory_space<vmem_shared>> -> memref<10112x16xf32, #tpu.memory_space<vmem_shared>>
    tpu.enqueue_indirect_dma source(%arg7 : memref<40x16xf32, #tpu.memory_space<vmem>>) target(%dma_start3A_61 : memref<10112x16xf32, #tpu.memory_space<vmem_shared>>) offsets(%dma_start3A_58 : memref<40xi32, #tpu.memory_space<vmem>>) semaphore(%arg9 : memref<!tpu.dma_semaphore, #tpu.memory_space<semaphore_mem>>) {add = true}
    %scan3A = arith.constant 0 : i32
    %scan3A_62 = arith.constant 0 : i32
    %scan3A_63 = arith.constant 242 : i32
    %scan3A_64 = arith.addi %scan3A_62, %scan3A_63 : i32
    %scan3A_65 = arith.constant 1 : i32
    scf.for %scan3A_127 = %scan3A_62 to %scan3A_64 step %scan3A_65  : i32 {
      %dma_wait3A_128 = arith.constant 0 : i32
      %dma_wait3A_129 = tpu.memref_slice %arg6[%scan3A_127, %dma_wait3A_128] : memref<250x40xi32, #tpu.memory_space<vmem>> -> memref<1x40xi32, #tpu.memory_space<vmem>>
      %dma_wait3A_130 = tpu.memref_squeeze %dma_wait3A_129 : memref<1x40xi32, #tpu.memory_space<vmem>> -> memref<40xi32, #tpu.memory_space<vmem>>
      %dma_wait3A_131 = arith.constant 0 : i32
      %dma_wait3A_132 = arith.constant 0 : i32
      %dma_wait3A_133 = tpu.memref_slice %arg8[%dma_wait3A_131, %dma_wait3A_132] : memref<10112x16xf32, #tpu.memory_space<vmem_shared>> -> memref<10112x16xf32, #tpu.memory_space<vmem_shared>>
      tpu.wait_indirect_dma semaphore(%arg9 : memref<!tpu.dma_semaphore, #tpu.memory_space<semaphore_mem>>) src(%arg7 : memref<40x16xf32, #tpu.memory_space<vmem>>) dst(%dma_wait3A_133 : memref<10112x16xf32, #tpu.memory_space<vmem_shared>>)
      %add3A_134 = arith.constant 8 : i32
      %add3A_135 = arith.addi %scan3A_127, %add3A_134 : i32
      %dma_start3A_136 = arith.constant 0 : i32
      %dma_start3A_137 = tpu.memref_slice %arg6[%add3A_135, %dma_start3A_136] : memref<250x40xi32, #tpu.memory_space<vmem>> -> memref<1x40xi32, #tpu.memory_space<vmem>>
      %dma_start3A_138 = tpu.memref_squeeze %dma_start3A_137 : memref<1x40xi32, #tpu.memory_space<vmem>> -> memref<40xi32, #tpu.memory_space<vmem>>
      %dma_start3A_139 = arith.constant 0 : i32
      %dma_start3A_140 = arith.constant 0 : i32
      %dma_start3A_141 = tpu.memref_slice %arg8[%dma_start3A_139, %dma_start3A_140] : memref<10112x16xf32, #tpu.memory_space<vmem_shared>> -> memref<10112x16xf32, #tpu.memory_space<vmem_shared>>
      tpu.enqueue_indirect_dma source(%arg7 : memref<40x16xf32, #tpu.memory_space<vmem>>) target(%dma_start3A_141 : memref<10112x16xf32, #tpu.memory_space<vmem_shared>>) offsets(%dma_start3A_138 : memref<40xi32, #tpu.memory_space<vmem>>) semaphore(%arg9 : memref<!tpu.dma_semaphore, #tpu.memory_space<semaphore_mem>>) {add = true}
    }
    %scan3A_66 = arith.constant 242 : i32
    %dma_wait3A = arith.constant 0 : i32
    %dma_wait3A_67 = arith.constant 0 : i32
    %dma_wait3A_68 = tpu.memref_slice %arg6[%dma_wait3A, %dma_wait3A_67] : memref<250x40xi32, #tpu.memory_space<vmem>> -> memref<1x40xi32, #tpu.memory_space<vmem>>
    %dma_wait3A_69 = tpu.memref_squeeze %dma_wait3A_68 : memref<1x40xi32, #tpu.memory_space<vmem>> -> memref<40xi32, #tpu.memory_space<vmem>>
    %dma_wait3A_70 = arith.constant 0 : i32
    %dma_wait3A_71 = arith.constant 0 : i32
    %dma_wait3A_72 = tpu.memref_slice %arg8[%dma_wait3A_70, %dma_wait3A_71] : memref<10112x16xf32, #tpu.memory_space<vmem_shared>> -> memref<10112x16xf32, #tpu.memory_space<vmem_shared>>
    tpu.wait_indirect_dma semaphore(%arg9 : memref<!tpu.dma_semaphore, #tpu.memory_space<semaphore_mem>>) src(%arg7 : memref<40x16xf32, #tpu.memory_space<vmem>>) dst(%dma_wait3A_72 : memref<10112x16xf32, #tpu.memory_space<vmem_shared>>)
    %dma_wait3A_73 = arith.constant 0 : i32
    %dma_wait3A_74 = arith.constant 0 : i32
    %dma_wait3A_75 = tpu.memref_slice %arg6[%dma_wait3A_73, %dma_wait3A_74] : memref<250x40xi32, #tpu.memory_space<vmem>> -> memref<1x40xi32, #tpu.memory_space<vmem>>
    %dma_wait3A_76 = tpu.memref_squeeze %dma_wait3A_75 : memref<1x40xi32, #tpu.memory_space<vmem>> -> memref<40xi32, #tpu.memory_space<vmem>>
    %dma_wait3A_77 = arith.constant 0 : i32
    %dma_wait3A_78 = arith.constant 0 : i32
    %dma_wait3A_79 = tpu.memref_slice %arg8[%dma_wait3A_77, %dma_wait3A_78] : memref<10112x16xf32, #tpu.memory_space<vmem_shared>> -> memref<10112x16xf32, #tpu.memory_space<vmem_shared>>
    tpu.wait_indirect_dma semaphore(%arg9 : memref<!tpu.dma_semaphore, #tpu.memory_space<semaphore_mem>>) src(%arg7 : memref<40x16xf32, #tpu.memory_space<vmem>>) dst(%dma_wait3A_79 : memref<10112x16xf32, #tpu.memory_space<vmem_shared>>)
    %dma_wait3A_80 = arith.constant 0 : i32
    %dma_wait3A_81 = arith.constant 0 : i32
    %dma_wait3A_82 = tpu.memref_slice %arg6[%dma_wait3A_80, %dma_wait3A_81] : memref<250x40xi32, #tpu.memory_space<vmem>> -> memref<1x40xi32, #tpu.memory_space<vmem>>
    %dma_wait3A_83 = tpu.memref_squeeze %dma_wait3A_82 : memref<1x40xi32, #tpu.memory_space<vmem>> -> memref<40xi32, #tpu.memory_space<vmem>>
    %dma_wait3A_84 = arith.constant 0 : i32
    %dma_wait3A_85 = arith.constant 0 : i32
    %dma_wait3A_86 = tpu.memref_slice %arg8[%dma_wait3A_84, %dma_wait3A_85] : memref<10112x16xf32, #tpu.memory_space<vmem_shared>> -> memref<10112x16xf32, #tpu.memory_space<vmem_shared>>
    tpu.wait_indirect_dma semaphore(%arg9 : memref<!tpu.dma_semaphore, #tpu.memory_space<semaphore_mem>>) src(%arg7 : memref<40x16xf32, #tpu.memory_space<vmem>>) dst(%dma_wait3A_86 : memref<10112x16xf32, #tpu.memory_space<vmem_shared>>)
    %dma_wait3A_87 = arith.constant 0 : i32
    %dma_wait3A_88 = arith.constant 0 : i32
    %dma_wait3A_89 = tpu.memref_slice %arg6[%dma_wait3A_87, %dma_wait3A_88] : memref<250x40xi32, #tpu.memory_space<vmem>> -> memref<1x40xi32, #tpu.memory_space<vmem>>
    %dma_wait3A_90 = tpu.memref_squeeze %dma_wait3A_89 : memref<1x40xi32, #tpu.memory_space<vmem>> -> memref<40xi32, #tpu.memory_space<vmem>>
    %dma_wait3A_91 = arith.constant 0 : i32
    %dma_wait3A_92 = arith.constant 0 : i32
    %dma_wait3A_93 = tpu.memref_slice %arg8[%dma_wait3A_91, %dma_wait3A_92] : memref<10112x16xf32, #tpu.memory_space<vmem_shared>> -> memref<10112x16xf32, #tpu.memory_space<vmem_shared>>
    tpu.wait_indirect_dma semaphore(%arg9 : memref<!tpu.dma_semaphore, #tpu.memory_space<semaphore_mem>>) src(%arg7 : memref<40x16xf32, #tpu.memory_space<vmem>>) dst(%dma_wait3A_93 : memref<10112x16xf32, #tpu.memory_space<vmem_shared>>)
    %dma_wait3A_94 = arith.constant 0 : i32
    %dma_wait3A_95 = arith.constant 0 : i32
    %dma_wait3A_96 = tpu.memref_slice %arg6[%dma_wait3A_94, %dma_wait3A_95] : memref<250x40xi32, #tpu.memory_space<vmem>> -> memref<1x40xi32, #tpu.memory_space<vmem>>
    %dma_wait3A_97 = tpu.memref_squeeze %dma_wait3A_96 : memref<1x40xi32, #tpu.memory_space<vmem>> -> memref<40xi32, #tpu.memory_space<vmem>>
    %dma_wait3A_98 = arith.constant 0 : i32
    %dma_wait3A_99 = arith.constant 0 : i32
    %dma_wait3A_100 = tpu.memref_slice %arg8[%dma_wait3A_98, %dma_wait3A_99] : memref<10112x16xf32, #tpu.memory_space<vmem_shared>> -> memref<10112x16xf32, #tpu.memory_space<vmem_shared>>
    tpu.wait_indirect_dma semaphore(%arg9 : memref<!tpu.dma_semaphore, #tpu.memory_space<semaphore_mem>>) src(%arg7 : memref<40x16xf32, #tpu.memory_space<vmem>>) dst(%dma_wait3A_100 : memref<10112x16xf32, #tpu.memory_space<vmem_shared>>)
    %dma_wait3A_101 = arith.constant 0 : i32
    %dma_wait3A_102 = arith.constant 0 : i32
    %dma_wait3A_103 = tpu.memref_slice %arg6[%dma_wait3A_101, %dma_wait3A_102] : memref<250x40xi32, #tpu.memory_space<vmem>> -> memref<1x40xi32, #tpu.memory_space<vmem>>
    %dma_wait3A_104 = tpu.memref_squeeze %dma_wait3A_103 : memref<1x40xi32, #tpu.memory_space<vmem>> -> memref<40xi32, #tpu.memory_space<vmem>>
    %dma_wait3A_105 = arith.constant 0 : i32
    %dma_wait3A_106 = arith.constant 0 : i32
    %dma_wait3A_107 = tpu.memref_slice %arg8[%dma_wait3A_105, %dma_wait3A_106] : memref<10112x16xf32, #tpu.memory_space<vmem_shared>> -> memref<10112x16xf32, #tpu.memory_space<vmem_shared>>
    tpu.wait_indirect_dma semaphore(%arg9 : memref<!tpu.dma_semaphore, #tpu.memory_space<semaphore_mem>>) src(%arg7 : memref<40x16xf32, #tpu.memory_space<vmem>>) dst(%dma_wait3A_107 : memref<10112x16xf32, #tpu.memory_space<vmem_shared>>)
    %dma_wait3A_108 = arith.constant 0 : i32
    %dma_wait3A_109 = arith.constant 0 : i32
    %dma_wait3A_110 = tpu.memref_slice %arg6[%dma_wait3A_108, %dma_wait3A_109] : memref<250x40xi32, #tpu.memory_space<vmem>> -> memref<1x40xi32, #tpu.memory_space<vmem>>
    %dma_wait3A_111 = tpu.memref_squeeze %dma_wait3A_110 : memref<1x40xi32, #tpu.memory_space<vmem>> -> memref<40xi32, #tpu.memory_space<vmem>>
    %dma_wait3A_112 = arith.constant 0 : i32
    %dma_wait3A_113 = arith.constant 0 : i32
    %dma_wait3A_114 = tpu.memref_slice %arg8[%dma_wait3A_112, %dma_wait3A_113] : memref<10112x16xf32, #tpu.memory_space<vmem_shared>> -> memref<10112x16xf32, #tpu.memory_space<vmem_shared>>
    tpu.wait_indirect_dma semaphore(%arg9 : memref<!tpu.dma_semaphore, #tpu.memory_space<semaphore_mem>>) src(%arg7 : memref<40x16xf32, #tpu.memory_space<vmem>>) dst(%dma_wait3A_114 : memref<10112x16xf32, #tpu.memory_space<vmem_shared>>)
    %dma_wait3A_115 = arith.constant 0 : i32
    %dma_wait3A_116 = arith.constant 0 : i32
    %dma_wait3A_117 = tpu.memref_slice %arg6[%dma_wait3A_115, %dma_wait3A_116] : memref<250x40xi32, #tpu.memory_space<vmem>> -> memref<1x40xi32, #tpu.memory_space<vmem>>
    %dma_wait3A_118 = tpu.memref_squeeze %dma_wait3A_117 : memref<1x40xi32, #tpu.memory_space<vmem>> -> memref<40xi32, #tpu.memory_space<vmem>>
    %dma_wait3A_119 = arith.constant 0 : i32
    %dma_wait3A_120 = arith.constant 0 : i32
    %dma_wait3A_121 = tpu.memref_slice %arg8[%dma_wait3A_119, %dma_wait3A_120] : memref<10112x16xf32, #tpu.memory_space<vmem_shared>> -> memref<10112x16xf32, #tpu.memory_space<vmem_shared>>
    tpu.wait_indirect_dma semaphore(%arg9 : memref<!tpu.dma_semaphore, #tpu.memory_space<semaphore_mem>>) src(%arg7 : memref<40x16xf32, #tpu.memory_space<vmem>>) dst(%dma_wait3A_121 : memref<10112x16xf32, #tpu.memory_space<vmem_shared>>)
    %barrier3A_122 = arith.constant 0 : index
    tpu.barrier barrier_id(%barrier3A_122)
    %mul3A_123 = arith.constant 632 : i32
    %mul3A_124 = arith.muli %arg1, %mul3A_123 : i32
    %mul3A_125 = arith.constant 632 : i32
    %mul3A_126 = arith.muli %arg1, %mul3A_125 : i32
    "tpu.region"() ({
      %run_scoped3A = tpu.sem_alloc : memref<!tpu.dma_semaphore, #tpu.memory_space<semaphore_mem>>
      %dma_start3A_127 = arith.constant 0 : i32
      %dma_start3A_128 = tpu.memref_slice %arg5[%arg0, %mul3A_126, %dma_start3A_127] : memref<2x10112x16xf32, #tpu.memory_space<hbm>> -> memref<1x632x16xf32, #tpu.memory_space<hbm>>
      %dma_start3A_129 = tpu.memref_squeeze %dma_start3A_128 : memref<1x632x16xf32, #tpu.memory_space<hbm>> -> memref<632x16xf32, #tpu.memory_space<hbm>>
      %dma_start3A_130 = arith.constant 0 : i32
      %dma_start3A_131 = tpu.memref_slice %arg8[%mul3A_124, %dma_start3A_130] : memref<10112x16xf32, #tpu.memory_space<vmem_shared>> -> memref<632x16xf32, #tpu.memory_space<vmem_shared>>
      tpu.enqueue_dma source(%dma_start3A_131 : memref<632x16xf32, #tpu.memory_space<vmem_shared>>) target(%dma_start3A_129 : memref<632x16xf32, #tpu.memory_space<hbm>>) target_semaphore(%run_scoped3A : memref<!tpu.dma_semaphore, #tpu.memory_space<semaphore_mem>>)
      %dma_wait3A_132 = arith.constant 0 : i32
      %dma_wait3A_133 = tpu.memref_slice %arg5[%arg0, %mul3A_126, %dma_wait3A_132] : memref<2x10112x16xf32, #tpu.memory_space<hbm>> -> memref<1x632x16xf32, #tpu.memory_space<hbm>>
      %dma_wait3A_134 = tpu.memref_squeeze %dma_wait3A_133 : memref<1x632x16xf32, #tpu.memory_space<hbm>> -> memref<632x16xf32, #tpu.memory_space<hbm>>
      %dma_wait3A_135 = arith.constant 0 : i32
      %dma_wait3A_136 = tpu.memref_slice %arg8[%mul3A_124, %dma_wait3A_135] : memref<10112x16xf32, #tpu.memory_space<vmem_shared>> -> memref<632x16xf32, #tpu.memory_space<vmem_shared>>
      tpu.wait_dma2 semaphore(%run_scoped3A : memref<!tpu.dma_semaphore, #tpu.memory_space<semaphore_mem>>) src(%dma_wait3A_136 : memref<632x16xf32, #tpu.memory_space<vmem_shared>>) dst(%dma_wait3A_134 : memref<632x16xf32, #tpu.memory_space<hbm>>)
      tpu.yield
    }) : () -> ()
    return
  }
}

module attributes {stable_mosaic.version = 14 : i64} {
  func.func @body(%arg0: i32, %arg1: memref<2x2000x128xf32, #tpu.memory_space<vmem>>, %arg2: memref<2x2000x16xf32, #tpu.memory_space<vmem>>, %arg3: memref<2000x128xf32, #tpu.memory_space<vmem>>, %arg4: memref<128x128xf32, #tpu.memory_space<vmem>>, %arg5: memref<128x128xf32, #tpu.memory_space<vmem>>, %arg6: memref<1x128xf32, #tpu.memory_space<vmem>>, %arg7: memref<2000x128xf32, #tpu.memory_space<vmem>>) attributes {dimension_semantics = [#tpu.dimension_semantics<arbitrary>], iteration_bounds = array<i64: 5>, scalar_prefetch = 0 : i64, scratch_operands = 0 : i64, tpu.core_type = #tpu.core_type<tc>, window_params = [{transform_indices = @transform_0, window_bounds = array<i64: 2, 2000, 128>}, {transform_indices = @transform_1, window_bounds = array<i64: 2, 2000, 16>}, {transform_indices = @transform_2, window_bounds = array<i64: 2000, 128>}, {pipeline_mode = #tpu.pipeline_mode<synchronous>, transform_indices = @transform_3, window_bounds = array<i64: 128, 128>}, {pipeline_mode = #tpu.pipeline_mode<synchronous>, transform_indices = @transform_4, window_bounds = array<i64: 128, 128>}, {pipeline_mode = #tpu.pipeline_mode<synchronous>, transform_indices = @transform_5, window_bounds = array<i64: 1, 128>}, {transform_indices = @transform_6, window_bounds = array<i64: 2000, 128>}]} {
    %get3A = arith.constant 0 : index
    %get3A_0 = arith.constant 0 : index
    %get3A_1 = arith.constant 0 : index
    %get3A_2 = vector.load %arg1[%get3A, %get3A_0, %get3A_1] : memref<2x2000x128xf32, #tpu.memory_space<vmem>>, vector<1x2000x128xf32>
    %get3A_3 = vector.shape_cast %get3A_2 : vector<1x2000x128xf32> to vector<2000x128xf32>
    %get3A_4 = arith.constant 1 : index
    %get3A_5 = arith.constant 0 : index
    %get3A_6 = arith.constant 0 : index
    %get3A_7 = vector.load %arg1[%get3A_4, %get3A_5, %get3A_6] : memref<2x2000x128xf32, #tpu.memory_space<vmem>>, vector<1x2000x128xf32>
    %get3A_8 = vector.shape_cast %get3A_7 : vector<1x2000x128xf32> to vector<2000x128xf32>
    %add3A = arith.addf %get3A_3, %get3A_8 : vector<2000x128xf32>
    %get3A_9 = arith.constant 0 : index
    %get3A_10 = arith.constant 0 : index
    %get3A_11 = arith.constant 0 : index
    %get3A_12 = vector.load %arg2[%get3A_9, %get3A_10, %get3A_11] : memref<2x2000x16xf32, #tpu.memory_space<vmem>>, vector<1x2000x1xf32>
    %get3A_13 = vector.shape_cast %get3A_12 : vector<1x2000x1xf32> to vector<2000x1xf32>
    %get3A_14 = arith.constant 1 : index
    %get3A_15 = arith.constant 0 : index
    %get3A_16 = arith.constant 0 : index
    %get3A_17 = vector.load %arg2[%get3A_14, %get3A_15, %get3A_16] : memref<2x2000x16xf32, #tpu.memory_space<vmem>>, vector<1x2000x1xf32>
    %get3A_18 = vector.shape_cast %get3A_17 : vector<1x2000x1xf32> to vector<2000x1xf32>
    %add3A_19 = arith.addf %get3A_13, %get3A_18 : vector<2000x1xf32>
    %max3A = arith.constant 1.000000e+00 : f32
    %max3A_20 = vector.broadcast %max3A : f32 to vector<2000x1xf32>
    %max3A_21 = arith.maximumf %add3A_19, %max3A_20 : vector<2000x1xf32>
    %div3A = vector.broadcast %max3A_21 : vector<2000x1xf32> to vector<2000x128xf32>
    %div3A_22 = arith.divf %add3A, %div3A : vector<2000x128xf32>
    %get3A_23 = arith.constant 0 : index
    %get3A_24 = arith.constant 0 : index
    %get3A_25 = vector.load %arg4[%get3A_23, %get3A_24] : memref<128x128xf32, #tpu.memory_space<vmem>>, vector<128x128xf32>
    %dot_general3A = arith.constant dense<0.000000e+00> : vector<2000x128xf32>
    %dot_general3A_26 = tpu.matmul %div3A_22, %get3A_25, %dot_general3A {dimension_numbers = #tpu.dot_dimension_numbers<[1], [0], [0], [1], [0, 0, 1, 1], [], []>, transpose_lhs_hint = false} : vector<2000x128xf32>, vector<128x128xf32>, vector<2000x128xf32> -> vector<2000x128xf32>
    %get3A_27 = arith.constant 0 : index
    %get3A_28 = arith.constant 0 : index
    %get3A_29 = vector.load %arg3[%get3A_27, %get3A_28] : memref<2000x128xf32, #tpu.memory_space<vmem>>, vector<2000x128xf32>
    %get3A_30 = arith.constant 0 : index
    %get3A_31 = arith.constant 0 : index
    %get3A_32 = vector.load %arg5[%get3A_30, %get3A_31] : memref<128x128xf32, #tpu.memory_space<vmem>>, vector<128x128xf32>
    %dot_general3A_33 = arith.constant dense<0.000000e+00> : vector<2000x128xf32>
    %dot_general3A_34 = tpu.matmul %get3A_29, %get3A_32, %dot_general3A_33 {dimension_numbers = #tpu.dot_dimension_numbers<[1], [0], [0], [1], [0, 0, 1, 1], [], []>, transpose_lhs_hint = false} : vector<2000x128xf32>, vector<128x128xf32>, vector<2000x128xf32> -> vector<2000x128xf32>
    %add3A_35 = arith.addf %dot_general3A_26, %dot_general3A_34 : vector<2000x128xf32>
    %get3A_36 = arith.constant 0 : index
    %get3A_37 = arith.constant 0 : index
    %get3A_38 = vector.load %arg6[%get3A_36, %get3A_37] : memref<1x128xf32, #tpu.memory_space<vmem>>, vector<1x128xf32>
    %add3A_39 = vector.broadcast %get3A_38 : vector<1x128xf32> to vector<2000x128xf32>
    %add3A_40 = arith.addf %add3A_35, %add3A_39 : vector<2000x128xf32>
    %max3A_41 = arith.constant 0.000000e+00 : f32
    %max3A_42 = vector.broadcast %max3A_41 : f32 to vector<2000x128xf32>
    %max3A_43 = arith.maximumf %add3A_40, %max3A_42 : vector<2000x128xf32>
    %swap3A = arith.constant 0 : index
    %swap3A_44 = arith.constant 0 : index
    %swap3A_45 = vector.load %arg7[%swap3A, %swap3A_44] : memref<2000x128xf32, #tpu.memory_space<vmem>>, vector<2000x128xf32>
    tpu.vector_store %arg7[%swap3A, %swap3A_44], %max3A_43 {strides = array<i32>} : memref<2000x128xf32, #tpu.memory_space<vmem>>, vector<2000x128xf32>,
    return
  }
  func.func @transform_0(%arg0: i32) -> (i32, i32, i32) {
    %c0_i32 = arith.constant 0 : i32
    %c0_i32_0 = arith.constant 0 : i32
    %c0_i32_1 = arith.constant 0 : i32
    return %c0_i32, %arg0, %c0_i32_0 : i32, i32, i32
  }
  func.func @transform_1(%arg0: i32) -> (i32, i32, i32) {
    %c0_i32 = arith.constant 0 : i32
    %c0_i32_0 = arith.constant 0 : i32
    %c0_i32_1 = arith.constant 0 : i32
    return %c0_i32, %arg0, %c0_i32_0 : i32, i32, i32
  }
  func.func @transform_2(%arg0: i32) -> (i32, i32) {
    %c0_i32 = arith.constant 0 : i32
    %c0_i32_0 = arith.constant 0 : i32
    return %arg0, %c0_i32 : i32, i32
  }
  func.func @transform_3(%arg0: i32) -> (i32, i32) {
    %c0_i32 = arith.constant 0 : i32
    %c0_i32_0 = arith.constant 0 : i32
    %c0_i32_1 = arith.constant 0 : i32
    return %c0_i32, %c0_i32_0 : i32, i32
  }
  func.func @transform_4(%arg0: i32) -> (i32, i32) {
    %c0_i32 = arith.constant 0 : i32
    %c0_i32_0 = arith.constant 0 : i32
    %c0_i32_1 = arith.constant 0 : i32
    return %c0_i32, %c0_i32_0 : i32, i32
  }
  func.func @transform_5(%arg0: i32) -> (i32, i32) {
    %c0_i32 = arith.constant 0 : i32
    %c0_i32_0 = arith.constant 0 : i32
    %c0_i32_1 = arith.constant 0 : i32
    return %c0_i32, %c0_i32_0 : i32, i32
  }
  func.func @transform_6(%arg0: i32) -> (i32, i32) {
    %c0_i32 = arith.constant 0 : i32
    %c0_i32_0 = arith.constant 0 : i32
    return %arg0, %c0_i32 : i32, i32
  }
}

module attributes {stable_mosaic.version = 14 : i64} {
  func.func @body(%arg0: i32, %arg1: memref<2x2048x128xf32, #tpu.memory_space<vmem>>, %arg2: memref<2x2048x16xf32, #tpu.memory_space<vmem>>, %arg3: memref<2048x128xf32, #tpu.memory_space<vmem>>, %arg4: memref<128x128xf32, #tpu.memory_space<vmem>>, %arg5: memref<128x128xf32, #tpu.memory_space<vmem>>, %arg6: memref<1x128xf32, #tpu.memory_space<vmem>>, %arg7: memref<2048x128xf32, #tpu.memory_space<vmem>>) attributes {dimension_semantics = [#tpu.dimension_semantics<arbitrary>], iteration_bounds = array<i64: 2>, scalar_prefetch = 0 : i64, scratch_operands = 0 : i64, tpu.core_type = #tpu.core_type<tc>, window_params = [{transform_indices = @transform_0, window_bounds = array<i64: 2, 2048, 128>}, {transform_indices = @transform_1, window_bounds = array<i64: 2, 2048, 16>}, {transform_indices = @transform_2, window_bounds = array<i64: 2048, 128>}, {pipeline_mode = #tpu.pipeline_mode<synchronous>, transform_indices = @transform_3, window_bounds = array<i64: 128, 128>}, {pipeline_mode = #tpu.pipeline_mode<synchronous>, transform_indices = @transform_4, window_bounds = array<i64: 128, 128>}, {pipeline_mode = #tpu.pipeline_mode<synchronous>, transform_indices = @transform_5, window_bounds = array<i64: 1, 128>}, {transform_indices = @transform_6, window_bounds = array<i64: 2048, 128>}]} {
    %get3A = arith.constant 0 : index
    %get3A_0 = arith.constant 0 : index
    %get3A_1 = arith.constant 0 : index
    %get3A_2 = vector.load %arg1[%get3A, %get3A_0, %get3A_1] : memref<2x2048x128xf32, #tpu.memory_space<vmem>>, vector<1x2048x128xf32>
    %get3A_3 = vector.shape_cast %get3A_2 : vector<1x2048x128xf32> to vector<2048x128xf32>
    %get3A_4 = arith.constant 1 : index
    %get3A_5 = arith.constant 0 : index
    %get3A_6 = arith.constant 0 : index
    %get3A_7 = vector.load %arg1[%get3A_4, %get3A_5, %get3A_6] : memref<2x2048x128xf32, #tpu.memory_space<vmem>>, vector<1x2048x128xf32>
    %get3A_8 = vector.shape_cast %get3A_7 : vector<1x2048x128xf32> to vector<2048x128xf32>
    %add3A = arith.addf %get3A_3, %get3A_8 : vector<2048x128xf32>
    %get3A_9 = arith.constant 0 : index
    %get3A_10 = arith.constant 0 : index
    %get3A_11 = arith.constant 0 : index
    %get3A_12 = vector.load %arg2[%get3A_9, %get3A_10, %get3A_11] : memref<2x2048x16xf32, #tpu.memory_space<vmem>>, vector<1x2048x1xf32>
    %get3A_13 = vector.shape_cast %get3A_12 : vector<1x2048x1xf32> to vector<2048x1xf32>
    %get3A_14 = arith.constant 1 : index
    %get3A_15 = arith.constant 0 : index
    %get3A_16 = arith.constant 0 : index
    %get3A_17 = vector.load %arg2[%get3A_14, %get3A_15, %get3A_16] : memref<2x2048x16xf32, #tpu.memory_space<vmem>>, vector<1x2048x1xf32>
    %get3A_18 = vector.shape_cast %get3A_17 : vector<1x2048x1xf32> to vector<2048x1xf32>
    %add3A_19 = arith.addf %get3A_13, %get3A_18 : vector<2048x1xf32>
    %max3A = arith.constant 1.000000e+00 : f32
    %max3A_20 = vector.broadcast %max3A : f32 to vector<2048x1xf32>
    %max3A_21 = arith.maximumf %add3A_19, %max3A_20 : vector<2048x1xf32>
    %div3A = vector.broadcast %max3A_21 : vector<2048x1xf32> to vector<2048x128xf32>
    %div3A_22 = arith.divf %add3A, %div3A : vector<2048x128xf32>
    %get3A_23 = arith.constant 0 : index
    %get3A_24 = arith.constant 0 : index
    %get3A_25 = vector.load %arg4[%get3A_23, %get3A_24] : memref<128x128xf32, #tpu.memory_space<vmem>>, vector<128x128xf32>
    %dot_general3A = arith.constant dense<0.000000e+00> : vector<2048x128xf32>
    %dot_general3A_26 = tpu.matmul %div3A_22, %get3A_25, %dot_general3A {dimension_numbers = #tpu.dot_dimension_numbers<[1], [0], [0], [1], [0, 0, 1, 1], [], []>, transpose_lhs_hint = false} : vector<2048x128xf32>, vector<128x128xf32>, vector<2048x128xf32> -> vector<2048x128xf32>
    %get3A_27 = arith.constant 0 : index
    %get3A_28 = arith.constant 0 : index
    %get3A_29 = vector.load %arg3[%get3A_27, %get3A_28] : memref<2048x128xf32, #tpu.memory_space<vmem>>, vector<2048x128xf32>
    %get3A_30 = arith.constant 0 : index
    %get3A_31 = arith.constant 0 : index
    %get3A_32 = vector.load %arg5[%get3A_30, %get3A_31] : memref<128x128xf32, #tpu.memory_space<vmem>>, vector<128x128xf32>
    %dot_general3A_33 = arith.constant dense<0.000000e+00> : vector<2048x128xf32>
    %dot_general3A_34 = tpu.matmul %get3A_29, %get3A_32, %dot_general3A_33 {dimension_numbers = #tpu.dot_dimension_numbers<[1], [0], [0], [1], [0, 0, 1, 1], [], []>, transpose_lhs_hint = false} : vector<2048x128xf32>, vector<128x128xf32>, vector<2048x128xf32> -> vector<2048x128xf32>
    %add3A_35 = arith.addf %dot_general3A_26, %dot_general3A_34 : vector<2048x128xf32>
    %get3A_36 = arith.constant 0 : index
    %get3A_37 = arith.constant 0 : index
    %get3A_38 = vector.load %arg6[%get3A_36, %get3A_37] : memref<1x128xf32, #tpu.memory_space<vmem>>, vector<1x128xf32>
    %add3A_39 = vector.broadcast %get3A_38 : vector<1x128xf32> to vector<2048x128xf32>
    %add3A_40 = arith.addf %add3A_35, %add3A_39 : vector<2048x128xf32>
    %swap3A = arith.constant 0 : index
    %swap3A_41 = arith.constant 0 : index
    %swap3A_42 = vector.load %arg7[%swap3A, %swap3A_41] : memref<2048x128xf32, #tpu.memory_space<vmem>>, vector<2048x128xf32>
    tpu.vector_store %arg7[%swap3A, %swap3A_41], %add3A_40 {strides = array<i32>} : memref<2048x128xf32, #tpu.memory_space<vmem>>, vector<2048x128xf32>,
    return
  }
  func.func @transform_0(%arg0: i32) -> (i32, i32, i32) {
    %c0_i32 = arith.constant 0 : i32
    %c0_i32_0 = arith.constant 0 : i32
    %c0_i32_1 = arith.constant 0 : i32
    return %c0_i32, %arg0, %c0_i32_0 : i32, i32, i32
  }
  func.func @transform_1(%arg0: i32) -> (i32, i32, i32) {
    %c0_i32 = arith.constant 0 : i32
    %c0_i32_0 = arith.constant 0 : i32
    %c0_i32_1 = arith.constant 0 : i32
    return %c0_i32, %arg0, %c0_i32_0 : i32, i32, i32
  }
  func.func @transform_2(%arg0: i32) -> (i32, i32) {
    %c0_i32 = arith.constant 0 : i32
    %c0_i32_0 = arith.constant 0 : i32
    return %arg0, %c0_i32 : i32, i32
  }
  func.func @transform_3(%arg0: i32) -> (i32, i32) {
    %c0_i32 = arith.constant 0 : i32
    %c0_i32_0 = arith.constant 0 : i32
    %c0_i32_1 = arith.constant 0 : i32
    return %c0_i32, %c0_i32_0 : i32, i32
  }
  func.func @transform_4(%arg0: i32) -> (i32, i32) {
    %c0_i32 = arith.constant 0 : i32
    %c0_i32_0 = arith.constant 0 : i32
    %c0_i32_1 = arith.constant 0 : i32
    return %c0_i32, %c0_i32_0 : i32, i32
  }
  func.func @transform_5(%arg0: i32) -> (i32, i32) {
    %c0_i32 = arith.constant 0 : i32
    %c0_i32_0 = arith.constant 0 : i32
    %c0_i32_1 = arith.constant 0 : i32
    return %c0_i32, %c0_i32_0 : i32, i32
  }
  func.func @transform_6(%arg0: i32) -> (i32, i32) {
    %c0_i32 = arith.constant 0 : i32
    %c0_i32_0 = arith.constant 0 : i32
    return %arg0, %c0_i32 : i32, i32
  }
}

</mosaic_0001>

<sc_bundles>
// kernel: kernel.11.cloned.1.call-start
scs
__scs_entry_jumppad:
0x0: {  	(pc) =	sbr.rel $0x88, $3  }
0x1: {  	(tag) =	ssettag $0x0;
	lr =	simm.s32 $0x1  }
0x2: {  	[smem:$0x3F98] =	sst lr;
	_ =	strace $0xD0000000  }
0x3: {  	_ = 	snop  }
0x4: {  	_ = 	snop  }
0x5: {  	_ = 	snop  }
0x6: {  	_ = 	snop  }
0x7: {  	_ = 	snop  }
__scs_overlays_trampoline_lowered:
0x8: {  	[smem:$0x3FA7] =	sst s0  }
0x9: {  	[smem:$0x3FA8] =	sst s1  }
0xa: {  	[smem:$0x3FA9] =	sst s2  }
0xb: {  	[smem:$0x3FAA] =	sst s3  }
0xc: {  	[smem:$0x3FAB] =	sst s4  }
0xd: {  	[smem:$0x3FAC] =	sst s5  }
0xe: {  	[smem:$0x3FAD] =	sst s6  }
0xf: {  	[smem:$0x3FAE] =	sst s7  }
0x10: {  	[smem:$0x3FAF] =	sst s8  }
0x11: {  	[smem:$0x3FB0] =	sst s9;
	s0 =	simm.s32 @!p0 $0x0  }
0x12: {  	s1 =	sld [smem:$0x3F96];
	s0 =	simm.s32 @p0 $0x1  }
0x13: {  	[smem:$0x3FB1] =	sst s0;
	s0 =	simm.s32 @!p1 $0x0  }
0x14: {  	s2 =	sld [smem:$0x3F95];
	s0 =	simm.s32 @p1 $0x1  }
0x15: {  	[smem:$0x3FB2] =	sst s0;
	s0 =	simm.s32 @!p2 $0x0  }
0x16: {  	s3 =	sld [smem:$0x3FDB];
	s0 =	simm.s32 @p2 $0x1  }
0x17: {  	s4 =	simm.s32 $0x1BF5;
	[smem:$0x3FB4] =	sst s0  }
0x18: {  	s0 =	sld [smem:$0x3F97];
	_ =	swait.ge [sflag:s4], $0x0  }
0x19: {  	s7 =	sld [smem:$0x3F98]  }
0x1a: {  	s8 =	sadd.s32 $0xFFFFE003, lr  }
0x1b: {  	s9 =	sadd.s32 $0xFFFFFEF7, lr;
	s5 =	simm.s32 $0xFFFFFFFF;
	p2 =	slt.u32 s8, $0xFFFFF086  }
0x1c: {  	p1 =	slt.u32 s9, $0xF7A;
	s5 =	simm.s32 @!p2 $0x0  }
0x1d: {  	s5 =	simm.s32 @p1 $0x1;
	p0 =	seq.s32 s7, s2  }
0x1e: {  	s7 =	smul.u32 @!p0 $0xF7A, s2;
	p2 =	seq.s32 @!p0 s5, $0x0  }
0x1f: {  	s9 =	smul.u32 $0xF7A, s1;
	s8 =	simm.s32 @!p0 $0x1BF5;
	p2 =	por !p2, p0  }
0x20: {  	[sflag:s8] =	ssyncset.s32 @!p0 $0xFFFFF086;
	s6 =	sadd.s32 @!p0 s3, s7;
	s7 =	simm.s32 @!p0 $0x108  }
0x21: {  	s3 =	sadd.s32 s3, s9;
	s6 =	sadd.s32 @!p0 $0x88, s6;
	s7 =	simm.s32 @p2 $0x1082  }
0x22: {  	[simem:s7], [sflag:s8] =	dma.local @!p0 [hbm:s6], $0xF7A  }
0x23: {  	s9 =	sor.u32 $0xD0000000, s2;
	s6 =	simm.s32 $0x108;
	_ =	swait.ge @!p0 [sflag:s8], $0x0  }
0x24: {  	s3 =	sadd.s32 $0x88, s3;
	s6 =	simm.s32 @!p1 $0x1082;
	[sflag:s4] =	ssyncset.s32 $0xFFFFF086  }
0x25: {  	[simem:s6], [sflag:s4] =	dma.local [hbm:s3], $0xF7A  }
0x26: {  	[smem:$0x3F98] =	sst s1;
	(tag) =	ssettag s2;
	_ =	strace s9  }
0x27: {  	s1 =	sld [smem:$0x3FA8]  }
0x28: {  	s2 =	sld [smem:$0x3FA9]  }
0x29: {  	s4 =	sld [smem:$0x3FAB]  }
0x2a: {  	p0 =	seq.s32 s5, $0x0;
	s5 =	sld [smem:$0x3FAC]  }
0x2b: {  	s6 =	sld [smem:$0x3FAD]  }
0x2c: {  	s7 =	sld [smem:$0x3FAE]  }
0x2d: {  	s3 =	simm.s32 $0x108;
	s8 =	sld [smem:$0x3FAF]  }
0x2e: {  	s3 =	simm.s32 @!p0 $0x1082;
	s9 =	sld [smem:$0x3FB0]  }
0x2f: {  	lr =	sadd.s32 s0, s3;
	s0 =	sld [smem:$0x3FA7]  }
0x30: {  	s3 =	sld [smem:$0x3FAA]  }
0x31: {  	[smem:$0x3FB3] =	sst s10  }
0x32: {  	s10 =	sld [smem:$0x3FB1];
	_ =	sdelay $0x3  }
0x33: {  	p0 =	seq.s32 s10, $0x1;
	s10 =	sld [smem:$0x3FB3];
	_ =	sdelay $0x3  }
0x34: {  	[smem:$0x3FB3] =	sst s10  }
0x35: {  	s10 =	sld [smem:$0x3FB2];
	_ =	sdelay $0x3  }
0x36: {  	p1 =	seq.s32 s10, $0x1;
	s10 =	sld [smem:$0x3FB3];
	_ =	sdelay $0x3  }
0x37: {  	[smem:$0x3FB3] =	sst s10  }
0x38: {  	s10 =	sld [smem:$0x3FB4]  }
0x39: {  	_ = 	snop;
	(pc) =	sbr.ind lr, $3  }
0x3a: {  	_ = 	snop  }
0x3b: {  	_ = 	snop  }
0x3c: {  	p2 =	seq.s32 s10, $0x1;
	s10 =	sld [smem:$0x3FB3]  }
0x3d: {  	_ =	shalt  }
0x3e: {  	_ =	shalt  }
0x3f: {  	_ =	shalt  }
0x40: {  	_ =	shalt  }
0x41: {  	_ =	shalt  }
0x42: {  	_ =	shalt  }
0x43: {  	_ =	shalt  }
0x44: {  	_ =	shalt  }
0x45: {  	_ =	shalt  }
0x46: {  	_ =	shalt  }
0x47: {  	_ =	shalt  }
0x48: {  	_ =	shalt  }
0x49: {  	_ =	shalt  }
0x4a: {  	_ =	shalt  }
0x4b: {  	_ =	shalt  }
0x4c: {  	_ =	shalt  }
0x4d: {  	_ =	shalt  }
0x4e: {  	_ =	shalt  }
0x4f: {  	_ =	shalt  }
0x50: {  	_ =	shalt  }
0x51: {  	_ =	shalt  }
0x52: {  	_ =	shalt  }
0x53: {  	_ =	shalt  }
0x54: {  	_ =	shalt  }
0x55: {  	_ =	shalt  }
0x56: {  	_ =	shalt  }
0x57: {  	_ =	shalt  }
0x58: {  	_ =	shalt  }
0x59: {  	_ =	shalt  }
0x5a: {  	_ =	shalt  }
0x5b: {  	_ =	shalt  }
0x5c: {  	_ =	shalt  }
0x5d: {  	_ =	shalt  }
0x5e: {  	_ =	shalt  }
0x5f: {  	_ =	shalt  }
0x60: {  	_ =	shalt  }
0x61: {  	_ =	shalt  }
0x62: {  	_ =	shalt  }
0x63: {  	_ =	shalt  }
0x64: {  	_ =	shalt  }
0x65: {  	_ =	shalt  }
0x66: {  	_ =	shalt  }
0x67: {  	_ =	shalt  }
0x68: {  	_ =	shalt  }
0x69: {  	_ =	shalt  }
0x6a: {  	_ =	shalt  }
0x6b: {  	_ =	shalt  }
0x6c: {  	_ =	shalt  }
0x6d: {  	_ =	shalt  }
0x6e: {  	_ =	shalt  }
0x6f: {  	_ =	shalt  }
0x70: {  	_ =	shalt  }
0x71: {  	_ =	shalt  }
0x72: {  	_ =	shalt  }
0x73: {  	_ =	shalt  }
0x74: {  	_ =	shalt  }
0x75: {  	_ =	shalt  }
0x76: {  	_ =	shalt  }
0x77: {  	_ =	shalt  }
0x78: {  	_ =	shalt  }
0x79: {  	_ =	shalt  }
0x7a: {  	_ =	shalt  }
0x7b: {  	_ =	shalt  }
0x7c: {  	_ =	shalt  }
0x7d: {  	_ =	shalt  }
0x7e: {  	_ =	shalt  }
0x7f: {  	_ =	shalt  }
0x80: {  	_ =	shalt  }
0x81: {  	_ =	shalt  }
0x82: {  	_ =	shalt  }
0x83: {  	_ =	shalt  }
0x84: {  	_ =	shalt  }
0x85: {  	_ =	shalt  }
0x86: {  	_ =	shalt  }
0x87: {  	_ =	shalt  }
.Lfunc_end0:
.L_simem_size_0:
called_computation.1_lowered:
.L_overlay_start_0:
0x88: {  	s2 =	sld [smem:$0x3FD9]  }
0x89: {  	s3 =	sld [smem:$0x3FFE];
	_ =	sdelay $0x1  }
0x8a: {  	s1 =	srdreg.scid  }
0x8b: {  	s0 =	sand.u32 $0x1, s1  }
0x8c: {  	s14 =	sshll.u32 s0, $0xA;
	s2 =	sadd.s32 s3, s2  }
0x8d: {  	s2 =	sadd.s32 s2, s14  }
0x8e: {  	[smem:$0x3FBF] =	sst s2  }
0x8f: {  	_ = 	snop  }
0x90: {  	s2 =	sld [smem:$0x3FD0];
	_ =	sdelay $0x2  }
0x91: {  	s15 =	simm.s32 $0xC;
	s4 =	simm.s32 $0x10  }
0x92: {  	[smem:s4], [sflag:s15] =	dma.local [hbm:s2], $0x1  }
0x93: {  	_ =	swait.eq [sflag:s15], $0x1  }
0x94: {  	[sflag:s15] =	ssyncset.done $0x0  }
0x95: {  	s16 =	sld [smem:$0x10];
	[sflag:s15] =	ssyncadd.s32 $0xFFFFFFFF  }
0x96: {  	s17 =	sld [smem:$0x11];
	(tm) =	ssettm $0x1  }
0x97: {  	s18 =	sld [smem:$0x3FFB];
	_ =	sdelay $0x3  }
0x98: {  	_ =	strace s18  }
0x99: {  	s4 =	sld [smem:$0x3FFC];
	_ =	sdelay $0x3  }
0x9a: {  	_ =	strace s4  }
0x9b: {  	s4 =	sld [smem:$0x3FFD];
	_ =	sdelay $0x3  }
0x9c: {  	_ =	strace s4  }
0x9d: {  	_ =	strace $0x8FFFFFFF  }
0x9e: {  	s19 =	sld [smem:$0x3FDB];
	_ =	sdelay $0x1  }
0x9f: {  	s5 =	simm.s32 $_scs_section_size  }
0xa0: {  	s6 =	simm.s32 $_size__tile_overlayer_lowered;
	s7 =	simm.s32 $_tile_overlayer_lowered  }
0xa1: {  	s22 =	simm.s32 $0x1BFF;
	s21 =	sshll.u32 s7, $0x1;
	s4 =	sadd.s32 s5, s19  }
0xa2: {  	s8 =	simm.s32 $0x0;
	s20 =	sshll.u32 s6, $0x1;
	s6 =	sadd.s32 s21, s4  }
0xa3: {  	[timem:s8], [sflag:s22] =	dma.local [hbm:s6], s20  }
0xa4: {  	_ =	swait.ge [sflag:s22], s20  }
0xa5: {  	s5 =	ssub.s32 $0x0, s20;
	[sflag:s22] =	ssyncset.done $0x0  }
0xa6: {  	[sflag:s22] =	ssyncadd.s32 s5;
	_ =	sdelay $0x1  }
0xa7: {  	s23 =	simm.s32 $0x1B8B  }
0xa8: {  	_ =	swait.ge [sflag:s23], $0x1  }
0xa9: {  	[sflag:s23] =	ssyncset.done $0x0  }
0xaa: {  	s25 =	simm.s32 $0x1B8E;
	s24 =	sld [smem:$0x3FFE];
	[sflag:s23] =	ssyncadd.s32 $0xFFFFFFFF  }
0xab: {  	s26 =	simm.s32 $execute0_lowered;
	[smem:$0x3FD2] =	sst s25  }
0xac: {  	s6 =	sshll.u32 s26, $0x1;
	_ =	strace $0x80000046;
	[dreg:$0x1] =	wrdreg $0xFFFFFFFF  }
0xad: {  	s28 =	simm.s32 $_size_execute0_lowered;
	s4 =	sadd.s32 s4, s6;
	[dreg:$0x0] =	wrdreg $0x0  }
0xae: {  	s6 =	sshll.u32 s28, $0x1;
	[dreg:$0x2] =	wrdreg s4  }
0xaf: {  	[dreg:$0x3] =	wrdreg s6  }
0xb0: {  	[dreg:$0x4] =	wrdreg $0xC0  }
0xb1: {  	_ =	task [dreg:s8], $0x5FFFF  }
0xb2: {  	[dreg:$0x1] =	wrdreg $0xFFFFFFFF  }
0xb3: {  	[dreg:$0x0] =	wrdreg $0x60  }
0xb4: {  	[dreg:$0x2] =	wrdreg s16  }
0xb5: {  	[dreg:$0x3] =	wrdreg s24  }
0xb6: {  	[dreg:$0x4] =	wrdreg s17  }
0xb7: {  	[dreg:$0x5] =	wrdreg $0x29900  }
0xb8: {  	[dreg:$0x6] =	wrdreg $0xB  }
0xb9: {  	_ =	task.clear_ibuf [dreg:s8], $0x7FFFF;
	_ =	strace $0x90000046  }
0xba: {  	s29 =	simm.s32 $0xB;
	_ =	strace $0x80000048  }
0xbb: {  	_ =	swait.ge [sflag:s29], $0x1  }
0xbc: {  	[sflag:s29] =	ssyncadd.s32 $0xFFFFFFFF  }
0xbd: {  	_ =	strace $0x90000048  }
0xbe: {  	_ =	sfence  }
0xbf: {  	s30 =	sld [smem:$0x0];
	_ =	sdelay $0x2  }
0xc0: {  	s31 =	sshll.u32 s1, $0xD;
	s1 =	sshrl.u32 s1, $0x2  }
0xc1: {  	s3 =	sand.u32 $0x4000, s31;
	s1 =	sadd.s32 s1, s30  }
0xc2: {  	s0 =	sor.u32 s3, s0;
	s1 =	sshll.u32 s1, $0x11  }
0xc3: {  	s0 =	sor.u32 s1, s0  }
0xc4: {  	s0 =	sadd.s32 $0x8F2B, s0  }
0xc5: {  	[sflag:s0] =	ssyncadd.remote.s32 $0x1  }
0xc6: {  	_ =	sfence.sel $0xFFFF  }
0xc7: {  	[dreg:$0x0] =	wrdreg $0xFFFFFFFF;
	(pc) =	sbr.abs _section_cstart, $3  }
0xc8: {  	[dreg:$0x1] =	wrdreg $0xFFFFFFFF  }
0xc9: {  	_ =	task.clear_ibuf [dreg:s8], $0x2FFFF;
	_ =	strace $0x9FFFFFFF  }
0xca: {  	(tm) =	ssettm $0x7FFFFFFF  }
0xcb: {  	_ =	shalt  }
tec
execute0_lowered:
.L_overlay_start_1:
0x0: {  	(tag) =	ssettag $0x1  }
0x1: {  	s7 =	rddreg [dreg:$0x0]  }
0x2: {  	s5 =	rddreg [dreg:$0x1]  }
0x3: {  	s8 =	rddreg [dreg:$0x2]  }
0x4: {  	s2 =	rddreg [dreg:$0x3]  }
0x5: {  	s1 =	stileid.u32;
	s0 =	rddreg [dreg:$0x4];
	s3 =	simm.s32 $0x0  }
0x6: {  	s4 =	srdreg.scid;
	s14 =	simm.s32 $0x50;
	s15 =	simm.s32 $0x78  }
0x7: {  	s16 =	simm.s32 $0xA0;
	s17 =	simm.s32 $0xC8;
	s18 =	simm.s32 $0xF0  }
0x8: {  	s19 =	simm.s32 $0x118;
	s20 =	simm.s32 $0x1;
	s21 =	simm.s32 $0x0  }
0x9: {  	s6 =	smul.u32 $0x2780, s1;
	[smem:$0x7FF] =	sst s3;
	s10 =	sand.u32 $0x1, s4  }
0xa: {  	s4 =	sadd.s32 $0x7400, s5;
	s13 =	sshll.u32 s1, $0x6;
	_ =	strace $0x80000047  }
0xb: {  	s30 =	ssub.s32 $0x2, s10;
	s12 =	sshll.u32 s10, $0x4;
	s10 =	smul.u32 $0x27800, s10  }
0xc: {  	s9 =	sshrl.u32 s6, $0x3;
	s11 =	sshrl.u32 s30, $0x1;
	s31 =	sadd.s32 s6, s2  }
0xd: {  	s12 =	sor.u32 s1, s12;
	s5 =	sadd.s32 s9, s5;
	s9 =	ssub.s32 s30, s11  }
0xe: {  	s12 =	smul.u32 $0x4E2, s12;
	s10 =	sadd.s32 s6, s10;
	s6 =	sor.u32 $0x1C02, s13  }
0xf: {  	s11 =	simm.s32 $0x2;
	s13 =	simm.s32 $0x28;
	s5 =	sadd.s32 $0x2400, s5  }
0x10: {  	s10 =	sshrl.u32 s10, $0x3;
	s9 =	smax.u32 s9, $0x1;
	s7 =	sadd.s32 s7, s12  }
0x11: {  	s8 =	sadd.s32 s8, s10;
	s10 =	sshrl.u32 s31, $0x3;
	s12 =	simm.s32 $0x2710  }
.LBB2_1:
0x12: {  	[spmem:s10], [sflag:s6] =	dma.local [hbm:s5], $0x4F0  }
0x13: {  	_ =	swait.ge [sflag:s11], $0x4F0  }
0x14: {  	[sflag:s11] =	ssyncset.done $0x0  }
0x15: {  	[sflag:s11] =	ssyncadd.s32 $0xFFFFFB10  }
0x16: {  	[tilespmem:s3], [sflag:$0x2] =	stream.linear.gather [hbm4b:s7+s3], $0x2710, $0x38;
	[tilespmem:$0x5110] =	vst v63  }
0x17: {  	_ =	swait.ge [sflag:s11], $0x2710  }
0x18: {  	[sflag:s11] =	ssyncset.done $0x0  }
0x19: {  	[sflag:s11] =	ssyncadd.s32 $0xFFFFD8F0  }
0x1a: {  	[tilespmem:s12], [sflag:$0x2] =	stream.linear.gather [hbm4b:s4+s3], $0x280, $0x38;
	[tilespmem:$0x5110] =	vst v63  }
0x1b: {  	_ =	swait.ge [sflag:s11], $0x280  }
0x1c: {  	[sflag:s11] =	ssyncset.done $0x0  }
0x1d: {  	[sflag:s11] =	ssyncadd.s32 $0xFFFFFD80  }
0x1e: {  	[bflag:$0x0] =	sbarrier.arrive $0xFFFF  }
0x1f: {  	[spmem:s2] =	stream.indirect.scatter.add.f32 [tilespmem:s12], [sflag:$0x1], $0x10, s3, s13, $0xb8;
	[tilespmem:$0x5110] =	vst v63  }
0x20: {  	_ = 	snop  }
0x21: {  	[spmem:s2] =	stream.indirect.scatter.add.f32 [tilespmem:s12], [sflag:$0x1], $0x10, s13, s13, $0xb8;
	[tilespmem:$0x5110] =	vst v63  }
0x22: {  	_ = 	snop  }
0x23: {  	[spmem:s2] =	stream.indirect.scatter.add.f32 [tilespmem:s12], [sflag:$0x1], $0x10, s14, s13, $0xb8;
	[tilespmem:$0x5110] =	vst v63  }
0x24: {  	_ = 	snop  }
0x25: {  	[spmem:s2] =	stream.indirect.scatter.add.f32 [tilespmem:s12], [sflag:$0x1], $0x10, s15, s13, $0xb8;
	[tilespmem:$0x5110] =	vst v63  }
0x26: {  	_ = 	snop  }
0x27: {  	[spmem:s2] =	stream.indirect.scatter.add.f32 [tilespmem:s12], [sflag:$0x1], $0x10, s16, s13, $0xb8;
	[tilespmem:$0x5110] =	vst v63  }
0x28: {  	_ = 	snop  }
0x29: {  	[spmem:s2] =	stream.indirect.scatter.add.f32 [tilespmem:s12], [sflag:$0x1], $0x10, s17, s13, $0xb8;
	[tilespmem:$0x5110] =	vst v63  }
0x2a: {  	_ = 	snop  }
0x2b: {  	[spmem:s2] =	stream.indirect.scatter.add.f32 [tilespmem:s12], [sflag:$0x1], $0x10, s18, s13, $0xb8;
	[tilespmem:$0x5110] =	vst v63  }
0x2c: {  	_ = 	snop  }
0x2d: {  	[spmem:s2] =	stream.indirect.scatter.add.f32 [tilespmem:s12], [sflag:$0x1], $0x10, s19, s13, $0xb8;
	[tilespmem:$0x5110] =	vst v63  }
0x2e: {  	_ =	swait.ge [sflag:s20], $0x280  }
0x2f: {  	[sflag:s20] =	ssyncset.done $0x0  }
0x30: {  	s22 =	simm.s32 $0x5A0;
	s23 =	simm.s32 $0x140;
	[sflag:s20] =	ssyncadd.s32 $0xFFFFFD80  }
.LBB2_2:
0x31: {  	[spmem:s2] =	stream.indirect.scatter.add.f32 [tilespmem:s12], [sflag:$0x1], $0x10, s23, s13, $0xb8;
	[tilespmem:$0x5110] =	vst v63  }
0x32: {  	s23 =	smov.u32 s22;
	p0 =	sne.s32 s22, $0x9BA0  }
.Ltmp0:
0x33: {  	s22 =	sadd.s32 $0xA0, s22;
	(pc) =	sbr.rel @p0 .LBB2_2-.Ltmp0, $4  }
0x34: {  	_ = 	snop  }
0x35: {  	_ =	swait.ge [sflag:s20], $0x280  }
0x36: {  	[sflag:s20] =	ssyncset.done $0x0  }
0x37: {  	s23 =	sshra.s32 s23, $0x2;
	[sflag:s20] =	ssyncadd.s32 $0xFFFFFD80  }
0x38: {  	[spmem:s2] =	stream.indirect.scatter.add.f32 [tilespmem:s12], [sflag:$0x1], $0x10, s23, s13, $0xb8;
	[tilespmem:$0x5110] =	vst v63  }
0x39: {  	_ =	swait.ge [sflag:s20], $0x280  }
0x3a: {  	[sflag:s20] =	ssyncset.done $0x0  }
0x3b: {  	[sflag:s20] =	ssyncadd.s32 $0xFFFFFD80  }
0x3c: {  	_ =	swait.ge [sflag:s20], $0x280  }
0x3d: {  	[sflag:s20] =	ssyncset.done $0x0  }
0x3e: {  	[sflag:s20] =	ssyncadd.s32 $0xFFFFFD80  }
0x3f: {  	_ =	swait.ge [sflag:s20], $0x280  }
0x40: {  	[sflag:s20] =	ssyncset.done $0x0  }
0x41: {  	[sflag:s20] =	ssyncadd.s32 $0xFFFFFD80  }
0x42: {  	_ =	swait.ge [sflag:s20], $0x280  }
0x43: {  	[sflag:s20] =	ssyncset.done $0x0  }
0x44: {  	[sflag:s20] =	ssyncadd.s32 $0xFFFFFD80  }
0x45: {  	_ =	swait.ge [sflag:s20], $0x280  }
0x46: {  	[sflag:s20] =	ssyncset.done $0x0  }
0x47: {  	[sflag:s20] =	ssyncadd.s32 $0xFFFFFD80  }
0x48: {  	_ =	swait.ge [sflag:s20], $0x280  }
0x49: {  	[sflag:s20] =	ssyncset.done $0x0  }
0x4a: {  	[sflag:s20] =	ssyncadd.s32 $0xFFFFFD80  }
0x4b: {  	_ =	swait.ge [sflag:s20], $0x280  }
0x4c: {  	[sflag:s20] =	ssyncset.done $0x0  }
0x4d: {  	[sflag:s20] =	ssyncadd.s32 $0xFFFFFD80  }
0x4e: {  	_ =	swait.ge [sflag:s20], $0x280  }
0x4f: {  	s21 =	sadd.s32 $0x1, s21;
	[sflag:s20] =	ssyncset.done $0x0  }
0x50: {  	p0 =	sne.s32 s21, s9;
	[sflag:s20] =	ssyncadd.s32 $0xFFFFFD80  }
.Ltmp1:
0x51: {  	[bflag:$0x0] =	sbarrier.arrive $0xFFFF;
	(pc) =	sbr.rel @p0 .LBB2_1-.Ltmp1, $4  }
0x52: {  	[hbm:s8], [sflag:s6] =	dma.local [spmem:s10], $0x4F0  }
0x53: {  	_ =	swait.ge [sflag:s11], $0x4F0  }
0x54: {  	[sflag:s11] =	ssyncset.done $0x0  }
0x55: {  	[sflag:s11] =	ssyncadd.s32 $0xFFFFFB10  }
0x56: {  	_ =	sfence.sel $0x180000  }
0x57: {  	[bflag:$0x0] =	sbarrier.arrive $0xFFFF  }
0x58: {  	p0 =	sne.s32 s1, $0x0;
	_ =	strace $0x90000047  }
0x59: {  	s0 =	sadd.s32 @!p0 $0x100000, s0;
	[bflag:$0x2] =	sbarrier.arrive $0xFFFF  }
0x5a: {  	[sflag:s0] =	ssyncadd.tile.s32 @!p0 $0x1;
	_ =	shalt  }
.Lfunc_end2:
_tile_overlayer_lowered:
.L_overlay_start_2:
0x5b: {  	(tag) =	ssettag $0x2  }
0x5c: {  	s0 =	rddreg [dreg:$0x0];
	s2 =	stileid.u32  }
0x5d: {  	s1 =	rddreg [dreg:$0x1];
	p0 =	sne.s32 s2, $0x0  }
0x5e: {  	s3 =	rddreg [dreg:$0x2];
	[bflag:$0x3] =	sbarrier.arrive $0xFFFF;
	s2 =	simm.s32 @!p0 $0x1C02  }
0x5f: {  	[timem:s3], [sflag:s2] =	dma.local @!p0 [hbm:s0], s1  }
0x60: {  	s0 =	simm.s32 @!p0 $0x2  }
0x61: {  	_ =	swait.ge @!p0 [sflag:s0], s1  }
0x62: {  	s1 =	ssub.s32 @!p0 $0x0, s1;
	[sflag:s0] =	ssyncset.done @!p0 $0x0  }
0x63: {  	[sflag:s0] =	ssyncadd.s32 @!p0 s1  }
0x64: {  	[bflag:$0x3] =	sbarrier.arrive $0xFFFF  }
0x65: {  	_ =	shalt  }

// kernel: kernel.14.cloned.1.call-start
scs
__scs_entry_jumppad:
0x0: {  	(pc) =	sbr.rel $0x88, $3  }
0x1: {  	(tag) =	ssettag $0x0;
	lr =	simm.s32 $0x1  }
0x2: {  	[smem:$0x3F98] =	sst lr;
	_ =	strace $0xD0000000  }
0x3: {  	_ = 	snop  }
0x4: {  	_ = 	snop  }
0x5: {  	_ = 	snop  }
0x6: {  	_ = 	snop  }
0x7: {  	_ = 	snop  }
__scs_overlays_trampoline_lowered:
0x8: {  	[smem:$0x3FA7] =	sst s0  }
0x9: {  	[smem:$0x3FA8] =	sst s1  }
0xa: {  	[smem:$0x3FA9] =	sst s2  }
0xb: {  	[smem:$0x3FAA] =	sst s3  }
0xc: {  	[smem:$0x3FAB] =	sst s4  }
0xd: {  	[smem:$0x3FAC] =	sst s5  }
0xe: {  	[smem:$0x3FAD] =	sst s6  }
0xf: {  	[smem:$0x3FAE] =	sst s7  }
0x10: {  	[smem:$0x3FAF] =	sst s8  }
0x11: {  	[smem:$0x3FB0] =	sst s9;
	s0 =	simm.s32 @!p0 $0x0  }
0x12: {  	s1 =	sld [smem:$0x3F96];
	s0 =	simm.s32 @p0 $0x1  }
0x13: {  	[smem:$0x3FB1] =	sst s0;
	s0 =	simm.s32 @!p1 $0x0  }
0x14: {  	s2 =	sld [smem:$0x3F95];
	s0 =	simm.s32 @p1 $0x1  }
0x15: {  	[smem:$0x3FB2] =	sst s0;
	s0 =	simm.s32 @!p2 $0x0  }
0x16: {  	s3 =	sld [smem:$0x3FDB];
	s0 =	simm.s32 @p2 $0x1  }
0x17: {  	s4 =	simm.s32 $0x1BF5;
	[smem:$0x3FB4] =	sst s0  }
0x18: {  	s0 =	sld [smem:$0x3F97];
	_ =	swait.ge [sflag:s4], $0x0  }
0x19: {  	s7 =	sld [smem:$0x3F98]  }
0x1a: {  	s8 =	sadd.s32 $0xFFFFE003, lr  }
0x1b: {  	s9 =	sadd.s32 $0xFFFFFEF7, lr;
	s5 =	simm.s32 $0xFFFFFFFF;
	p2 =	slt.u32 s8, $0xFFFFF086  }
0x1c: {  	p1 =	slt.u32 s9, $0xF7A;
	s5 =	simm.s32 @!p2 $0x0  }
0x1d: {  	s5 =	simm.s32 @p1 $0x1;
	p0 =	seq.s32 s7, s2  }
0x1e: {  	s7 =	smul.u32 @!p0 $0xF7A, s2;
	p2 =	seq.s32 @!p0 s5, $0x0  }
0x1f: {  	s9 =	smul.u32 $0xF7A, s1;
	s8 =	simm.s32 @!p0 $0x1BF5;
	p2 =	por !p2, p0  }
0x20: {  	[sflag:s8] =	ssyncset.s32 @!p0 $0xFFFFF086;
	s6 =	sadd.s32 @!p0 s3, s7;
	s7 =	simm.s32 @!p0 $0x108  }
0x21: {  	s3 =	sadd.s32 s3, s9;
	s6 =	sadd.s32 @!p0 $0x88, s6;
	s7 =	simm.s32 @p2 $0x1082  }
0x22: {  	[simem:s7], [sflag:s8] =	dma.local @!p0 [hbm:s6], $0xF7A  }
0x23: {  	s9 =	sor.u32 $0xD0000000, s2;
	s6 =	simm.s32 $0x108;
	_ =	swait.ge @!p0 [sflag:s8], $0x0  }
0x24: {  	s3 =	sadd.s32 $0x88, s3;
	s6 =	simm.s32 @!p1 $0x1082;
	[sflag:s4] =	ssyncset.s32 $0xFFFFF086  }
0x25: {  	[simem:s6], [sflag:s4] =	dma.local [hbm:s3], $0xF7A  }
0x26: {  	[smem:$0x3F98] =	sst s1;
	(tag) =	ssettag s2;
	_ =	strace s9  }
0x27: {  	s1 =	sld [smem:$0x3FA8]  }
0x28: {  	s2 =	sld [smem:$0x3FA9]  }
0x29: {  	s4 =	sld [smem:$0x3FAB]  }
0x2a: {  	p0 =	seq.s32 s5, $0x0;
	s5 =	sld [smem:$0x3FAC]  }
0x2b: {  	s6 =	sld [smem:$0x3FAD]  }
0x2c: {  	s7 =	sld [smem:$0x3FAE]  }
0x2d: {  	s3 =	simm.s32 $0x108;
	s8 =	sld [smem:$0x3FAF]  }
0x2e: {  	s3 =	simm.s32 @!p0 $0x1082;
	s9 =	sld [smem:$0x3FB0]  }
0x2f: {  	lr =	sadd.s32 s0, s3;
	s0 =	sld [smem:$0x3FA7]  }
0x30: {  	s3 =	sld [smem:$0x3FAA]  }
0x31: {  	[smem:$0x3FB3] =	sst s10  }
0x32: {  	s10 =	sld [smem:$0x3FB1];
	_ =	sdelay $0x3  }
0x33: {  	p0 =	seq.s32 s10, $0x1;
	s10 =	sld [smem:$0x3FB3];
	_ =	sdelay $0x3  }
0x34: {  	[smem:$0x3FB3] =	sst s10  }
0x35: {  	s10 =	sld [smem:$0x3FB2];
	_ =	sdelay $0x3  }
0x36: {  	p1 =	seq.s32 s10, $0x1;
	s10 =	sld [smem:$0x3FB3];
	_ =	sdelay $0x3  }
0x37: {  	[smem:$0x3FB3] =	sst s10  }
0x38: {  	s10 =	sld [smem:$0x3FB4]  }
0x39: {  	_ = 	snop;
	(pc) =	sbr.ind lr, $3  }
0x3a: {  	_ = 	snop  }
0x3b: {  	_ = 	snop  }
0x3c: {  	p2 =	seq.s32 s10, $0x1;
	s10 =	sld [smem:$0x3FB3]  }
0x3d: {  	_ =	shalt  }
0x3e: {  	_ =	shalt  }
0x3f: {  	_ =	shalt  }
0x40: {  	_ =	shalt  }
0x41: {  	_ =	shalt  }
0x42: {  	_ =	shalt  }
0x43: {  	_ =	shalt  }
0x44: {  	_ =	shalt  }
0x45: {  	_ =	shalt  }
0x46: {  	_ =	shalt  }
0x47: {  	_ =	shalt  }
0x48: {  	_ =	shalt  }
0x49: {  	_ =	shalt  }
0x4a: {  	_ =	shalt  }
0x4b: {  	_ =	shalt  }
0x4c: {  	_ =	shalt  }
0x4d: {  	_ =	shalt  }
0x4e: {  	_ =	shalt  }
0x4f: {  	_ =	shalt  }
0x50: {  	_ =	shalt  }
0x51: {  	_ =	shalt  }
0x52: {  	_ =	shalt  }
0x53: {  	_ =	shalt  }
0x54: {  	_ =	shalt  }
0x55: {  	_ =	shalt  }
0x56: {  	_ =	shalt  }
0x57: {  	_ =	shalt  }
0x58: {  	_ =	shalt  }
0x59: {  	_ =	shalt  }
0x5a: {  	_ =	shalt  }
0x5b: {  	_ =	shalt  }
0x5c: {  	_ =	shalt  }
0x5d: {  	_ =	shalt  }
0x5e: {  	_ =	shalt  }
0x5f: {  	_ =	shalt  }
0x60: {  	_ =	shalt  }
0x61: {  	_ =	shalt  }
0x62: {  	_ =	shalt  }
0x63: {  	_ =	shalt  }
0x64: {  	_ =	shalt  }
0x65: {  	_ =	shalt  }
0x66: {  	_ =	shalt  }
0x67: {  	_ =	shalt  }
0x68: {  	_ =	shalt  }
0x69: {  	_ =	shalt  }
0x6a: {  	_ =	shalt  }
0x6b: {  	_ =	shalt  }
0x6c: {  	_ =	shalt  }
0x6d: {  	_ =	shalt  }
0x6e: {  	_ =	shalt  }
0x6f: {  	_ =	shalt  }
0x70: {  	_ =	shalt  }
0x71: {  	_ =	shalt  }
0x72: {  	_ =	shalt  }
0x73: {  	_ =	shalt  }
0x74: {  	_ =	shalt  }
0x75: {  	_ =	shalt  }
0x76: {  	_ =	shalt  }
0x77: {  	_ =	shalt  }
0x78: {  	_ =	shalt  }
0x79: {  	_ =	shalt  }
0x7a: {  	_ =	shalt  }
0x7b: {  	_ =	shalt  }
0x7c: {  	_ =	shalt  }
0x7d: {  	_ =	shalt  }
0x7e: {  	_ =	shalt  }
0x7f: {  	_ =	shalt  }
0x80: {  	_ =	shalt  }
0x81: {  	_ =	shalt  }
0x82: {  	_ =	shalt  }
0x83: {  	_ =	shalt  }
0x84: {  	_ =	shalt  }
0x85: {  	_ =	shalt  }
0x86: {  	_ =	shalt  }
0x87: {  	_ =	shalt  }
.Lfunc_end0:
.L_simem_size_0:
called_computation.2_lowered:
.L_overlay_start_0:
0x88: {  	s2 =	sld [smem:$0x3FD9]  }
0x89: {  	s3 =	sld [smem:$0x3FFE];
	_ =	sdelay $0x1  }
0x8a: {  	s1 =	srdreg.scid  }
0x8b: {  	s0 =	sand.u32 $0x1, s1  }
0x8c: {  	s15 =	sshll.u32 s0, $0xA;
	s2 =	sadd.s32 s3, s2  }
0x8d: {  	s2 =	sadd.s32 s2, s15  }
0x8e: {  	[smem:$0x3FBF] =	sst s2  }
0x8f: {  	_ = 	snop  }
0x90: {  	s2 =	sld [smem:$0x3FD0];
	_ =	sdelay $0x2  }
0x91: {  	s4 =	simm.s32 $0xC;
	s16 =	simm.s32 $0x10  }
0x92: {  	[smem:s16], [sflag:s4] =	dma.local [hbm:s2], $0x1  }
0x93: {  	_ =	swait.eq [sflag:s4], $0x1  }
0x94: {  	[sflag:s4] =	ssyncset.done $0x0  }
0x95: {  	s17 =	sld [smem:$0x11];
	[sflag:s4] =	ssyncadd.s32 $0xFFFFFFFF  }
0x96: {  	s18 =	sld [smem:$0x12];
	(tm) =	ssettm $0x1  }
0x97: {  	s19 =	sld [smem:$0x3FFB];
	_ =	sdelay $0x3  }
0x98: {  	_ =	strace s19  }
0x99: {  	s2 =	sld [smem:$0x3FFC];
	_ =	sdelay $0x3  }
0x9a: {  	_ =	strace s2  }
0x9b: {  	s2 =	sld [smem:$0x3FFD];
	_ =	sdelay $0x3  }
0x9c: {  	_ =	strace s2  }
0x9d: {  	_ =	strace $0x8FFFFFFF  }
0x9e: {  	s20 =	sld [smem:$0x3FDB];
	_ =	sdelay $0x1  }
0x9f: {  	s5 =	simm.s32 $_scs_section_size  }
0xa0: {  	s6 =	simm.s32 $_size__tile_overlayer_lowered;
	s7 =	simm.s32 $_tile_overlayer_lowered  }
0xa1: {  	s8 =	simm.s32 $0x1BFF;
	s21 =	sshll.u32 s7, $0x1;
	s5 =	sadd.s32 s5, s20  }
0xa2: {  	s22 =	simm.s32 $0x0;
	s6 =	sshll.u32 s6, $0x1;
	s7 =	sadd.s32 s21, s5  }
0xa3: {  	[timem:s22], [sflag:s8] =	dma.local [hbm:s7], s6  }
0xa4: {  	_ =	swait.ge [sflag:s8], s6  }
0xa5: {  	s6 =	ssub.s32 $0x0, s6;
	[sflag:s8] =	ssyncset.done $0x0  }
0xa6: {  	[sflag:s8] =	ssyncadd.s32 s6;
	_ =	sdelay $0x1  }
0xa7: {  	s23 =	simm.s32 $0x1B8B  }
0xa8: {  	_ =	swait.ge [sflag:s23], $0x1  }
0xa9: {  	[sflag:s23] =	ssyncset.done $0x0  }
0xaa: {  	[sflag:s23] =	ssyncadd.s32 $0xFFFFFFFF  }
0xab: {  	s6 =	sld [smem:$0x0]  }
0xac: {  	s7 =	sand.u32 $0xFFFFFFFE, s1  }
0xad: {  	p0 =	sne.s32 s1, s7  }
0xae: {  	s7 =	sshll.u32 @p0 s7, $0xE  }
0xaf: {  	s7 =	sadd.s32 @p0 $0x11B8D, s7;
	s8 =	sshll.u32 @p0 s6, $0x11  }
0xb0: {  	s7 =	sor.u32 @p0 s8, s7  }
0xb1: {  	[sflag:s7] =	ssyncadd.remote.s32 @p0 $0x1;
	_ =	sdelay $0x1  }
0xb2: {  	s7 =	simm.s32 @p0 $0x1B8D  }
0xb3: {  	_ =	swait.eq @p0 [sflag:s7], $0x1  }
0xb4: {  	[sflag:s7] =	ssyncadd.s32 @p0 $0xFFFFFFFF  }
0xb5: {  	s8 =	sshll.u32 @!p0 s1, $0xE  }
0xb6: {  	s8 =	sor.u32 @!p0 $0x4000, s8;
	s7 =	simm.s32 @!p0 $0x1B8D  }
0xb7: {  	s6 =	sshll.u32 @!p0 s6, $0x11;
	s8 =	sadd.s32 @!p0 $0x11B8D, s8;
	_ =	swait.eq @!p0 [sflag:s7], $0x1  }
0xb8: {  	s6 =	sor.u32 @!p0 s6, s8;
	[sflag:s7] =	ssyncadd.s32 @!p0 $0xFFFFFFFF  }
0xb9: {  	s25 =	simm.s32 $0x1B8E;
	s24 =	sld [smem:$0x3FFE];
	[sflag:s6] =	ssyncadd.remote.s32 @!p0 $0x1  }
0xba: {  	s26 =	simm.s32 $execute0_lowered;
	[smem:$0x3FD2] =	sst s25  }
0xbb: {  	s7 =	sshll.u32 s26, $0x1;
	_ =	strace $0x8000004F;
	[dreg:$0x1] =	wrdreg $0xFFFFFFFF  }
0xbc: {  	s28 =	simm.s32 $_size_execute0_lowered;
	s5 =	sadd.s32 s5, s7;
	[dreg:$0x0] =	wrdreg $0x0  }
0xbd: {  	s7 =	sshll.u32 s28, $0x1;
	[dreg:$0x2] =	wrdreg s5  }
0xbe: {  	[dreg:$0x3] =	wrdreg s7  }
0xbf: {  	[dreg:$0x4] =	wrdreg $0xC0  }
0xc0: {  	_ =	task [dreg:s22], $0x5FFFF  }
0xc1: {  	[dreg:$0x1] =	wrdreg $0xFFFFFFFF  }
0xc2: {  	[dreg:$0x0] =	wrdreg $0x60  }
0xc3: {  	[dreg:$0x2] =	wrdreg s18  }
0xc4: {  	[dreg:$0x3] =	wrdreg s24  }
0xc5: {  	[dreg:$0x4] =	wrdreg s17  }
0xc6: {  	[dreg:$0x5] =	wrdreg $0x120000  }
0xc7: {  	[dreg:$0x6] =	wrdreg $0xA  }
0xc8: {  	_ =	task.clear_ibuf [dreg:s22], $0x7FFFF;
	_ =	strace $0x9000004F  }
0xc9: {  	s29 =	simm.s32 $0xA;
	_ =	strace $0x80000051  }
0xca: {  	_ =	swait.ge [sflag:s29], $0x1  }
0xcb: {  	[sflag:s29] =	ssyncadd.s32 $0xFFFFFFFF  }
0xcc: {  	_ =	strace $0x90000051  }
0xcd: {  	_ =	sfence  }
0xce: {  	s30 =	sld [smem:$0x0];
	_ =	sdelay $0x2  }
0xcf: {  	s31 =	sshll.u32 s1, $0xD;
	s1 =	sshrl.u32 s1, $0x2  }
0xd0: {  	s4 =	sand.u32 $0x4000, s31;
	s1 =	sadd.s32 s1, s30  }
0xd1: {  	s0 =	sor.u32 s4, s0;
	s1 =	sshll.u32 s1, $0x11  }
0xd2: {  	s0 =	sor.u32 s1, s0  }
0xd3: {  	s0 =	sadd.s32 $0x8F2B, s0  }
0xd4: {  	[sflag:s0] =	ssyncadd.remote.s32 $0x1  }
0xd5: {  	_ =	sfence.sel $0xFFFF  }
0xd6: {  	[dreg:$0x0] =	wrdreg $0xFFFFFFFF;
	(pc) =	sbr.abs _section_cstart, $3  }
0xd7: {  	[dreg:$0x1] =	wrdreg $0xFFFFFFFF  }
0xd8: {  	_ =	task.clear_ibuf [dreg:s22], $0x2FFFF;
	_ =	strace $0x9FFFFFFF  }
0xd9: {  	(tm) =	ssettm $0x7FFFFFFF  }
tec
execute0_lowered:
.L_overlay_start_1:
0x0: {  	(tag) =	ssettag $0x1  }
0x1: {  	s1 =	rddreg [dreg:$0x0]  }
0x2: {  	s0 =	rddreg [dreg:$0x1]  }
0x3: {  	s2 =	srdreg.scid;
	s5 =	rddreg [dreg:$0x2]  }
0x4: {  	s10 =	stileid.u32;
	s3 =	rddreg [dreg:$0x3];
	s4 =	simm.s32 $0x0  }
0x5: {  	s11 =	simm.s32 $0x11;
	s15 =	simm.s32 $0x40;
	s19 =	simm.s32 $0x4000  }
0x6: {  	s23 =	simm.s32 $0x8000;
	s28 =	simm.s32 $0xC000;
	s30 =	simm.s32 $0xE000  }
0x7: {  	s31 =	simm.s32 $0x1;
	s12 =	simm.s32 $0xB;
	s16 =	simm.s32 $0x5  }
0x8: {  	s17 =	simm.s32 $0xD;
	s18 =	simm.s32 $0x7;
	s20 =	simm.s32 $0xF  }
0x9: {  	s21 =	simm.s32 $0x8;
	s22 =	simm.s32 $0x10;
	s2 =	sand.u32 $0x1, s2  }
0xa: {  	s7 =	sshll.u32 s10, $0xC;
	[smem:$0x7FF] =	sst s4;
	s25 =	sshll.u32 s10, $0xF  }
0xb: {  	s29 =	sshll.u32 s10, $0x6;
	s6 =	sshll.u32 s2, $0x10;
	s2 =	ssub.s32 $0x2, s2  }
0xc: {  	_ =	strace $0x80000050;
	s26 =	sadd.s32 s25, s3;
	s5 =	sadd.s32 s5, s7  }
0xd: {  	s13 =	sor.u32 $0x1C11, s29;
	s8 =	sor.u32 s7, s6;
	s9 =	sshrl.u32 s2, $0x1  }
0xe: {  	[dreg:$0x7] =	wrdreg s5;
	s14 =	sshrl.u32 s26, $0x3;
	s8 =	sshrl.u32 s8, $0x3  }
.Ltmp0:
0xf: {  	s2 =	ssub.s32 s2, s9;
	s8 =	sadd.s32 s8, s0;
	(pc) =	sbr.rel .LBB2_1-.Ltmp0, $4  }
0x10: {  	s0 =	sadd.s32 s7, s0;
	s9 =	smax.u32 s2, $0x1;
	s24 =	sadd.s32 $0x81E00, s8  }
0x11: {  	s8 =	sadd.s32 $0x7DE00, s8;
	s0 =	sadd.s32 s6, s0;
	[dreg:$0x5] =	wrdreg s24  }
0x12: {  	s2 =	simm.s32 $0x9;
	[dreg:$0x6] =	wrdreg s8;
	s0 =	sadd.s32 $0x2400, s0  }
0x13: {  	s24 =	simm.s32 $0x0;
	[dreg:$0x8] =	wrdreg s0;
	s0 =	simm.s32 $0x3  }
.LBB2_4:
0x14: {  	_ =	swait.ge [sflag:s21], $0x2000  }
0x15: {  	[sflag:s21] =	ssyncset.done $0x0  }
0x16: {  	[sflag:s21] =	ssyncadd.s32 $0xFFFFE000  }
0x17: {  	[spmem:s3] =	stream.indirect.scatter.add.f32 [tilespmem:s30], [sflag:$0x10], $0x80, s5, s15, $0xb8;
	[tilespmem:$0x1A000] =	vst v63  }
0x18: {  	_ =	swait.ge [sflag:s22], $0x2000  }
0x19: {  	[sflag:s22] =	ssyncset.done $0x0  }
0x1a: {  	s24 =	sadd.s32 $0x1, s24;
	[sflag:s22] =	ssyncadd.s32 $0xFFFFE000  }
0x1b: {  	p0 =	sne.s32 s24, s9;
	[bflag:$0x0] =	sbarrier.arrive $0xFFFF  }
.Ltmp1:
0x1c: {  	s29 =	rddreg [dreg:$0x8];
	(pc) =	sbr.rel @!p0 .LBB2_5-.Ltmp1, $4  }
0x1d: {  	[hbm:s29], [sflag:s13] =	dma.local [spmem:s14], $0x1000  }
0x1e: {  	_ =	swait.ge [sflag:s11], $0x1000  }
0x1f: {  	[sflag:s11] =	ssyncset.done $0x0  }
0x20: {  	[sflag:s11] =	ssyncadd.s32 $0xFFFFF000  }
.LBB2_1:
0x21: {  	s5 =	rddreg [dreg:$0x5];
	s6 =	simm.s32 $0x10000  }
0x22: {  	[tilespmem:s6], [sflag:$0x11] =	stream.linear.gather [hbm4b:s5+s4], $0x1000, $0x38;
	[tilespmem:$0x1A000] =	vst v63  }
0x23: {  	_ =	swait.ge [sflag:s11], $0x1000  }
0x24: {  	[sflag:s11] =	ssyncset.done $0x0  }
0x25: {  	s7 =	simm.s32 $0x11000;
	s8 =	rddreg [dreg:$0x6];
	[sflag:s11] =	ssyncadd.s32 $0xFFFFF000  }
0x26: {  	[tilespmem:s7], [sflag:$0x11] =	stream.linear.gather [hbm4b:s8+s4], $0x1000, $0x38;
	[tilespmem:$0x1A000] =	vst v63  }
0x27: {  	_ =	swait.ge [sflag:s11], $0x1000  }
0x28: {  	[sflag:s11] =	ssyncset.done $0x0  }
0x29: {  	s10 =	rddreg [dreg:$0x7];
	[sflag:s11] =	ssyncadd.s32 $0xFFFFF000  }
0x2a: {  	[spmem:s14], [sflag:s13] =	dma.local [hbm:s10], $0x1000  }
0x2b: {  	_ =	swait.ge [sflag:s11], $0x1000  }
0x2c: {  	[sflag:s11] =	ssyncset.done $0x0  }
0x2d: {  	[sflag:s11] =	ssyncadd.s32 $0xFFFFF000  }
0x2e: {  	[bflag:$0x0] =	sbarrier.arrive $0xFFFF  }
0x2f: {  	[tilespmem:s4], [sflag:$0x1] =	stream.indirect.gather [hbm4b:s1+s15], $0x80, s6, s15, $0xb8;
	[tilespmem:$0x1A000] =	vst v63  }
0x30: {  	s25 =	simm.s32 $0x10040;
	s26 =	simm.s32 $0x2000  }
0x31: {  	[tilespmem:s26], [sflag:$0x2] =	stream.indirect.gather [hbm4b:s1+s15], $0x80, s25, s15, $0xb8;
	[tilespmem:$0x1A000] =	vst v63  }
0x32: {  	s29 =	simm.s32 $0x10080  }
0x33: {  	[tilespmem:s19], [sflag:$0x3] =	stream.indirect.gather [hbm4b:s1+s15], $0x80, s29, s15, $0xb8;
	[tilespmem:$0x1A000] =	vst v63  }
0x34: {  	s7 =	simm.s32 $0x6000;
	s6 =	simm.s32 $0x100C0  }
0x35: {  	[tilespmem:s7], [sflag:$0x4] =	stream.indirect.gather [hbm4b:s1+s15], $0x80, s6, s15, $0xb8;
	[tilespmem:$0x1A000] =	vst v63  }
0x36: {  	s8 =	simm.s32 $0x10100  }
0x37: {  	[tilespmem:s23], [sflag:$0x5] =	stream.indirect.gather [hbm4b:s1+s15], $0x80, s8, s15, $0xb8;
	[tilespmem:$0x1A000] =	vst v63  }
0x38: {  	s10 =	simm.s32 $0x10140;
	s25 =	simm.s32 $0xA000  }
0x39: {  	[tilespmem:s25], [sflag:$0x6] =	stream.indirect.gather [hbm4b:s1+s15], $0x80, s10, s15, $0xb8;
	[tilespmem:$0x1A000] =	vst v63  }
0x3a: {  	s26 =	simm.s32 $0x10180  }
0x3b: {  	[tilespmem:s28], [sflag:$0x7] =	stream.indirect.gather [hbm4b:s1+s15], $0x80, s26, s15, $0xb8;
	[tilespmem:$0x1A000] =	vst v63  }
0x3c: {  	s29 =	simm.s32 $0x101C0;
	s25 =	simm.s32 $0x0  }
0x3d: {  	[tilespmem:s30], [sflag:$0x8] =	stream.indirect.gather [hbm4b:s1+s15], $0x80, s29, s15, $0xb8;
	[tilespmem:$0x1A000] =	vst v63  }
.LBB2_2:
0x3e: {  	_ =	swait.ge [sflag:s31], $0x2000  }
0x3f: {  	s26 =	sshra.s32 s25, $0x2;
	[sflag:s31] =	ssyncset.done $0x0  }
0x40: {  	s5 =	sadd.s32 $0x11000, s26;
	[sflag:s31] =	ssyncadd.s32 $0xFFFFE000  }
0x41: {  	[spmem:s3] =	stream.indirect.scatter.add.f32 [tilespmem:s4], [sflag:$0x9], $0x80, s5, s15, $0xb8;
	[tilespmem:$0x1A000] =	vst v63  }
0x42: {  	_ =	swait.ge [sflag:s2], $0x2000  }
0x43: {  	p0 =	seq.s32 s25, $0x3800;
	[sflag:s2] =	ssyncset.done $0x0  }
0x44: {  	s5 =	simm.s32 @p0 $0x2;
	[sflag:s2] =	ssyncadd.s32 $0xFFFFE000  }
0x45: {  	_ =	swait.ge @p0 [sflag:s5], $0x2000  }
0x46: {  	s6 =	sshra.s32 @p0 s25, $0x2;
	s10 =	simm.s32 @p0 $0x40;
	[sflag:s5] =	ssyncset.done @p0 $0x0  }
0x47: {  	s29 =	simm.s32 @p0 $0x2000;
	[sflag:s5] =	ssyncadd.s32 @p0 $0xFFFFE000;
	s5 =	sadd.s32 @p0 $0x11040, s6  }
0x48: {  	[spmem:s3] =	stream.indirect.scatter.add.f32 @p0 [tilespmem:s29], [sflag:$0xA], $0x80, s5, s10, $0xb8;
	[tilespmem:$0x1A000] =	vst v63  }
0x49: {  	s5 =	simm.s32 @p0 $0xA  }
0x4a: {  	_ =	swait.ge @p0 [sflag:s5], $0x2000  }
0x4b: {  	s8 =	simm.s32 @!p0 $0x0;
	s29 =	sshra.s32 @!p0 s25, $0x2;
	[sflag:s5] =	ssyncset.done @p0 $0x0  }
0x4c: {  	s7 =	sadd.s32 @!p0 $0x10200, s29;
	[sflag:s5] =	ssyncadd.s32 @p0 $0xFFFFE000;
	s5 =	simm.s32 @!p0 $0x40  }
0x4d: {  	[tilespmem:s8], [sflag:$0x1] =	stream.indirect.gather @!p0 [hbm4b:s1+s5], $0x80, s7, s5, $0xb8;
	[tilespmem:$0x1A000] =	vst v63  }
0x4e: {  	s7 =	simm.s32 @!p0 $0x2  }
0x4f: {  	_ =	swait.ge @!p0 [sflag:s7], $0x2000  }
0x50: {  	[sflag:s7] =	ssyncset.done @!p0 $0x0  }
0x51: {  	s8 =	simm.s32 @!p0 $0x2000;
	[sflag:s7] =	ssyncadd.s32 @!p0 $0xFFFFE000;
	s7 =	sadd.s32 @!p0 $0x11040, s29  }
0x52: {  	[spmem:s3] =	stream.indirect.scatter.add.f32 @!p0 [tilespmem:s8], [sflag:$0xA], $0x80, s7, s5, $0xb8;
	[tilespmem:$0x1A000] =	vst v63  }
0x53: {  	s7 =	simm.s32 @!p0 $0xA  }
0x54: {  	_ =	swait.ge @!p0 [sflag:s7], $0x2000  }
0x55: {  	[sflag:s7] =	ssyncset.done @!p0 $0x0  }
0x56: {  	[sflag:s7] =	ssyncadd.s32 @!p0 $0xFFFFE000;
	s7 =	sadd.s32 @!p0 $0x10240, s29  }
0x57: {  	[tilespmem:s8], [sflag:$0x2] =	stream.indirect.gather @!p0 [hbm4b:s1+s5], $0x80, s7, s5, $0xb8;
	[tilespmem:$0x1A000] =	vst v63  }
0x58: {  	_ =	swait.ge [sflag:s0], $0x2000  }
0x59: {  	[sflag:s0] =	ssyncset.done $0x0  }
0x5a: {  	s8 =	sadd.s32 $0x11080, s26;
	[sflag:s0] =	ssyncadd.s32 $0xFFFFE000  }
0x5b: {  	[spmem:s3] =	stream.indirect.scatter.add.f32 [tilespmem:s19], [sflag:$0xB], $0x80, s8, s15, $0xb8;
	[tilespmem:$0x1A000] =	vst v63  }
0x5c: {  	_ =	swait.ge [sflag:s12], $0x2000  }
0x5d: {  	[sflag:s12] =	ssyncset.done $0x0  }
0x5e: {  	s7 =	simm.s32 @p0 $0x4;
	[sflag:s12] =	ssyncadd.s32 $0xFFFFE000  }
0x5f: {  	_ =	swait.ge @p0 [sflag:s7], $0x2000  }
0x60: {  	[sflag:s7] =	ssyncset.done @p0 $0x0  }
0x61: {  	s8 =	simm.s32 @p0 $0x6000;
	[sflag:s7] =	ssyncadd.s32 @p0 $0xFFFFE000;
	s7 =	sadd.s32 @p0 $0x110C0, s6  }
0x62: {  	[spmem:s3] =	stream.indirect.scatter.add.f32 @p0 [tilespmem:s8], [sflag:$0xC], $0x80, s7, s10, $0xb8;
	[tilespmem:$0x1A000] =	vst v63  }
0x63: {  	s7 =	simm.s32 @p0 $0xC  }
0x64: {  	_ =	swait.ge @p0 [sflag:s7], $0x2000  }
0x65: {  	[sflag:s7] =	ssyncset.done @p0 $0x0  }
0x66: {  	s8 =	simm.s32 @!p0 $0x4000;
	[sflag:s7] =	ssyncadd.s32 @p0 $0xFFFFE000;
	s7 =	sadd.s32 @!p0 $0x10280, s29  }
0x67: {  	[tilespmem:s8], [sflag:$0x3] =	stream.indirect.gather @!p0 [hbm4b:s1+s5], $0x80, s7, s5, $0xb8;
	[tilespmem:$0x1A000] =	vst v63  }
0x68: {  	s7 =	simm.s32 @!p0 $0x4  }
0x69: {  	_ =	swait.ge @!p0 [sflag:s7], $0x2000  }
0x6a: {  	[sflag:s7] =	ssyncset.done @!p0 $0x0  }
0x6b: {  	s8 =	simm.s32 @!p0 $0x6000;
	[sflag:s7] =	ssyncadd.s32 @!p0 $0xFFFFE000;
	s7 =	sadd.s32 @!p0 $0x110C0, s29  }
0x6c: {  	[spmem:s3] =	stream.indirect.scatter.add.f32 @!p0 [tilespmem:s8], [sflag:$0xC], $0x80, s7, s5, $0xb8;
	[tilespmem:$0x1A000] =	vst v63  }
0x6d: {  	s7 =	simm.s32 @!p0 $0xC  }
0x6e: {  	_ =	swait.ge @!p0 [sflag:s7], $0x2000  }
0x6f: {  	[sflag:s7] =	ssyncset.done @!p0 $0x0  }
0x70: {  	[sflag:s7] =	ssyncadd.s32 @!p0 $0xFFFFE000;
	s7 =	sadd.s32 @!p0 $0x102C0, s29  }
0x71: {  	[tilespmem:s8], [sflag:$0x4] =	stream.indirect.gather @!p0 [hbm4b:s1+s5], $0x80, s7, s5, $0xb8;
	[tilespmem:$0x1A000] =	vst v63  }
0x72: {  	_ =	swait.ge [sflag:s16], $0x2000  }
0x73: {  	[sflag:s16] =	ssyncset.done $0x0  }
0x74: {  	s8 =	sadd.s32 $0x11100, s26;
	[sflag:s16] =	ssyncadd.s32 $0xFFFFE000  }
0x75: {  	[spmem:s3] =	stream.indirect.scatter.add.f32 [tilespmem:s23], [sflag:$0xD], $0x80, s8, s15, $0xb8;
	[tilespmem:$0x1A000] =	vst v63  }
0x76: {  	_ =	swait.ge [sflag:s17], $0x2000  }
0x77: {  	[sflag:s17] =	ssyncset.done $0x0  }
0x78: {  	s7 =	simm.s32 @p0 $0x6;
	[sflag:s17] =	ssyncadd.s32 $0xFFFFE000  }
0x79: {  	_ =	swait.ge @p0 [sflag:s7], $0x2000  }
0x7a: {  	[sflag:s7] =	ssyncset.done @p0 $0x0  }
0x7b: {  	s6 =	sadd.s32 @p0 $0x11140, s6;
	[sflag:s7] =	ssyncadd.s32 @p0 $0xFFFFE000;
	s7 =	simm.s32 @p0 $0xA000  }
0x7c: {  	[spmem:s3] =	stream.indirect.scatter.add.f32 @p0 [tilespmem:s7], [sflag:$0xE], $0x80, s6, s10, $0xb8;
	[tilespmem:$0x1A000] =	vst v63  }
0x7d: {  	s6 =	simm.s32 @p0 $0xE  }
0x7e: {  	_ =	swait.ge @p0 [sflag:s6], $0x2000  }
0x7f: {  	[sflag:s6] =	ssyncset.done @p0 $0x0  }
0x80: {  	s7 =	simm.s32 @!p0 $0x8000;
	[sflag:s6] =	ssyncadd.s32 @p0 $0xFFFFE000;
	s6 =	sadd.s32 @!p0 $0x10300, s29  }
0x81: {  	[tilespmem:s7], [sflag:$0x5] =	stream.indirect.gather @!p0 [hbm4b:s1+s5], $0x80, s6, s5, $0xb8;
	[tilespmem:$0x1A000] =	vst v63  }
0x82: {  	s6 =	simm.s32 @!p0 $0x6  }
0x83: {  	_ =	swait.ge @!p0 [sflag:s6], $0x2000  }
0x84: {  	[sflag:s6] =	ssyncset.done @!p0 $0x0  }
0x85: {  	s7 =	simm.s32 @!p0 $0xA000;
	[sflag:s6] =	ssyncadd.s32 @!p0 $0xFFFFE000;
	s6 =	sadd.s32 @!p0 $0x11140, s29  }
0x86: {  	[spmem:s3] =	stream.indirect.scatter.add.f32 @!p0 [tilespmem:s7], [sflag:$0xE], $0x80, s6, s5, $0xb8;
	[tilespmem:$0x1A000] =	vst v63  }
0x87: {  	s6 =	simm.s32 @!p0 $0xE  }
0x88: {  	_ =	swait.ge @!p0 [sflag:s6], $0x2000  }
0x89: {  	[sflag:s6] =	ssyncset.done @!p0 $0x0  }
0x8a: {  	[sflag:s6] =	ssyncadd.s32 @!p0 $0xFFFFE000;
	s6 =	sadd.s32 @!p0 $0x10340, s29  }
0x8b: {  	[tilespmem:s7], [sflag:$0x6] =	stream.indirect.gather @!p0 [hbm4b:s1+s5], $0x80, s6, s5, $0xb8;
	[tilespmem:$0x1A000] =	vst v63  }
0x8c: {  	_ =	swait.ge [sflag:s18], $0x2000  }
0x8d: {  	[sflag:s18] =	ssyncset.done $0x0  }
.Ltmp2:
0x8e: {  	s29 =	sadd.s32 $0x11180, s26;
	[sflag:s18] =	ssyncadd.s32 $0xFFFFE000;
	(pc) =	sbr.rel @p0 .LBB2_4-.Ltmp2, $4  }
0x8f: {  	[spmem:s3] =	stream.indirect.scatter.add.f32 [tilespmem:s28], [sflag:$0xF], $0x80, s29, s15, $0xb8;
	[tilespmem:$0x1A000] =	vst v63  }
0x90: {  	_ =	swait.ge [sflag:s20], $0x2000  }
0x91: {  	[sflag:s20] =	ssyncset.done $0x0  }
0x92: {  	s5 =	sadd.s32 $0x111C0, s26;
	[sflag:s20] =	ssyncadd.s32 $0xFFFFE000  }
0x93: {  	s6 =	sadd.s32 $0x10380, s26  }
0x94: {  	[tilespmem:s28], [sflag:$0x7] =	stream.indirect.gather [hbm4b:s1+s15], $0x80, s6, s15, $0xb8;
	[tilespmem:$0x1A000] =	vst v63  }
0x95: {  	_ =	swait.ge [sflag:s21], $0x2000  }
0x96: {  	[sflag:s21] =	ssyncset.done $0x0  }
0x97: {  	[sflag:s21] =	ssyncadd.s32 $0xFFFFE000  }
0x98: {  	[spmem:s3] =	stream.indirect.scatter.add.f32 [tilespmem:s30], [sflag:$0x10], $0x80, s5, s15, $0xb8;
	[tilespmem:$0x1A000] =	vst v63  }
.Ltmp3:
0x99: {  	_ = 	snop;
	(pc) =	sbr.rel .LBB2_2-.Ltmp3, $4  }
0x9a: {  	_ =	swait.ge [sflag:s22], $0x2000  }
0x9b: {  	[sflag:s22] =	ssyncset.done $0x0  }
0x9c: {  	s29 =	sadd.s32 $0x103C0, s26;
	s25 =	sadd.s32 $0x800, s25;
	[sflag:s22] =	ssyncadd.s32 $0xFFFFE000  }
0x9d: {  	[tilespmem:s30], [sflag:$0x8] =	stream.indirect.gather [hbm4b:s1+s15], $0x80, s29, s15, $0xb8;
	[tilespmem:$0x1A000] =	vst v63  }
.LBB2_5:
0x9e: {  	_ =	sfence.sel $0x180000  }
0x9f: {  	[bflag:$0x0] =	sbarrier.arrive $0xFFFF  }
0xa0: {  	_ =	strace $0x90000050  }
0xa1: {  	s0 =	stileid.u32;
	[bflag:$0x2] =	sbarrier.arrive $0xFFFF  }
0xa2: {  	p0 =	sne.s32 s0, $0x0;
	s0 =	rddreg [dreg:$0x4]  }
0xa3: {  	s0 =	sadd.s32 @!p0 $0x100000, s0  }
0xa4: {  	[sflag:s0] =	ssyncadd.tile.s32 @!p0 $0x1;
	_ =	shalt  }
.Lfunc_end2:
_tile_overlayer_lowered:
.L_overlay_start_2:
0xa5: {  	(tag) =	ssettag $0x2  }
0xa6: {  	s0 =	rddreg [dreg:$0x0];
	s2 =	stileid.u32  }
0xa7: {  	s1 =	rddreg [dreg:$0x1];
	p0 =	sne.s32 s2, $0x0  }
0xa8: {  	s3 =	rddreg [dreg:$0x2];
	[bflag:$0x3] =	sbarrier.arrive $0xFFFF;
	s2 =	simm.s32 @!p0 $0x1C11  }
0xa9: {  	[timem:s3], [sflag:s2] =	dma.local @!p0 [hbm:s0], s1  }
0xaa: {  	s0 =	simm.s32 @!p0 $0x11  }
0xab: {  	_ =	swait.ge @!p0 [sflag:s0], s1  }
0xac: {  	s1 =	ssub.s32 @!p0 $0x0, s1;
	[sflag:s0] =	ssyncset.done @!p0 $0x0  }
0xad: {  	[sflag:s0] =	ssyncadd.s32 @!p0 s1  }
0xae: {  	[bflag:$0x3] =	sbarrier.arrive $0xFFFF  }
0xaf: {  	_ =	shalt  }

// kernel: kernel.17.cloned.1.call-start
scs
__scs_entry_jumppad:
0x0: {  	(pc) =	sbr.rel $0x88, $3  }
0x1: {  	(tag) =	ssettag $0x0;
	lr =	simm.s32 $0x1  }
0x2: {  	[smem:$0x3F98] =	sst lr;
	_ =	strace $0xD0000000  }
0x3: {  	_ = 	snop  }
0x4: {  	_ = 	snop  }
0x5: {  	_ = 	snop  }
0x6: {  	_ = 	snop  }
0x7: {  	_ = 	snop  }
__scs_overlays_trampoline_lowered:
0x8: {  	[smem:$0x3FA7] =	sst s0  }
0x9: {  	[smem:$0x3FA8] =	sst s1  }
0xa: {  	[smem:$0x3FA9] =	sst s2  }
0xb: {  	[smem:$0x3FAA] =	sst s3  }
0xc: {  	[smem:$0x3FAB] =	sst s4  }
0xd: {  	[smem:$0x3FAC] =	sst s5  }
0xe: {  	[smem:$0x3FAD] =	sst s6  }
0xf: {  	[smem:$0x3FAE] =	sst s7  }
0x10: {  	[smem:$0x3FAF] =	sst s8  }
0x11: {  	[smem:$0x3FB0] =	sst s9;
	s0 =	simm.s32 @!p0 $0x0  }
0x12: {  	s1 =	sld [smem:$0x3F96];
	s0 =	simm.s32 @p0 $0x1  }
0x13: {  	[smem:$0x3FB1] =	sst s0;
	s0 =	simm.s32 @!p1 $0x0  }
0x14: {  	s2 =	sld [smem:$0x3F95];
	s0 =	simm.s32 @p1 $0x1  }
0x15: {  	[smem:$0x3FB2] =	sst s0;
	s0 =	simm.s32 @!p2 $0x0  }
0x16: {  	s3 =	sld [smem:$0x3FDB];
	s0 =	simm.s32 @p2 $0x1  }
0x17: {  	s4 =	simm.s32 $0x1BF5;
	[smem:$0x3FB4] =	sst s0  }
0x18: {  	s0 =	sld [smem:$0x3F97];
	_ =	swait.ge [sflag:s4], $0x0  }
0x19: {  	s7 =	sld [smem:$0x3F98]  }
0x1a: {  	s8 =	sadd.s32 $0xFFFFE003, lr  }
0x1b: {  	s9 =	sadd.s32 $0xFFFFFEF7, lr;
	s5 =	simm.s32 $0xFFFFFFFF;
	p2 =	slt.u32 s8, $0xFFFFF086  }
0x1c: {  	p1 =	slt.u32 s9, $0xF7A;
	s5 =	simm.s32 @!p2 $0x0  }
0x1d: {  	s5 =	simm.s32 @p1 $0x1;
	p0 =	seq.s32 s7, s2  }
0x1e: {  	s7 =	smul.u32 @!p0 $0xF7A, s2;
	p2 =	seq.s32 @!p0 s5, $0x0  }
0x1f: {  	s9 =	smul.u32 $0xF7A, s1;
	s8 =	simm.s32 @!p0 $0x1BF5;
	p2 =	por !p2, p0  }
0x20: {  	[sflag:s8] =	ssyncset.s32 @!p0 $0xFFFFF086;
	s6 =	sadd.s32 @!p0 s3, s7;
	s7 =	simm.s32 @!p0 $0x108  }
0x21: {  	s3 =	sadd.s32 s3, s9;
	s6 =	sadd.s32 @!p0 $0x88, s6;
	s7 =	simm.s32 @p2 $0x1082  }
0x22: {  	[simem:s7], [sflag:s8] =	dma.local @!p0 [hbm:s6], $0xF7A  }
0x23: {  	s9 =	sor.u32 $0xD0000000, s2;
	s6 =	simm.s32 $0x108;
	_ =	swait.ge @!p0 [sflag:s8], $0x0  }
0x24: {  	s3 =	sadd.s32 $0x88, s3;
	s6 =	simm.s32 @!p1 $0x1082;
	[sflag:s4] =	ssyncset.s32 $0xFFFFF086  }
0x25: {  	[simem:s6], [sflag:s4] =	dma.local [hbm:s3], $0xF7A  }
0x26: {  	[smem:$0x3F98] =	sst s1;
	(tag) =	ssettag s2;
	_ =	strace s9  }
0x27: {  	s1 =	sld [smem:$0x3FA8]  }
0x28: {  	s2 =	sld [smem:$0x3FA9]  }
0x29: {  	s4 =	sld [smem:$0x3FAB]  }
0x2a: {  	p0 =	seq.s32 s5, $0x0;
	s5 =	sld [smem:$0x3FAC]  }
0x2b: {  	s6 =	sld [smem:$0x3FAD]  }
0x2c: {  	s7 =	sld [smem:$0x3FAE]  }
0x2d: {  	s3 =	simm.s32 $0x108;
	s8 =	sld [smem:$0x3FAF]  }
0x2e: {  	s3 =	simm.s32 @!p0 $0x1082;
	s9 =	sld [smem:$0x3FB0]  }
0x2f: {  	lr =	sadd.s32 s0, s3;
	s0 =	sld [smem:$0x3FA7]  }
0x30: {  	s3 =	sld [smem:$0x3FAA]  }
0x31: {  	[smem:$0x3FB3] =	sst s10  }
0x32: {  	s10 =	sld [smem:$0x3FB1];
	_ =	sdelay $0x3  }
0x33: {  	p0 =	seq.s32 s10, $0x1;
	s10 =	sld [smem:$0x3FB3];
	_ =	sdelay $0x3  }
0x34: {  	[smem:$0x3FB3] =	sst s10  }
0x35: {  	s10 =	sld [smem:$0x3FB2];
	_ =	sdelay $0x3  }
0x36: {  	p1 =	seq.s32 s10, $0x1;
	s10 =	sld [smem:$0x3FB3];
	_ =	sdelay $0x3  }
0x37: {  	[smem:$0x3FB3] =	sst s10  }
0x38: {  	s10 =	sld [smem:$0x3FB4]  }
0x39: {  	_ = 	snop;
	(pc) =	sbr.ind lr, $3  }
0x3a: {  	_ = 	snop  }
0x3b: {  	_ = 	snop  }
0x3c: {  	p2 =	seq.s32 s10, $0x1;
	s10 =	sld [smem:$0x3FB3]  }
0x3d: {  	_ =	shalt  }
0x3e: {  	_ =	shalt  }
0x3f: {  	_ =	shalt  }
0x40: {  	_ =	shalt  }
0x41: {  	_ =	shalt  }
0x42: {  	_ =	shalt  }
0x43: {  	_ =	shalt  }
0x44: {  	_ =	shalt  }
0x45: {  	_ =	shalt  }
0x46: {  	_ =	shalt  }
0x47: {  	_ =	shalt  }
0x48: {  	_ =	shalt  }
0x49: {  	_ =	shalt  }
0x4a: {  	_ =	shalt  }
0x4b: {  	_ =	shalt  }
0x4c: {  	_ =	shalt  }
0x4d: {  	_ =	shalt  }
0x4e: {  	_ =	shalt  }
0x4f: {  	_ =	shalt  }
0x50: {  	_ =	shalt  }
0x51: {  	_ =	shalt  }
0x52: {  	_ =	shalt  }
0x53: {  	_ =	shalt  }
0x54: {  	_ =	shalt  }
0x55: {  	_ =	shalt  }
0x56: {  	_ =	shalt  }
0x57: {  	_ =	shalt  }
0x58: {  	_ =	shalt  }
0x59: {  	_ =	shalt  }
0x5a: {  	_ =	shalt  }
0x5b: {  	_ =	shalt  }
0x5c: {  	_ =	shalt  }
0x5d: {  	_ =	shalt  }
0x5e: {  	_ =	shalt  }
0x5f: {  	_ =	shalt  }
0x60: {  	_ =	shalt  }
0x61: {  	_ =	shalt  }
0x62: {  	_ =	shalt  }
0x63: {  	_ =	shalt  }
0x64: {  	_ =	shalt  }
0x65: {  	_ =	shalt  }
0x66: {  	_ =	shalt  }
0x67: {  	_ =	shalt  }
0x68: {  	_ =	shalt  }
0x69: {  	_ =	shalt  }
0x6a: {  	_ =	shalt  }
0x6b: {  	_ =	shalt  }
0x6c: {  	_ =	shalt  }
0x6d: {  	_ =	shalt  }
0x6e: {  	_ =	shalt  }
0x6f: {  	_ =	shalt  }
0x70: {  	_ =	shalt  }
0x71: {  	_ =	shalt  }
0x72: {  	_ =	shalt  }
0x73: {  	_ =	shalt  }
0x74: {  	_ =	shalt  }
0x75: {  	_ =	shalt  }
0x76: {  	_ =	shalt  }
0x77: {  	_ =	shalt  }
0x78: {  	_ =	shalt  }
0x79: {  	_ =	shalt  }
0x7a: {  	_ =	shalt  }
0x7b: {  	_ =	shalt  }
0x7c: {  	_ =	shalt  }
0x7d: {  	_ =	shalt  }
0x7e: {  	_ =	shalt  }
0x7f: {  	_ =	shalt  }
0x80: {  	_ =	shalt  }
0x81: {  	_ =	shalt  }
0x82: {  	_ =	shalt  }
0x83: {  	_ =	shalt  }
0x84: {  	_ =	shalt  }
0x85: {  	_ =	shalt  }
0x86: {  	_ =	shalt  }
0x87: {  	_ =	shalt  }
.Lfunc_end0:
.L_simem_size_0:
called_computation.3_lowered:
.L_overlay_start_0:
0x88: {  	s2 =	sld [smem:$0x3FD9]  }
0x89: {  	s3 =	sld [smem:$0x3FFE];
	_ =	sdelay $0x1  }
0x8a: {  	s1 =	srdreg.scid  }
0x8b: {  	s0 =	sand.u32 $0x1, s1  }
0x8c: {  	s17 =	sshll.u32 s0, $0xA;
	s2 =	sadd.s32 s3, s2  }
0x8d: {  	s2 =	sadd.s32 s2, s17  }
0x8e: {  	[smem:$0x3FBF] =	sst s2  }
0x8f: {  	_ = 	snop  }
0x90: {  	(tm) =	ssettm $0x1  }
0x91: {  	s18 =	sld [smem:$0x3FFB];
	_ =	sdelay $0x3  }
0x92: {  	_ =	strace s18  }
0x93: {  	s2 =	sld [smem:$0x3FFC];
	_ =	sdelay $0x3  }
0x94: {  	_ =	strace s2  }
0x95: {  	s2 =	sld [smem:$0x3FFD];
	_ =	sdelay $0x3  }
0x96: {  	_ =	strace s2  }
0x97: {  	_ =	strace $0x8FFFFFFF  }
0x98: {  	s19 =	sld [smem:$0x3FDB];
	_ =	sdelay $0x1  }
0x99: {  	s20 =	simm.s32 $_scs_section_size  }
0x9a: {  	s4 =	simm.s32 $_size__tile_overlayer_lowered;
	s5 =	simm.s32 $_tile_overlayer_lowered  }
0x9b: {  	s6 =	simm.s32 $0x1BFF;
	s21 =	sshll.u32 s5, $0x1;
	s3 =	sadd.s32 s20, s19  }
0x9c: {  	s22 =	simm.s32 $0x0;
	s4 =	sshll.u32 s4, $0x1;
	s5 =	sadd.s32 s21, s3  }
0x9d: {  	[timem:s22], [sflag:s6] =	dma.local [hbm:s5], s4  }
0x9e: {  	_ =	swait.ge [sflag:s6], s4  }
0x9f: {  	s4 =	ssub.s32 $0x0, s4;
	[sflag:s6] =	ssyncset.done $0x0  }
0xa0: {  	[sflag:s6] =	ssyncadd.s32 s4;
	_ =	sdelay $0x1  }
0xa1: {  	s23 =	simm.s32 $0x1B8B  }
0xa2: {  	_ =	swait.ge [sflag:s23], $0x1  }
0xa3: {  	[sflag:s23] =	ssyncset.done $0x0  }
0xa4: {  	[sflag:s23] =	ssyncadd.s32 $0xFFFFFFFF  }
0xa5: {  	s4 =	sld [smem:$0x0]  }
0xa6: {  	s5 =	sand.u32 $0xFFFFFFFE, s1  }
0xa7: {  	p0 =	sne.s32 s1, s5  }
0xa8: {  	s5 =	sshll.u32 @p0 s5, $0xE  }
0xa9: {  	s5 =	sadd.s32 @p0 $0x11B8D, s5;
	s6 =	sshll.u32 @p0 s4, $0x11  }
0xaa: {  	s5 =	sor.u32 @p0 s6, s5  }
0xab: {  	[sflag:s5] =	ssyncadd.remote.s32 @p0 $0x1;
	_ =	sdelay $0x1  }
0xac: {  	s5 =	simm.s32 @p0 $0x1B8D  }
0xad: {  	_ =	swait.eq @p0 [sflag:s5], $0x1  }
0xae: {  	[sflag:s5] =	ssyncadd.s32 @p0 $0xFFFFFFFF  }
0xaf: {  	s6 =	sshll.u32 @!p0 s1, $0xE  }
0xb0: {  	s6 =	sor.u32 @!p0 $0x4000, s6;
	s5 =	simm.s32 @!p0 $0x1B8D  }
0xb1: {  	s4 =	sshll.u32 @!p0 s4, $0x11;
	s6 =	sadd.s32 @!p0 $0x11B8D, s6;
	_ =	swait.eq @!p0 [sflag:s5], $0x1  }
0xb2: {  	s4 =	sor.u32 @!p0 s4, s6;
	[sflag:s5] =	ssyncadd.s32 @!p0 $0xFFFFFFFF  }
0xb3: {  	s25 =	simm.s32 $0x1B8E;
	s24 =	sld [smem:$0x3FFE];
	[sflag:s4] =	ssyncadd.remote.s32 @!p0 $0x1  }
0xb4: {  	s26 =	simm.s32 $execute0_lowered;
	[smem:$0x3FD2] =	sst s25  }
0xb5: {  	s5 =	sshll.u32 s26, $0x1;
	_ =	strace $0x8000004C;
	[dreg:$0x1] =	wrdreg $0xFFFFFFFF  }
0xb6: {  	s28 =	simm.s32 $_size_execute0_lowered;
	s3 =	sadd.s32 s3, s5;
	[dreg:$0x0] =	wrdreg $0x0  }
0xb7: {  	s5 =	sshll.u32 s28, $0x1;
	[dreg:$0x2] =	wrdreg s3  }
0xb8: {  	[dreg:$0x3] =	wrdreg s5  }
0xb9: {  	[dreg:$0x4] =	wrdreg $0xC0  }
0xba: {  	_ =	task [dreg:s22], $0x5FFFF  }
0xbb: {  	[dreg:$0x1] =	wrdreg $0xFFFFFFFF  }
0xbc: {  	[dreg:$0x0] =	wrdreg $0x60  }
0xbd: {  	[dreg:$0x2] =	wrdreg s24  }
0xbe: {  	[dreg:$0x3] =	wrdreg $0x14000  }
0xbf: {  	[dreg:$0x4] =	wrdreg $0x9  }
0xc0: {  	_ =	task.clear_ibuf [dreg:s22], $0x5FFFF;
	_ =	strace $0x9000004C  }
0xc1: {  	s29 =	simm.s32 $0x9;
	_ =	strace $0x8000004E  }
0xc2: {  	_ =	swait.ge [sflag:s29], $0x1  }
0xc3: {  	[sflag:s29] =	ssyncadd.s32 $0xFFFFFFFF  }
0xc4: {  	_ =	strace $0x9000004E  }
0xc5: {  	_ =	sfence  }
0xc6: {  	s30 =	sld [smem:$0x0];
	_ =	sdelay $0x2  }
0xc7: {  	s31 =	sshll.u32 s1, $0xD;
	s1 =	sshrl.u32 s1, $0x2  }
0xc8: {  	s4 =	sand.u32 $0x4000, s31;
	s1 =	sadd.s32 s1, s30  }
0xc9: {  	s0 =	sor.u32 s4, s0;
	s1 =	sshll.u32 s1, $0x11  }
0xca: {  	s0 =	sor.u32 s1, s0  }
0xcb: {  	s0 =	sadd.s32 $0x8F2B, s0  }
0xcc: {  	[sflag:s0] =	ssyncadd.remote.s32 $0x1  }
0xcd: {  	_ =	sfence.sel $0xFFFF  }
0xce: {  	[dreg:$0x0] =	wrdreg $0xFFFFFFFF;
	(pc) =	sbr.abs _section_cstart, $3  }
0xcf: {  	[dreg:$0x1] =	wrdreg $0xFFFFFFFF  }
0xd0: {  	_ =	task.clear_ibuf [dreg:s22], $0x2FFFF;
	_ =	strace $0x9FFFFFFF  }
0xd1: {  	(tm) =	ssettm $0x7FFFFFFF  }
tec
execute0_lowered:
.L_overlay_start_1:
0x0: {  	(tag) =	ssettag $0x1  }
0x1: {  	s5 =	rddreg [dreg:$0x0]  }
0x2: {  	s1 =	rddreg [dreg:$0x1]  }
0x3: {  	s0 =	rddreg [dreg:$0x2]  }
0x4: {  	s3 =	simm.s32 $0x0;
	s4 =	srdreg.scid;
	s2 =	stileid.u32  }
0x5: {  	s12 =	simm.s32 $0x1000;
	s13 =	simm.s32 $0x40;
	s14 =	simm.s32 $0x80  }
0x6: {  	s15 =	simm.s32 $0xC0;
	s16 =	simm.s32 $0x100;
	s17 =	simm.s32 $0x140  }
0x7: {  	s18 =	simm.s32 $0x180;
	s19 =	simm.s32 $0x1C0;
	s20 =	simm.s32 $0x1  }
0x8: {  	s21 =	simm.s32 $0x0;
	[smem:$0x7FF] =	sst s3;
	s6 =	sand.u32 $0x1, s4  }
0x9: {  	s4 =	sadd.s32 $0x87E00, s5;
	s7 =	sshll.u32 s2, $0xC;
	s9 =	sshll.u32 s2, $0x9  }
0xa: {  	s31 =	sshll.u32 s2, $0x6;
	_ =	strace $0x8000004D;
	s8 =	sshll.u32 s6, $0x10  }
0xb: {  	s6 =	ssub.s32 $0x2, s6;
	s9 =	sadd.s32 s9, s5;
	s8 =	sor.u32 s7, s8  }
0xc: {  	s11 =	sadd.s32 s7, s1;
	s10 =	sshrl.u32 s6, $0x1;
	s8 =	sshrl.u32 s8, $0x3  }
0xd: {  	s10 =	ssub.s32 s6, s10;
	s6 =	sor.u32 $0x1C02, s31;
	s8 =	sadd.s32 s8, s5  }
0xe: {  	s5 =	sadd.s32 $0x85E00, s9;
	s9 =	smax.u32 s10, $0x1;
	s10 =	sshrl.u32 s11, $0x3  }
0xf: {  	s11 =	simm.s32 $0x2;
	s7 =	sadd.s32 $0x7DE00, s8;
	s8 =	sadd.s32 $0x88000, s8  }
.LBB2_1:
0x10: {  	[spmem:s10], [sflag:s6] =	dma.local [hbm:s5], $0x200  }
0x11: {  	_ =	swait.ge [sflag:s11], $0x200  }
0x12: {  	[sflag:s11] =	ssyncset.done $0x0  }
0x13: {  	[sflag:s11] =	ssyncadd.s32 $0xFFFFFE00  }
0x14: {  	[tilespmem:s3], [sflag:$0x2] =	stream.linear.gather [hbm4b:s7+s3], $0x1000, $0x38;
	[tilespmem:$0x2400] =	vst v63  }
0x15: {  	_ =	swait.ge [sflag:s11], $0x1000  }
0x16: {  	[sflag:s11] =	ssyncset.done $0x0  }
0x17: {  	[sflag:s11] =	ssyncadd.s32 $0xFFFFF000  }
0x18: {  	[tilespmem:s12], [sflag:$0x2] =	stream.linear.gather [hbm4b:s4+s3], $0x400, $0x38;
	[tilespmem:$0x2400] =	vst v63  }
0x19: {  	_ =	swait.ge [sflag:s11], $0x400  }
0x1a: {  	[sflag:s11] =	ssyncset.done $0x0  }
0x1b: {  	[sflag:s11] =	ssyncadd.s32 $0xFFFFFC00  }
0x1c: {  	[bflag:$0x0] =	sbarrier.arrive $0xFFFF  }
0x1d: {  	[spmem:s1] =	stream.indirect.scatter.add.f32 [tilespmem:s12], [sflag:$0x1], $0x10, s3, s13, $0xb8;
	[tilespmem:$0x2400] =	vst v63  }
0x1e: {  	_ = 	snop  }
0x1f: {  	[spmem:s1] =	stream.indirect.scatter.add.f32 [tilespmem:s12], [sflag:$0x1], $0x10, s13, s13, $0xb8;
	[tilespmem:$0x2400] =	vst v63  }
0x20: {  	_ = 	snop  }
0x21: {  	[spmem:s1] =	stream.indirect.scatter.add.f32 [tilespmem:s12], [sflag:$0x1], $0x10, s14, s13, $0xb8;
	[tilespmem:$0x2400] =	vst v63  }
0x22: {  	_ = 	snop  }
0x23: {  	[spmem:s1] =	stream.indirect.scatter.add.f32 [tilespmem:s12], [sflag:$0x1], $0x10, s15, s13, $0xb8;
	[tilespmem:$0x2400] =	vst v63  }
0x24: {  	_ = 	snop  }
0x25: {  	[spmem:s1] =	stream.indirect.scatter.add.f32 [tilespmem:s12], [sflag:$0x1], $0x10, s16, s13, $0xb8;
	[tilespmem:$0x2400] =	vst v63  }
0x26: {  	_ = 	snop  }
0x27: {  	[spmem:s1] =	stream.indirect.scatter.add.f32 [tilespmem:s12], [sflag:$0x1], $0x10, s17, s13, $0xb8;
	[tilespmem:$0x2400] =	vst v63  }
0x28: {  	_ = 	snop  }
0x29: {  	[spmem:s1] =	stream.indirect.scatter.add.f32 [tilespmem:s12], [sflag:$0x1], $0x10, s18, s13, $0xb8;
	[tilespmem:$0x2400] =	vst v63  }
0x2a: {  	_ = 	snop  }
0x2b: {  	[spmem:s1] =	stream.indirect.scatter.add.f32 [tilespmem:s12], [sflag:$0x1], $0x10, s19, s13, $0xb8;
	[tilespmem:$0x2400] =	vst v63  }
0x2c: {  	_ =	swait.ge [sflag:s20], $0x400  }
0x2d: {  	[sflag:s20] =	ssyncset.done $0x0  }
0x2e: {  	s22 =	simm.s32 $0x900;
	s23 =	simm.s32 $0x200;
	[sflag:s20] =	ssyncadd.s32 $0xFFFFFC00  }
.LBB2_2:
0x2f: {  	[spmem:s1] =	stream.indirect.scatter.add.f32 [tilespmem:s12], [sflag:$0x1], $0x10, s23, s13, $0xb8;
	[tilespmem:$0x2400] =	vst v63  }
0x30: {  	s23 =	smov.u32 s22;
	p0 =	sne.s32 s22, $0x3F00  }
.Ltmp0:
0x31: {  	s22 =	sadd.s32 $0x100, s22;
	(pc) =	sbr.rel @p0 .LBB2_2-.Ltmp0, $4  }
0x32: {  	_ = 	snop  }
0x33: {  	_ =	swait.ge [sflag:s20], $0x400  }
0x34: {  	[sflag:s20] =	ssyncset.done $0x0  }
0x35: {  	s23 =	sshra.s32 s23, $0x2;
	[sflag:s20] =	ssyncadd.s32 $0xFFFFFC00  }
0x36: {  	[spmem:s1] =	stream.indirect.scatter.add.f32 [tilespmem:s12], [sflag:$0x1], $0x10, s23, s13, $0xb8;
	[tilespmem:$0x2400] =	vst v63  }
0x37: {  	_ =	swait.ge [sflag:s20], $0x400  }
0x38: {  	[sflag:s20] =	ssyncset.done $0x0  }
0x39: {  	[sflag:s20] =	ssyncadd.s32 $0xFFFFFC00  }
0x3a: {  	_ =	swait.ge [sflag:s20], $0x400  }
0x3b: {  	[sflag:s20] =	ssyncset.done $0x0  }
0x3c: {  	[sflag:s20] =	ssyncadd.s32 $0xFFFFFC00  }
0x3d: {  	_ =	swait.ge [sflag:s20], $0x400  }
0x3e: {  	[sflag:s20] =	ssyncset.done $0x0  }
0x3f: {  	[sflag:s20] =	ssyncadd.s32 $0xFFFFFC00  }
0x40: {  	_ =	swait.ge [sflag:s20], $0x400  }
0x41: {  	[sflag:s20] =	ssyncset.done $0x0  }
0x42: {  	[sflag:s20] =	ssyncadd.s32 $0xFFFFFC00  }
0x43: {  	_ =	swait.ge [sflag:s20], $0x400  }
0x44: {  	[sflag:s20] =	ssyncset.done $0x0  }
0x45: {  	[sflag:s20] =	ssyncadd.s32 $0xFFFFFC00  }
0x46: {  	_ =	swait.ge [sflag:s20], $0x400  }
0x47: {  	[sflag:s20] =	ssyncset.done $0x0  }
0x48: {  	[sflag:s20] =	ssyncadd.s32 $0xFFFFFC00  }
0x49: {  	_ =	swait.ge [sflag:s20], $0x400  }
0x4a: {  	[sflag:s20] =	ssyncset.done $0x0  }
0x4b: {  	[sflag:s20] =	ssyncadd.s32 $0xFFFFFC00  }
0x4c: {  	_ =	swait.ge [sflag:s20], $0x400  }
0x4d: {  	s21 =	sadd.s32 $0x1, s21;
	[sflag:s20] =	ssyncset.done $0x0  }
0x4e: {  	p0 =	sne.s32 s21, s9;
	[sflag:s20] =	ssyncadd.s32 $0xFFFFFC00  }
.Ltmp1:
0x4f: {  	[bflag:$0x0] =	sbarrier.arrive $0xFFFF;
	(pc) =	sbr.rel @p0 .LBB2_1-.Ltmp1, $4  }
0x50: {  	[hbm:s8], [sflag:s6] =	dma.local [spmem:s10], $0x200  }
0x51: {  	_ =	swait.ge [sflag:s11], $0x200  }
0x52: {  	[sflag:s11] =	ssyncset.done $0x0  }
0x53: {  	[sflag:s11] =	ssyncadd.s32 $0xFFFFFE00  }
0x54: {  	_ =	sfence.sel $0x180000  }
0x55: {  	[bflag:$0x0] =	sbarrier.arrive $0xFFFF  }
0x56: {  	p0 =	sne.s32 s2, $0x0;
	_ =	strace $0x9000004D  }
0x57: {  	s0 =	sadd.s32 @!p0 $0x100000, s0;
	[bflag:$0x2] =	sbarrier.arrive $0xFFFF  }
0x58: {  	[sflag:s0] =	ssyncadd.tile.s32 @!p0 $0x1;
	_ =	shalt  }
.Lfunc_end2:
_tile_overlayer_lowered:
.L_overlay_start_2:
0x59: {  	(tag) =	ssettag $0x2  }
0x5a: {  	s0 =	rddreg [dreg:$0x0];
	s2 =	stileid.u32  }
0x5b: {  	s1 =	rddreg [dreg:$0x1];
	p0 =	sne.s32 s2, $0x0  }
0x5c: {  	s3 =	rddreg [dreg:$0x2];
	[bflag:$0x3] =	sbarrier.arrive $0xFFFF;
	s2 =	simm.s32 @!p0 $0x1C02  }
0x5d: {  	[timem:s3], [sflag:s2] =	dma.local @!p0 [hbm:s0], s1  }
0x5e: {  	s0 =	simm.s32 @!p0 $0x2  }
0x5f: {  	_ =	swait.ge @!p0 [sflag:s0], s1  }
0x60: {  	s1 =	ssub.s32 @!p0 $0x0, s1;
	[sflag:s0] =	ssyncset.done @!p0 $0x0  }
0x61: {  	[sflag:s0] =	ssyncadd.s32 @!p0 s1  }
0x62: {  	[bflag:$0x3] =	sbarrier.arrive $0xFFFF  }
0x63: {  	_ =	shalt  }

// kernel: kernel.8.cloned.1.call-start
scs
__scs_entry_jumppad:
0x0: {  	(pc) =	sbr.rel $0x88, $3  }
0x1: {  	(tag) =	ssettag $0x0;
	lr =	simm.s32 $0x1  }
0x2: {  	[smem:$0x3F98] =	sst lr;
	_ =	strace $0xD0000000  }
0x3: {  	_ = 	snop  }
0x4: {  	_ = 	snop  }
0x5: {  	_ = 	snop  }
0x6: {  	_ = 	snop  }
0x7: {  	_ = 	snop  }
__scs_overlays_trampoline_lowered:
0x8: {  	[smem:$0x3FA7] =	sst s0  }
0x9: {  	[smem:$0x3FA8] =	sst s1  }
0xa: {  	[smem:$0x3FA9] =	sst s2  }
0xb: {  	[smem:$0x3FAA] =	sst s3  }
0xc: {  	[smem:$0x3FAB] =	sst s4  }
0xd: {  	[smem:$0x3FAC] =	sst s5  }
0xe: {  	[smem:$0x3FAD] =	sst s6  }
0xf: {  	[smem:$0x3FAE] =	sst s7  }
0x10: {  	[smem:$0x3FAF] =	sst s8  }
0x11: {  	[smem:$0x3FB0] =	sst s9;
	s0 =	simm.s32 @!p0 $0x0  }
0x12: {  	s1 =	sld [smem:$0x3F96];
	s0 =	simm.s32 @p0 $0x1  }
0x13: {  	[smem:$0x3FB1] =	sst s0;
	s0 =	simm.s32 @!p1 $0x0  }
0x14: {  	s2 =	sld [smem:$0x3F95];
	s0 =	simm.s32 @p1 $0x1  }
0x15: {  	[smem:$0x3FB2] =	sst s0;
	s0 =	simm.s32 @!p2 $0x0  }
0x16: {  	s3 =	sld [smem:$0x3FDB];
	s0 =	simm.s32 @p2 $0x1  }
0x17: {  	s4 =	simm.s32 $0x1BF5;
	[smem:$0x3FB4] =	sst s0  }
0x18: {  	s0 =	sld [smem:$0x3F97];
	_ =	swait.ge [sflag:s4], $0x0  }
0x19: {  	s7 =	sld [smem:$0x3F98]  }
0x1a: {  	s8 =	sadd.s32 $0xFFFFE003, lr  }
0x1b: {  	s9 =	sadd.s32 $0xFFFFFEF7, lr;
	s5 =	simm.s32 $0xFFFFFFFF;
	p2 =	slt.u32 s8, $0xFFFFF086  }
0x1c: {  	p1 =	slt.u32 s9, $0xF7A;
	s5 =	simm.s32 @!p2 $0x0  }
0x1d: {  	s5 =	simm.s32 @p1 $0x1;
	p0 =	seq.s32 s7, s2  }
0x1e: {  	s7 =	smul.u32 @!p0 $0xF7A, s2;
	p2 =	seq.s32 @!p0 s5, $0x0  }
0x1f: {  	s9 =	smul.u32 $0xF7A, s1;
	s8 =	simm.s32 @!p0 $0x1BF5;
	p2 =	por !p2, p0  }
0x20: {  	[sflag:s8] =	ssyncset.s32 @!p0 $0xFFFFF086;
	s6 =	sadd.s32 @!p0 s3, s7;
	s7 =	simm.s32 @!p0 $0x108  }
0x21: {  	s3 =	sadd.s32 s3, s9;
	s6 =	sadd.s32 @!p0 $0x88, s6;
	s7 =	simm.s32 @p2 $0x1082  }
0x22: {  	[simem:s7], [sflag:s8] =	dma.local @!p0 [hbm:s6], $0xF7A  }
0x23: {  	s9 =	sor.u32 $0xD0000000, s2;
	s6 =	simm.s32 $0x108;
	_ =	swait.ge @!p0 [sflag:s8], $0x0  }
0x24: {  	s3 =	sadd.s32 $0x88, s3;
	s6 =	simm.s32 @!p1 $0x1082;
	[sflag:s4] =	ssyncset.s32 $0xFFFFF086  }
0x25: {  	[simem:s6], [sflag:s4] =	dma.local [hbm:s3], $0xF7A  }
0x26: {  	[smem:$0x3F98] =	sst s1;
	(tag) =	ssettag s2;
	_ =	strace s9  }
0x27: {  	s1 =	sld [smem:$0x3FA8]  }
0x28: {  	s2 =	sld [smem:$0x3FA9]  }
0x29: {  	s4 =	sld [smem:$0x3FAB]  }
0x2a: {  	p0 =	seq.s32 s5, $0x0;
	s5 =	sld [smem:$0x3FAC]  }
0x2b: {  	s6 =	sld [smem:$0x3FAD]  }
0x2c: {  	s7 =	sld [smem:$0x3FAE]  }
0x2d: {  	s3 =	simm.s32 $0x108;
	s8 =	sld [smem:$0x3FAF]  }
0x2e: {  	s3 =	simm.s32 @!p0 $0x1082;
	s9 =	sld [smem:$0x3FB0]  }
0x2f: {  	lr =	sadd.s32 s0, s3;
	s0 =	sld [smem:$0x3FA7]  }
0x30: {  	s3 =	sld [smem:$0x3FAA]  }
0x31: {  	[smem:$0x3FB3] =	sst s10  }
0x32: {  	s10 =	sld [smem:$0x3FB1];
	_ =	sdelay $0x3  }
0x33: {  	p0 =	seq.s32 s10, $0x1;
	s10 =	sld [smem:$0x3FB3];
	_ =	sdelay $0x3  }
0x34: {  	[smem:$0x3FB3] =	sst s10  }
0x35: {  	s10 =	sld [smem:$0x3FB2];
	_ =	sdelay $0x3  }
0x36: {  	p1 =	seq.s32 s10, $0x1;
	s10 =	sld [smem:$0x3FB3];
	_ =	sdelay $0x3  }
0x37: {  	[smem:$0x3FB3] =	sst s10  }
0x38: {  	s10 =	sld [smem:$0x3FB4]  }
0x39: {  	_ = 	snop;
	(pc) =	sbr.ind lr, $3  }
0x3a: {  	_ = 	snop  }
0x3b: {  	_ = 	snop  }
0x3c: {  	p2 =	seq.s32 s10, $0x1;
	s10 =	sld [smem:$0x3FB3]  }
0x3d: {  	_ =	shalt  }
0x3e: {  	_ =	shalt  }
0x3f: {  	_ =	shalt  }
0x40: {  	_ =	shalt  }
0x41: {  	_ =	shalt  }
0x42: {  	_ =	shalt  }
0x43: {  	_ =	shalt  }
0x44: {  	_ =	shalt  }
0x45: {  	_ =	shalt  }
0x46: {  	_ =	shalt  }
0x47: {  	_ =	shalt  }
0x48: {  	_ =	shalt  }
0x49: {  	_ =	shalt  }
0x4a: {  	_ =	shalt  }
0x4b: {  	_ =	shalt  }
0x4c: {  	_ =	shalt  }
0x4d: {  	_ =	shalt  }
0x4e: {  	_ =	shalt  }
0x4f: {  	_ =	shalt  }
0x50: {  	_ =	shalt  }
0x51: {  	_ =	shalt  }
0x52: {  	_ =	shalt  }
0x53: {  	_ =	shalt  }
0x54: {  	_ =	shalt  }
0x55: {  	_ =	shalt  }
0x56: {  	_ =	shalt  }
0x57: {  	_ =	shalt  }
0x58: {  	_ =	shalt  }
0x59: {  	_ =	shalt  }
0x5a: {  	_ =	shalt  }
0x5b: {  	_ =	shalt  }
0x5c: {  	_ =	shalt  }
0x5d: {  	_ =	shalt  }
0x5e: {  	_ =	shalt  }
0x5f: {  	_ =	shalt  }
0x60: {  	_ =	shalt  }
0x61: {  	_ =	shalt  }
0x62: {  	_ =	shalt  }
0x63: {  	_ =	shalt  }
0x64: {  	_ =	shalt  }
0x65: {  	_ =	shalt  }
0x66: {  	_ =	shalt  }
0x67: {  	_ =	shalt  }
0x68: {  	_ =	shalt  }
0x69: {  	_ =	shalt  }
0x6a: {  	_ =	shalt  }
0x6b: {  	_ =	shalt  }
0x6c: {  	_ =	shalt  }
0x6d: {  	_ =	shalt  }
0x6e: {  	_ =	shalt  }
0x6f: {  	_ =	shalt  }
0x70: {  	_ =	shalt  }
0x71: {  	_ =	shalt  }
0x72: {  	_ =	shalt  }
0x73: {  	_ =	shalt  }
0x74: {  	_ =	shalt  }
0x75: {  	_ =	shalt  }
0x76: {  	_ =	shalt  }
0x77: {  	_ =	shalt  }
0x78: {  	_ =	shalt  }
0x79: {  	_ =	shalt  }
0x7a: {  	_ =	shalt  }
0x7b: {  	_ =	shalt  }
0x7c: {  	_ =	shalt  }
0x7d: {  	_ =	shalt  }
0x7e: {  	_ =	shalt  }
0x7f: {  	_ =	shalt  }
0x80: {  	_ =	shalt  }
0x81: {  	_ =	shalt  }
0x82: {  	_ =	shalt  }
0x83: {  	_ =	shalt  }
0x84: {  	_ =	shalt  }
0x85: {  	_ =	shalt  }
0x86: {  	_ =	shalt  }
0x87: {  	_ =	shalt  }
.Lfunc_end0:
.L_simem_size_0:
called_computation_lowered:
.L_overlay_start_0:
0x88: {  	s2 =	sld [smem:$0x3FD9]  }
0x89: {  	s3 =	sld [smem:$0x3FFE];
	_ =	sdelay $0x1  }
0x8a: {  	s1 =	srdreg.scid  }
0x8b: {  	s0 =	sand.u32 $0x1, s1  }
0x8c: {  	s15 =	sshll.u32 s0, $0xA;
	s2 =	sadd.s32 s3, s2  }
0x8d: {  	s2 =	sadd.s32 s2, s15  }
0x8e: {  	[smem:$0x3FBF] =	sst s2  }
0x8f: {  	_ = 	snop  }
0x90: {  	s2 =	sld [smem:$0x3FD0];
	_ =	sdelay $0x2  }
0x91: {  	s5 =	simm.s32 $0xC;
	s4 =	simm.s32 $0x10;
	s16 =	sld [smem:$0x3FC9]  }
0x92: {  	[smem:s4], [sflag:s5] =	dma.local [hbm:s2], $0x1  }
0x93: {  	_ =	swait.eq [sflag:s5], $0x1  }
0x94: {  	[sflag:s5] =	ssyncset.done $0x0  }
0x95: {  	s17 =	sld [smem:$0x10];
	[sflag:s5] =	ssyncadd.s32 $0xFFFFFFFF  }
0x96: {  	s18 =	sld [smem:$0x12];
	(tm) =	ssettm $0x1  }
0x97: {  	s19 =	sld [smem:$0x3FFB];
	_ =	sdelay $0x3  }
0x98: {  	_ =	strace s19  }
0x99: {  	s2 =	sld [smem:$0x3FFC];
	_ =	sdelay $0x3  }
0x9a: {  	_ =	strace s2  }
0x9b: {  	s2 =	sld [smem:$0x3FFD];
	_ =	sdelay $0x3  }
0x9c: {  	_ =	strace s2  }
0x9d: {  	_ =	strace $0x8FFFFFFF  }
0x9e: {  	s20 =	sld [smem:$0x3FDB];
	_ =	sdelay $0x1  }
0x9f: {  	s6 =	simm.s32 $_scs_section_size  }
0xa0: {  	s7 =	simm.s32 $_size__tile_overlayer_lowered;
	s8 =	simm.s32 $_tile_overlayer_lowered  }
0xa1: {  	s9 =	simm.s32 $0x1BFF;
	s21 =	sshll.u32 s8, $0x1;
	s6 =	sadd.s32 s6, s20  }
0xa2: {  	s22 =	simm.s32 $0x0;
	s7 =	sshll.u32 s7, $0x1;
	s8 =	sadd.s32 s21, s6  }
0xa3: {  	[timem:s22], [sflag:s9] =	dma.local [hbm:s8], s7  }
0xa4: {  	_ =	swait.ge [sflag:s9], s7  }
0xa5: {  	s7 =	ssub.s32 $0x0, s7;
	[sflag:s9] =	ssyncset.done $0x0  }
0xa6: {  	[sflag:s9] =	ssyncadd.s32 s7;
	_ =	sdelay $0x1  }
0xa7: {  	s23 =	simm.s32 $0x1B8B  }
0xa8: {  	_ =	swait.ge [sflag:s23], $0x1  }
0xa9: {  	[sflag:s23] =	ssyncset.done $0x0  }
0xaa: {  	[sflag:s23] =	ssyncadd.s32 $0xFFFFFFFF  }
0xab: {  	s7 =	sld [smem:$0x0]  }
0xac: {  	s8 =	sand.u32 $0xFFFFFFFE, s1  }
0xad: {  	p0 =	sne.s32 s1, s8  }
0xae: {  	s8 =	sshll.u32 @p0 s8, $0xE  }
0xaf: {  	s8 =	sadd.s32 @p0 $0x11B8D, s8;
	s9 =	sshll.u32 @p0 s7, $0x11  }
0xb0: {  	s8 =	sor.u32 @p0 s9, s8  }
0xb1: {  	[sflag:s8] =	ssyncadd.remote.s32 @p0 $0x1;
	_ =	sdelay $0x1  }
0xb2: {  	s8 =	simm.s32 @p0 $0x1B8D  }
0xb3: {  	_ =	swait.eq @p0 [sflag:s8], $0x1  }
0xb4: {  	[sflag:s8] =	ssyncadd.s32 @p0 $0xFFFFFFFF  }
0xb5: {  	s9 =	sshll.u32 @!p0 s1, $0xE  }
0xb6: {  	s9 =	sor.u32 @!p0 $0x4000, s9;
	s8 =	simm.s32 @!p0 $0x1B8D  }
0xb7: {  	s7 =	sshll.u32 @!p0 s7, $0x11;
	s9 =	sadd.s32 @!p0 $0x11B8D, s9;
	_ =	swait.eq @!p0 [sflag:s8], $0x1  }
0xb8: {  	s7 =	sor.u32 @!p0 s7, s9;
	[sflag:s8] =	ssyncadd.s32 @!p0 $0xFFFFFFFF  }
0xb9: {  	s25 =	simm.s32 $0x1B8E;
	s24 =	sld [smem:$0x3FFE];
	[sflag:s7] =	ssyncadd.remote.s32 @!p0 $0x1  }
0xba: {  	s26 =	simm.s32 $execute0_lowered;
	[smem:$0x3FD2] =	sst s25  }
0xbb: {  	s8 =	sshll.u32 s26, $0x1;
	_ =	strace $0x80000049;
	[dreg:$0x1] =	wrdreg $0xFFFFFFFF  }
0xbc: {  	s28 =	simm.s32 $_size_execute0_lowered;
	s6 =	sadd.s32 s6, s8;
	[dreg:$0x0] =	wrdreg $0x0  }
0xbd: {  	s8 =	sshll.u32 s28, $0x1;
	[dreg:$0x2] =	wrdreg s6  }
0xbe: {  	[dreg:$0x3] =	wrdreg s8  }
0xbf: {  	[dreg:$0x4] =	wrdreg $0xC0  }
0xc0: {  	_ =	task [dreg:s22], $0x5FFFF  }
0xc1: {  	[dreg:$0x1] =	wrdreg $0xFFFFFFFF  }
0xc2: {  	[dreg:$0x0] =	wrdreg $0x60  }
0xc3: {  	[dreg:$0x2] =	wrdreg s16  }
0xc4: {  	[dreg:$0x3] =	wrdreg s18  }
0xc5: {  	[dreg:$0x4] =	wrdreg s17  }
0xc6: {  	[dreg:$0x5] =	wrdreg s24  }
0xc7: {  	[dreg:$0x6] =	wrdreg $0xB3000  }
0xc8: {  	[dreg:$0x7] =	wrdreg $0xA  }
0xc9: {  	_ =	task.clear_ibuf [dreg:s22], $0x8FFFF;
	_ =	strace $0x90000049  }
0xca: {  	s29 =	simm.s32 $0xA;
	_ =	strace $0x8000004B  }
0xcb: {  	_ =	swait.ge [sflag:s29], $0x1  }
0xcc: {  	[sflag:s29] =	ssyncadd.s32 $0xFFFFFFFF  }
0xcd: {  	_ =	strace $0x9000004B  }
0xce: {  	_ =	sfence  }
0xcf: {  	s30 =	sld [smem:$0x0];
	_ =	sdelay $0x2  }
0xd0: {  	s31 =	sshll.u32 s1, $0xD;
	s1 =	sshrl.u32 s1, $0x2  }
0xd1: {  	s4 =	sand.u32 $0x4000, s31;
	s1 =	sadd.s32 s1, s30  }
0xd2: {  	s0 =	sor.u32 s4, s0;
	s1 =	sshll.u32 s1, $0x11  }
0xd3: {  	s0 =	sor.u32 s1, s0  }
0xd4: {  	s0 =	sadd.s32 $0x8F2B, s0  }
0xd5: {  	[sflag:s0] =	ssyncadd.remote.s32 $0x1  }
0xd6: {  	_ =	sfence.sel $0xFFFF  }
0xd7: {  	[dreg:$0x0] =	wrdreg $0xFFFFFFFF;
	(pc) =	sbr.abs _section_cstart, $3  }
0xd8: {  	[dreg:$0x1] =	wrdreg $0xFFFFFFFF  }
0xd9: {  	_ =	task.clear_ibuf [dreg:s22], $0x2FFFF;
	_ =	strace $0x9FFFFFFF  }
0xda: {  	(tm) =	ssettm $0x7FFFFFFF  }
0xdb: {  	_ =	shalt  }
tec
execute0_lowered:
.L_overlay_start_1:
0x0: {  	(tag) =	ssettag $0x1  }
0x1: {  	s1 =	rddreg [dreg:$0x0]  }
0x2: {  	s0 =	rddreg [dreg:$0x1]  }
0x3: {  	s2 =	rddreg [dreg:$0x2]  }
0x4: {  	s5 =	rddreg [dreg:$0x3]  }
0x5: {  	s3 =	rddreg [dreg:$0x4]  }
0x6: {  	s13 =	stileid.u32;
	s6 =	srdreg.scid;
	s4 =	simm.s32 $0x0  }
0x7: {  	s15 =	simm.s32 $0x28;
	s17 =	simm.s32 $0x1400;
	s19 =	simm.s32 $0x2800  }
0x8: {  	s21 =	simm.s32 $0x3C00;
	s28 =	simm.s32 $0x7;
	s29 =	simm.s32 $0x3  }
0x9: {  	s30 =	simm.s32 $0x8;
	s31 =	simm.s32 $0x4;
	s7 =	smul.u32 $0x13C00, s13  }
0xa: {  	s18 =	simm.s32 $0x0;
	s6 =	sand.u32 $0x1, s6;
	s23 =	smul.u32 $0x4F000, s13  }
0xb: {  	[smem:$0x7FF] =	sst s4;
	s26 =	sshll.u32 s13, $0x6;
	s8 =	smul.u32 $0x13C000, s6  }
0xc: {  	s9 =	sshll.u32 s6, $0x4;
	_ =	strace $0x8000004A;
	s6 =	ssub.s32 $0x2, s6  }
0xd: {  	s9 =	sor.u32 s13, s9;
	s10 =	sshrl.u32 s7, $0x3;
	s24 =	sshrl.u32 s6, $0x1  }
0xe: {  	s25 =	sshrl.u32 s23, $0x2;
	s13 =	sor.u32 $0x1C0B, s26;
	s23 =	simm.s32 $0x5000  }
0xf: {  	s26 =	simm.s32 $0x2;
	s7 =	sadd.s32 s7, s8;
	s22 =	smul.u32 $0x4E2, s9  }
0x10: {  	s10 =	sadd.s32 s10, s5;
	s12 =	ssub.s32 s6, s24;
	s24 =	simm.s32 $0x1  }
0x11: {  	s7 =	sshrl.u32 s7, $0x3;
	s9 =	smax.u32 s12, $0x1;
	s12 =	simm.s32 $0xA  }
0x12: {  	s11 =	sadd.s32 s7, s5;
	s5 =	sadd.s32 s0, s22;
	s6 =	sadd.s32 s2, s22  }
0x13: {  	s0 =	sadd.s32 s25, s3;
	s7 =	sadd.s32 $0x7600, s10;
	s10 =	simm.s32 $0x6400  }
0x14: {  	s25 =	simm.s32 $0x6;
	s2 =	simm.s32 $0x5;
	s8 =	sadd.s32 $0x2EE00, s11  }
0x15: {  	s11 =	simm.s32 $0xB;
	s14 =	sshrl.u32 s0, $0x3;
	s0 =	simm.s32 $0x9  }
.LBB2_1:
0x16: {  	[tilespmem:s10], [sflag:$0xB] =	stream.linear.gather [hbm4b:s5+s4], $0x2710, $0x38;
	[tilespmem:$0x1EF00] =	vst v63  }
0x17: {  	_ =	swait.ge [sflag:s11], $0x2710  }
0x18: {  	[sflag:s11] =	ssyncset.done $0x0  }
0x19: {  	s16 =	simm.s32 $0x8B80;
	[sflag:s11] =	ssyncadd.s32 $0xFFFFD8F0  }
0x1a: {  	[tilespmem:s16], [sflag:$0xB] =	stream.linear.gather [hbm4b:s6+s4], $0x2710, $0x38;
	[tilespmem:$0x1EF00] =	vst v63  }
0x1b: {  	_ =	swait.ge [sflag:s11], $0x2710  }
0x1c: {  	[sflag:s11] =	ssyncset.done $0x0  }
0x1d: {  	[sflag:s11] =	ssyncadd.s32 $0xFFFFD8F0  }
0x1e: {  	[spmem:s14], [sflag:s13] =	dma.local [hbm:s7], $0x2780  }
0x1f: {  	_ =	swait.ge [sflag:s11], $0x2780  }
0x20: {  	[sflag:s11] =	ssyncset.done $0x0  }
0x21: {  	[sflag:s11] =	ssyncadd.s32 $0xFFFFD880  }
0x22: {  	[bflag:$0x0] =	sbarrier.arrive $0xFFFF  }
0x23: {  	[tilespmem:s4], [sflag:$0x1] =	stream.indirect.gather [hbm4b:s1+s15], $0x80, s10, s15, $0xb8;
	[tilespmem:$0x1EF00] =	vst v63  }
0x24: {  	s20 =	simm.s32 $0x6428  }
0x25: {  	[tilespmem:s17], [sflag:$0x2] =	stream.indirect.gather [hbm4b:s1+s15], $0x80, s20, s15, $0xb8;
	[tilespmem:$0x1EF00] =	vst v63  }
0x26: {  	s22 =	simm.s32 $0x6450  }
0x27: {  	[tilespmem:s19], [sflag:$0x3] =	stream.indirect.gather [hbm4b:s1+s15], $0x80, s22, s15, $0xb8;
	[tilespmem:$0x1EF00] =	vst v63  }
0x28: {  	s20 =	simm.s32 $0x6478  }
0x29: {  	[tilespmem:s21], [sflag:$0x4] =	stream.indirect.gather [hbm4b:s1+s15], $0x80, s20, s15, $0xb8;
	[tilespmem:$0x1EF00] =	vst v63  }
0x2a: {  	s22 =	simm.s32 $0x64A0  }
0x2b: {  	[tilespmem:s23], [sflag:$0x5] =	stream.indirect.gather [hbm4b:s1+s15], $0x80, s22, s15, $0xb8;
	[tilespmem:$0x1EF00] =	vst v63  }
0x2c: {  	_ =	swait.ge [sflag:s24], $0x1400  }
0x2d: {  	[sflag:s24] =	ssyncset.done $0x0  }
0x2e: {  	s20 =	simm.s32 $0x8B80;
	[sflag:s24] =	ssyncadd.s32 $0xFFFFEC00  }
0x2f: {  	[spmem:s3] =	stream.indirect.scatter.add.f32 [tilespmem:s4], [sflag:$0x6], $0x80, s20, s15, $0xb8;
	[tilespmem:$0x1EF00] =	vst v63  }
0x30: {  	_ =	swait.ge [sflag:s25], $0x1400  }
0x31: {  	[sflag:s25] =	ssyncset.done $0x0  }
0x32: {  	s16 =	simm.s32 $0x64C8;
	[sflag:s25] =	ssyncadd.s32 $0xFFFFEC00  }
0x33: {  	[tilespmem:s4], [sflag:$0x1] =	stream.indirect.gather [hbm4b:s1+s15], $0x80, s16, s15, $0xb8;
	[tilespmem:$0x1EF00] =	vst v63  }
0x34: {  	_ =	swait.ge [sflag:s26], $0x1400  }
0x35: {  	[sflag:s26] =	ssyncset.done $0x0  }
0x36: {  	s22 =	simm.s32 $0x8BA8;
	[sflag:s26] =	ssyncadd.s32 $0xFFFFEC00  }
0x37: {  	[spmem:s3] =	stream.indirect.scatter.add.f32 [tilespmem:s17], [sflag:$0x7], $0x80, s22, s15, $0xb8;
	[tilespmem:$0x1EF00] =	vst v63  }
0x38: {  	_ =	swait.ge [sflag:s28], $0x1400  }
0x39: {  	[sflag:s28] =	ssyncset.done $0x0  }
0x3a: {  	s16 =	simm.s32 $0x64F0;
	[sflag:s28] =	ssyncadd.s32 $0xFFFFEC00  }
0x3b: {  	[tilespmem:s17], [sflag:$0x2] =	stream.indirect.gather [hbm4b:s1+s15], $0x80, s16, s15, $0xb8;
	[tilespmem:$0x1EF00] =	vst v63  }
0x3c: {  	_ =	swait.ge [sflag:s29], $0x1400  }
0x3d: {  	[sflag:s29] =	ssyncset.done $0x0  }
0x3e: {  	s22 =	simm.s32 $0x8BD0;
	[sflag:s29] =	ssyncadd.s32 $0xFFFFEC00  }
0x3f: {  	[spmem:s3] =	stream.indirect.scatter.add.f32 [tilespmem:s19], [sflag:$0x8], $0x80, s22, s15, $0xb8;
	[tilespmem:$0x1EF00] =	vst v63  }
0x40: {  	_ =	swait.ge [sflag:s30], $0x1400  }
0x41: {  	[sflag:s30] =	ssyncset.done $0x0  }
0x42: {  	s16 =	simm.s32 $0x6518;
	[sflag:s30] =	ssyncadd.s32 $0xFFFFEC00  }
0x43: {  	[tilespmem:s19], [sflag:$0x3] =	stream.indirect.gather [hbm4b:s1+s15], $0x80, s16, s15, $0xb8;
	[tilespmem:$0x1EF00] =	vst v63  }
0x44: {  	_ =	swait.ge [sflag:s31], $0x1400  }
0x45: {  	[sflag:s31] =	ssyncset.done $0x0  }
0x46: {  	s22 =	simm.s32 $0x8BF8;
	[sflag:s31] =	ssyncadd.s32 $0xFFFFEC00  }
0x47: {  	[spmem:s3] =	stream.indirect.scatter.add.f32 [tilespmem:s21], [sflag:$0x9], $0x80, s22, s15, $0xb8;
	[tilespmem:$0x1EF00] =	vst v63  }
0x48: {  	_ =	swait.ge [sflag:s0], $0x1400  }
0x49: {  	[sflag:s0] =	ssyncset.done $0x0  }
0x4a: {  	s16 =	simm.s32 $0x6540;
	[sflag:s0] =	ssyncadd.s32 $0xFFFFEC00  }
0x4b: {  	[tilespmem:s21], [sflag:$0x4] =	stream.indirect.gather [hbm4b:s1+s15], $0x80, s16, s15, $0xb8;
	[tilespmem:$0x1EF00] =	vst v63  }
0x4c: {  	_ =	swait.ge [sflag:s2], $0x1400  }
0x4d: {  	[sflag:s2] =	ssyncset.done $0x0  }
0x4e: {  	s22 =	simm.s32 $0x8C20;
	[sflag:s2] =	ssyncadd.s32 $0xFFFFEC00  }
0x4f: {  	[spmem:s3] =	stream.indirect.scatter.add.f32 [tilespmem:s23], [sflag:$0xA], $0x80, s22, s15, $0xb8;
	[tilespmem:$0x1EF00] =	vst v63  }
0x50: {  	_ =	swait.ge [sflag:s12], $0x1400  }
0x51: {  	[sflag:s12] =	ssyncset.done $0x0  }
0x52: {  	s20 =	simm.s32 $0x320;
	s22 =	simm.s32 $0x6568;
	[sflag:s12] =	ssyncadd.s32 $0xFFFFEC00  }
.LBB2_2:
0x53: {  	[tilespmem:s23], [sflag:$0x5] =	stream.indirect.gather [hbm4b:s1+s15], $0x80, s22, s15, $0xb8;
	[tilespmem:$0x1EF00] =	vst v63  }
0x54: {  	s22 =	smov.u32 s20  }
0x55: {  	p0 =	sne.s32 s20, $0x9600;
	s20 =	sadd.s32 $0x320, s20;
	_ =	swait.ge [sflag:s24], $0x1400  }
0x56: {  	s22 =	sshra.s32 s22, $0x2;
	[sflag:s24] =	ssyncset.done $0x0  }
0x57: {  	s16 =	sadd.s32 $0x8B80, s22;
	[sflag:s24] =	ssyncadd.s32 $0xFFFFEC00  }
0x58: {  	[spmem:s3] =	stream.indirect.scatter.add.f32 [tilespmem:s4], [sflag:$0x6], $0x80, s16, s15, $0xb8;
	[tilespmem:$0x1EF00] =	vst v63  }
0x59: {  	_ =	swait.ge [sflag:s25], $0x1400  }
0x5a: {  	[sflag:s25] =	ssyncset.done $0x0  }
0x5b: {  	s16 =	sadd.s32 $0x64C8, s22;
	[sflag:s25] =	ssyncadd.s32 $0xFFFFEC00  }
0x5c: {  	[tilespmem:s4], [sflag:$0x1] =	stream.indirect.gather [hbm4b:s1+s15], $0x80, s16, s15, $0xb8;
	[tilespmem:$0x1EF00] =	vst v63  }
0x5d: {  	_ =	swait.ge [sflag:s26], $0x1400  }
0x5e: {  	[sflag:s26] =	ssyncset.done $0x0  }
0x5f: {  	s16 =	sadd.s32 $0x8BA8, s22;
	[sflag:s26] =	ssyncadd.s32 $0xFFFFEC00  }
0x60: {  	[spmem:s3] =	stream.indirect.scatter.add.f32 [tilespmem:s17], [sflag:$0x7], $0x80, s16, s15, $0xb8;
	[tilespmem:$0x1EF00] =	vst v63  }
0x61: {  	_ =	swait.ge [sflag:s28], $0x1400  }
0x62: {  	[sflag:s28] =	ssyncset.done $0x0  }
0x63: {  	s16 =	sadd.s32 $0x64F0, s22;
	[sflag:s28] =	ssyncadd.s32 $0xFFFFEC00  }
0x64: {  	[tilespmem:s17], [sflag:$0x2] =	stream.indirect.gather [hbm4b:s1+s15], $0x80, s16, s15, $0xb8;
	[tilespmem:$0x1EF00] =	vst v63  }
0x65: {  	_ =	swait.ge [sflag:s29], $0x1400  }
0x66: {  	[sflag:s29] =	ssyncset.done $0x0  }
0x67: {  	s16 =	sadd.s32 $0x8BD0, s22;
	[sflag:s29] =	ssyncadd.s32 $0xFFFFEC00  }
0x68: {  	[spmem:s3] =	stream.indirect.scatter.add.f32 [tilespmem:s19], [sflag:$0x8], $0x80, s16, s15, $0xb8;
	[tilespmem:$0x1EF00] =	vst v63  }
0x69: {  	_ =	swait.ge [sflag:s30], $0x1400  }
0x6a: {  	[sflag:s30] =	ssyncset.done $0x0  }
0x6b: {  	s16 =	sadd.s32 $0x6518, s22;
	[sflag:s30] =	ssyncadd.s32 $0xFFFFEC00  }
0x6c: {  	[tilespmem:s19], [sflag:$0x3] =	stream.indirect.gather [hbm4b:s1+s15], $0x80, s16, s15, $0xb8;
	[tilespmem:$0x1EF00] =	vst v63  }
0x6d: {  	_ =	swait.ge [sflag:s31], $0x1400  }
0x6e: {  	[sflag:s31] =	ssyncset.done $0x0  }
0x6f: {  	s16 =	sadd.s32 $0x8BF8, s22;
	[sflag:s31] =	ssyncadd.s32 $0xFFFFEC00  }
0x70: {  	[spmem:s3] =	stream.indirect.scatter.add.f32 [tilespmem:s21], [sflag:$0x9], $0x80, s16, s15, $0xb8;
	[tilespmem:$0x1EF00] =	vst v63  }
0x71: {  	_ =	swait.ge [sflag:s0], $0x1400  }
0x72: {  	[sflag:s0] =	ssyncset.done $0x0  }
0x73: {  	s16 =	sadd.s32 $0x6540, s22;
	[sflag:s0] =	ssyncadd.s32 $0xFFFFEC00  }
0x74: {  	[tilespmem:s21], [sflag:$0x4] =	stream.indirect.gather [hbm4b:s1+s15], $0x80, s16, s15, $0xb8;
	[tilespmem:$0x1EF00] =	vst v63  }
0x75: {  	_ =	swait.ge [sflag:s2], $0x1400  }
0x76: {  	[sflag:s2] =	ssyncset.done $0x0  }
.Ltmp0:
0x77: {  	s16 =	sadd.s32 $0x8C20, s22;
	[sflag:s2] =	ssyncadd.s32 $0xFFFFEC00;
	(pc) =	sbr.rel @p0 .LBB2_2-.Ltmp0, $4  }
0x78: {  	[spmem:s3] =	stream.indirect.scatter.add.f32 [tilespmem:s23], [sflag:$0xA], $0x80, s16, s15, $0xb8;
	[tilespmem:$0x1EF00] =	vst v63  }
0x79: {  	_ =	swait.ge [sflag:s12], $0x1400  }
0x7a: {  	[sflag:s12] =	ssyncset.done $0x0  }
0x7b: {  	s22 =	sadd.s32 $0x6568, s22;
	[sflag:s12] =	ssyncadd.s32 $0xFFFFEC00  }
0x7c: {  	[tilespmem:s23], [sflag:$0x5] =	stream.indirect.gather [hbm4b:s1+s15], $0x80, s22, s15, $0xb8;
	[tilespmem:$0x1EF00] =	vst v63  }
0x7d: {  	_ =	swait.ge [sflag:s24], $0x1400  }
0x7e: {  	[sflag:s24] =	ssyncset.done $0x0  }
0x7f: {  	s16 =	simm.s32 $0xB1C8;
	[sflag:s24] =	ssyncadd.s32 $0xFFFFEC00  }
0x80: {  	[spmem:s3] =	stream.indirect.scatter.add.f32 [tilespmem:s4], [sflag:$0x6], $0x80, s16, s15, $0xb8;
	[tilespmem:$0x1EF00] =	vst v63  }
0x81: {  	_ =	swait.ge [sflag:s25], $0x1400  }
0x82: {  	[sflag:s25] =	ssyncset.done $0x0  }
0x83: {  	[sflag:s25] =	ssyncadd.s32 $0xFFFFEC00  }
0x84: {  	_ =	swait.ge [sflag:s26], $0x1400  }
0x85: {  	[sflag:s26] =	ssyncset.done $0x0  }
0x86: {  	s20 =	simm.s32 $0xB1F0;
	[sflag:s26] =	ssyncadd.s32 $0xFFFFEC00  }
0x87: {  	[spmem:s3] =	stream.indirect.scatter.add.f32 [tilespmem:s17], [sflag:$0x7], $0x80, s20, s15, $0xb8;
	[tilespmem:$0x1EF00] =	vst v63  }
0x88: {  	_ =	swait.ge [sflag:s28], $0x1400  }
0x89: {  	[sflag:s28] =	ssyncset.done $0x0  }
0x8a: {  	[sflag:s28] =	ssyncadd.s32 $0xFFFFEC00  }
0x8b: {  	_ =	swait.ge [sflag:s29], $0x1400  }
0x8c: {  	[sflag:s29] =	ssyncset.done $0x0  }
0x8d: {  	s22 =	simm.s32 $0xB218;
	[sflag:s29] =	ssyncadd.s32 $0xFFFFEC00  }
0x8e: {  	[spmem:s3] =	stream.indirect.scatter.add.f32 [tilespmem:s19], [sflag:$0x8], $0x80, s22, s15, $0xb8;
	[tilespmem:$0x1EF00] =	vst v63  }
0x8f: {  	_ =	swait.ge [sflag:s30], $0x1400  }
0x90: {  	[sflag:s30] =	ssyncset.done $0x0  }
0x91: {  	[sflag:s30] =	ssyncadd.s32 $0xFFFFEC00  }
0x92: {  	_ =	swait.ge [sflag:s31], $0x1400  }
0x93: {  	[sflag:s31] =	ssyncset.done $0x0  }
0x94: {  	s20 =	simm.s32 $0xB240;
	[sflag:s31] =	ssyncadd.s32 $0xFFFFEC00  }
0x95: {  	[spmem:s3] =	stream.indirect.scatter.add.f32 [tilespmem:s21], [sflag:$0x9], $0x80, s20, s15, $0xb8;
	[tilespmem:$0x1EF00] =	vst v63  }
0x96: {  	_ =	swait.ge [sflag:s0], $0x1400  }
0x97: {  	[sflag:s0] =	ssyncset.done $0x0  }
0x98: {  	[sflag:s0] =	ssyncadd.s32 $0xFFFFEC00  }
0x99: {  	_ =	swait.ge [sflag:s2], $0x1400  }
0x9a: {  	[sflag:s2] =	ssyncset.done $0x0  }
0x9b: {  	s22 =	simm.s32 $0xB268;
	[sflag:s2] =	ssyncadd.s32 $0xFFFFEC00  }
0x9c: {  	[spmem:s3] =	stream.indirect.scatter.add.f32 [tilespmem:s23], [sflag:$0xA], $0x80, s22, s15, $0xb8;
	[tilespmem:$0x1EF00] =	vst v63  }
0x9d: {  	_ =	swait.ge [sflag:s12], $0x1400  }
0x9e: {  	s18 =	sadd.s32 $0x1, s18;
	[sflag:s12] =	ssyncset.done $0x0  }
0x9f: {  	p0 =	sne.s32 s18, s9;
	[sflag:s12] =	ssyncadd.s32 $0xFFFFEC00  }
.Ltmp1:
0xa0: {  	[bflag:$0x0] =	sbarrier.arrive $0xFFFF;
	(pc) =	sbr.rel @p0 .LBB2_1-.Ltmp1, $4  }
0xa1: {  	[hbm:s8], [sflag:s13] =	dma.local [spmem:s14], $0x2780  }
0xa2: {  	_ =	swait.ge [sflag:s11], $0x2780  }
0xa3: {  	[sflag:s11] =	ssyncset.done $0x0  }
0xa4: {  	[sflag:s11] =	ssyncadd.s32 $0xFFFFD880  }
0xa5: {  	_ =	sfence.sel $0x180000  }
0xa6: {  	[bflag:$0x0] =	sbarrier.arrive $0xFFFF  }
0xa7: {  	_ =	strace $0x9000004A  }
0xa8: {  	s0 =	stileid.u32;
	[bflag:$0x2] =	sbarrier.arrive $0xFFFF  }
0xa9: {  	p0 =	sne.s32 s0, $0x0;
	s0 =	rddreg [dreg:$0x5]  }
0xaa: {  	s0 =	sadd.s32 @!p0 $0x100000, s0  }
0xab: {  	[sflag:s0] =	ssyncadd.tile.s32 @!p0 $0x1;
	_ =	shalt  }
.Lfunc_end2:
_tile_overlayer_lowered:
.L_overlay_start_2:
0xac: {  	(tag) =	ssettag $0x2  }
0xad: {  	s0 =	rddreg [dreg:$0x0];
	s2 =	stileid.u32  }
0xae: {  	s1 =	rddreg [dreg:$0x1];
	p0 =	sne.s32 s2, $0x0  }
0xaf: {  	s3 =	rddreg [dreg:$0x2];
	[bflag:$0x3] =	sbarrier.arrive $0xFFFF;
	s2 =	simm.s32 @!p0 $0x1C0B  }
0xb0: {  	[timem:s3], [sflag:s2] =	dma.local @!p0 [hbm:s0], s1  }
0xb1: {  	s0 =	simm.s32 @!p0 $0xB  }
0xb2: {  	_ =	swait.ge @!p0 [sflag:s0], s1  }
0xb3: {  	s1 =	ssub.s32 @!p0 $0x0, s1;
	[sflag:s0] =	ssyncset.done @!p0 $0x0  }
0xb4: {  	[sflag:s0] =	ssyncadd.s32 @!p0 s1  }
0xb5: {  	[bflag:$0x3] =	sbarrier.arrive $0xFFFF  }
0xb6: {  	_ =	shalt  }

</sc_bundles>
